<compile_context>
chip_gen: v7x
topology: tpu7x:2x2x1
jax: 0.10.2.dev20260603
libtpu: 0.0.44.dev20260713+nightly
codegen_flags: <defaults>
</compile_context>

<pallas_src>
import functools

import jax
import jax.numpy as jnp
from jax import lax
from jax.experimental import pallas as pl
from jax.experimental.pallas import tpu as pltpu
from jax.experimental.pallas import tpu_sc as plsc

ETA = 0.01
B, F, S, NS, ND = 4096, 2048, 64, 4096, 128
NC, NSUB, LANES = 2, 16, 16
NGRP = ND // 16
GRP_WORDS = NS * 16
PAD_BASE = 4 * GRP_WORDS
SP_WORDS = PAD_BASE + 2048
ZCHUNK = SP_WORDS // NSUB

EPT = 3328
EPAD = EPT * NSUB
NCH = EPT // 128


def _norm_body(x_ref, o_ref):
    x = x_ref[...]
    o_ref[...] = ETA * jnp.sqrt(jnp.sum(x * x, axis=1, keepdims=True))


_norm_call = pl.pallas_call(
    _norm_body,
    grid=(8,),
    in_specs=[pl.BlockSpec((B // 8, F), lambda i: (i, 0))],
    out_specs=pl.BlockSpec((B // 8, 1), lambda i: (i, 0)),
    out_shape=jax.ShapeDtypeStruct((B, 1), jnp.float32),
)


def _abuild_body(src_hbm, dst_hbm, w_hbm, nd_hbm, out_hbm,
                 src_v, dst_v, w_v, nd_v, idx_v, upd_v, zbuf, a_sp, sc_sem):
    c = lax.axis_index("c")
    s = lax.axis_index("s")

    zero = jnp.zeros((16,), jnp.float32)

    def _zb(i, carry):
        zbuf[pl.ds(i * 16, 16)] = zero
        return carry

    lax.fori_loop(0, ZCHUNK // 16, _zb, 0)
    pltpu.sync_copy(zbuf, a_sp.at[pl.ds(s * ZCHUNK, ZCHUNK)])
    plsc.subcore_barrier()

    base = s * EPT
    pltpu.sync_copy(src_hbm.at[pl.ds(base, EPT)], src_v)
    pltpu.sync_copy(dst_hbm.at[pl.ds(base, EPT)], dst_v)
    pltpu.sync_copy(w_hbm.at[pl.ds(base, EPT)], w_v)
    pltpu.sync_copy(nd_hbm, nd_v)

    lo = c * (ND // NC)
    ndv = nd_v[...]
    iota = lax.iota(jnp.int32, 16)
    pad_slots = PAD_BASE + iota * 16 + s

    def _chunk(r, carry):
        for k in range(8):
            off = r * 128 + k * 16
            sv = src_v[pl.ds(off, 16)]
            dv = dst_v[pl.ds(off, 16)]
            wv = w_v[pl.ds(off, 16)]
            local = sv - lo
            ok = (sv >= lo) & (sv < lo + (ND // NC)) & (sv < ndv)
            flat = (local >> 4) * GRP_WORDS + dv * 16 + (local & 15)
            idx_v[r, pl.ds(k * 16, 16)] = jnp.where(ok, flat, pad_slots)
            upd_v[r, pl.ds(k * 16, 16)] = jnp.where(ok, wv, 0.0)
        pltpu.async_copy(upd_v.at[r], a_sp.at[idx_v.at[r]], sc_sem, add=True)
        return carry

    lax.fori_loop(0, NCH, _chunk, 0)

    def _drain(r, carry):
        pltpu.make_async_copy(upd_v.at[r], a_sp.at[idx_v.at[r]], sc_sem).wait()
        return carry

    lax.fori_loop(0, NCH, _drain, 0)
    plsc.subcore_barrier()

    @pl.when(s < 4)
    def _():
        pltpu.sync_copy(a_sp.at[pl.ds(s * GRP_WORDS, GRP_WORDS)],
                        out_hbm.at[c * 4 + s])


@functools.cache
def _abuild_call():
    return pl.kernel(
        _abuild_body,
        out_type=jax.ShapeDtypeStruct((NGRP, GRP_WORDS), jnp.float32),
        mesh=plsc.VectorSubcoreMesh(core_axis_name="c", subcore_axis_name="s",
                                    num_cores=NC, num_subcores=NSUB),
        compiler_params=pltpu.CompilerParams(needs_layout_passes=False),
        scratch_types=[
            pltpu.VMEM((EPT,), jnp.int32),
            pltpu.VMEM((EPT,), jnp.int32),
            pltpu.VMEM((EPT,), jnp.float32),
            pltpu.VMEM((16,), jnp.int32),
            pltpu.VMEM((NCH, 128), jnp.int32),
            pltpu.VMEM((NCH, 128), jnp.float32),
            pltpu.VMEM((ZCHUNK,), jnp.float32),
            pltpu.VMEM_SHARED((SP_WORDS,), jnp.float32),
            pltpu.SemaphoreType.DMA,
        ],
    )


def _gmm_body(a_hbm, pk_hbm, out_hbm, a_v, pk_v, out_v):
    c = lax.axis_index("c")
    s = lax.axis_index("s")
    wid = s * NC + c
    grp = wid % NGRP
    sb = wid // NGRP

    pltpu.sync_copy(a_hbm.at[grp], a_v)

    def _chunk(k, carry):
        off = sb * 1024 + k * 256
        pltpu.sync_copy(pk_hbm.at[pl.ds(off, 256), :], pk_v)

        def _pair(m, carry2):
            i0 = m * 2
            pk0 = [pk_v[i0, pl.ds(u * 16, 16)] for u in range(4)]
            pk1 = [pk_v[i0 + 1, pl.ds(u * 16, 16)] for u in range(4)]
            a0 = [jnp.zeros((16,), jnp.float32) for _ in range(4)]
            a1 = [jnp.zeros((16,), jnp.float32) for _ in range(4)]
            for j in range(S):
                w0 = pk0[j // 16][j % 16]
                w1 = pk1[j // 16][j % 16]
                r0 = a_v[pl.ds((w0 & 0xFFF) * 16, 16)]
                r1 = a_v[pl.ds((w1 & 0xFFF) * 16, 16)]
                s0 = plsc.bitcast(jnp.full((16,), w0 & -4096, jnp.int32),
                                  jnp.float32)
                s1 = plsc.bitcast(jnp.full((16,), w1 & -4096, jnp.int32),
                                  jnp.float32)
                a0[j % 4] = a0[j % 4] + s0 * r0
                a1[j % 4] = a1[j % 4] + s1 * r1
            out_v[pl.ds(i0 * 16, 16)] = (a0[0] + a0[1]) + (a0[2] + a0[3])
            out_v[pl.ds(i0 * 16 + 16, 16)] = (a1[0] + a1[1]) + (a1[2] + a1[3])
            return carry2

        lax.fori_loop(0, 128, _pair, 0)
        pltpu.sync_copy(out_v, out_hbm.at[grp, pl.ds(off * 16, 4096)])
        return carry

    lax.fori_loop(0, 4, _chunk, 0)


@functools.cache
def _gmm_call():
    return pl.kernel(
        _gmm_body,
        out_type=jax.ShapeDtypeStruct((NGRP, B * 16), jnp.float32),
        mesh=plsc.VectorSubcoreMesh(core_axis_name="c", subcore_axis_name="s",
                                    num_cores=NC, num_subcores=NSUB),
        compiler_params=pltpu.CompilerParams(needs_layout_passes=False),
        scratch_types=[
            pltpu.VMEM((NS * 16,), jnp.float32),
            pltpu.VMEM((256, S), jnp.int32),
            pltpu.VMEM((256 * 16,), jnp.float32),
        ],
    )


def kernel(grad_output_batch, sign_ids, similarities, edge_src, edge_dst,
           edge_weight, num_diseases):
    eta_g = _norm_call(grad_output_batch).reshape(B)

    src = edge_src.astype(jnp.int32)
    dst = edge_dst.astype(jnp.int32)
    w = edge_weight.astype(jnp.float32)
    npad = EPAD - src.shape[0]
    src = jnp.concatenate([src, jnp.zeros((npad,), jnp.int32)])
    dst = jnp.concatenate([dst, jnp.zeros((npad,), jnp.int32)])
    w = jnp.concatenate([w, jnp.zeros((npad,), jnp.float32)])
    nd_arr = jnp.full((16,), num_diseases, jnp.int32)

    a_grouped = _abuild_call()(src, dst, w, nd_arr)

    scaled = similarities * eta_g[:, None]
    sim_bits = jax.lax.bitcast_convert_type(scaled, jnp.int32)
    packed = (sim_bits & -4096) | sign_ids.astype(jnp.int32)

    out_g = _gmm_call()(a_grouped, packed)
    return out_g.reshape(NGRP, B, 16).transpose(1, 0, 2).reshape(B, ND)

# --- scband reference (transcript-rebuilt; emitter-appended) ---
"""Pipeline reference for scband-graph-nudger-72524817760795 (READ-ONLY COPY).

The authoritative reference and input builder live on the scoring server;
editing this copy changes nothing except your own understanding.
"""

import jax, jax.numpy as jnp
import numpy as np

B, F, S, NS, ND, E = 4096, 2048, 64, 4096, 128, 50000
ETA = 0.01

def setup_inputs(seed: int = 0) -> dict:
    key = jax.random.key(seed)
    ks = jax.random.split(key, 6)
    grad_output_batch = jax.random.normal(ks[0], (B, F), dtype=jnp.float32)
    sign_ids = jax.random.randint(ks[1], (B, S), 0, NS, dtype=jnp.int64)
    similarities = jax.random.uniform(ks[2], (B, S), dtype=jnp.float32)
    edge_src = jax.random.randint(ks[3], (E,), 0, ND, dtype=jnp.int64)
    edge_dst = jax.random.randint(ks[4], (E,), 0, NS, dtype=jnp.int64)
    edge_weight = jax.random.uniform(ks[5], (E,), dtype=jnp.float32)
    return {
        'grad_output_batch': grad_output_batch,
        'sign_ids': sign_ids,
        'similarities': similarities,
        'edge_src': edge_src,
        'edge_dst': edge_dst,
        'edge_weight': edge_weight,
        'num_diseases': ND,
    }

def reference(grad_output_batch, sign_ids, similarities, edge_src, edge_dst, edge_weight, num_diseases):
    # g^(i) = ||grad_output_batch[i]||_2
    g = jnp.linalg.norm(grad_output_batch, axis=1)
    batch = grad_output_batch.shape[0]
    # Dense per-sample similarity over sign-node ids: scatter-add sims of found signs.
    sim_dense = jnp.zeros((batch, NS), dtype=jnp.float32)
    sim_dense = sim_dense.at[jnp.arange(batch)[:, None], sign_ids].add(similarities)
    # Disease x Sign edge-weight matrix from 'finding' edges (scatter-add handles duplicates).
    A = jnp.zeros((ND, NS), dtype=jnp.float32)
    valid = (edge_src < num_diseases).astype(jnp.float32)
    A = A.at[edge_src, edge_dst].add(edge_weight * valid)
    # nudges[i, d] = eta * g_i * sum_s A[d, s] * sim_dense[i, s]
    nudges = ETA * g[:, None] * (sim_dense @ A.T)
    return nudges

if __name__ == "__main__":
    import jax
    _d = setup_inputs()
    print(jax.jit(kernel)(*tuple(_d.values())))

</pallas_src>

<mosaic_0001>
#map = affine_map<(d0, d1) -> (0, 0)>
module attributes {stable_mosaic.version = 14 : i64} {
  func.func @_gmm_body(%arg0: i32, %arg1: i32, %arg2: memref<8x65536xf32, #tpu.memory_space<hbm>>, %arg3: memref<4096x64xi32, #tpu.memory_space<hbm>>, %arg4: memref<8x65536xf32, #tpu.memory_space<hbm>>, %arg5: memref<65536xf32, #tpu.memory_space<vmem>>, %arg6: memref<256x64xi32, #tpu.memory_space<vmem>>, %arg7: memref<4096xf32, #tpu.memory_space<vmem>>) attributes {dimension_semantics = [#tpu.dimension_semantics<core_parallel>, #tpu.dimension_semantics<subcore_parallel>], iteration_bounds = array<i64: 2, 16>, scalar_prefetch = 0 : i64, scratch_operands = 3 : i64, tpu.core_type = #tpu.core_type<sc_vector_subcore>, window_params = [{transform_indices = #map}, {transform_indices = #map}, {transform_indices = #map}]} {
    %mul3A = arith.constant 2 : i32
    %mul3A_0 = arith.muli %arg1, %mul3A : i32
    %add3A = arith.addi %mul3A_0, %arg0 : i32
    %jit3A = arith.constant 8 : i32
    %eq3A = arith.constant 0 : i32
    %eq3A_1 = arith.cmpi eq, %jit3A, %eq3A : i32
    %jit3A_2 = arith.constant 1 : i32
    %select_n3A = arith.select %eq3A_1, %jit3A_2, %jit3A : i32
    %rem3A = arith.remsi %add3A, %select_n3A : i32
    %ne3A = arith.constant 0 : i32
    %ne3A_3 = arith.cmpi ne, %rem3A, %ne3A : i32
    %lt3A = arith.constant 0 : i32
    %lt3A_4 = arith.cmpi slt, %rem3A, %lt3A : i32
    %lt3A_5 = arith.constant 0 : i32
    %lt3A_6 = arith.cmpi slt, %select_n3A, %lt3A_5 : i32
    %ne3A_7 = arith.xori %lt3A_4, %lt3A_6 : i1
    %and3A = arith.andi %ne3A_7, %ne3A_3 : i1
    %add3A_8 = arith.addi %rem3A, %select_n3A : i32
    %select_n3A_9 = arith.select %and3A, %add3A_8, %rem3A : i32
    %jit3A_10 = arith.constant 8 : i32
    %div3A = arith.divsi %add3A, %jit3A_10 : i32
    %sign3A = arith.constant 0 : i32
    %sign3A_11 = arith.cmpi sgt, %add3A, %sign3A : i32
    %sign3A_12 = arith.extui %sign3A_11 : i1 to i32
    %sign3A_13 = arith.constant 0 : i32
    %sign3A_14 = arith.cmpi slt, %add3A, %sign3A_13 : i32
    %sign3A_15 = arith.extui %sign3A_14 : i1 to i32
    %sign3A_16 = arith.subi %sign3A_12, %sign3A_15 : i32
    %sign3A_17 = arith.constant 0 : i32
    %sign3A_18 = arith.cmpi sgt, %jit3A_10, %sign3A_17 : i32
    %sign3A_19 = arith.extui %sign3A_18 : i1 to i32
    %sign3A_20 = arith.constant 0 : i32
    %sign3A_21 = arith.cmpi slt, %jit3A_10, %sign3A_20 : i32
    %sign3A_22 = arith.extui %sign3A_21 : i1 to i32
    %sign3A_23 = arith.subi %sign3A_19, %sign3A_22 : i32
    %ne3A_24 = arith.cmpi ne, %sign3A_16, %sign3A_23 : i32
    %rem3A_25 = arith.remsi %add3A, %jit3A_10 : i32
    %ne3A_26 = arith.constant 0 : i32
    %ne3A_27 = arith.cmpi ne, %rem3A_25, %ne3A_26 : i32
    %and3A_28 = arith.andi %ne3A_24, %ne3A_27 : i1
    %sub3A = arith.constant 1 : i32
    %sub3A_29 = arith.subi %div3A, %sub3A : i32
    %select_n3A_30 = arith.select %and3A_28, %sub3A_29, %div3A : i32
    "tpu.region"() ({
      %run_scoped3A = tpu.sem_alloc : memref<!tpu.dma_semaphore, #tpu.memory_space<semaphore_mem>>
      %dma_start3A = arith.constant 0 : i32
      %dma_start3A_36 = tpu.memref_slice %arg2[%select_n3A_9, %dma_start3A] : memref<8x65536xf32, #tpu.memory_space<hbm>> -> memref<1x65536xf32, #tpu.memory_space<hbm>>
      %dma_start3A_37 = tpu.memref_squeeze %dma_start3A_36 : memref<1x65536xf32, #tpu.memory_space<hbm>> -> memref<65536xf32, #tpu.memory_space<hbm>>
      %dma_start3A_38 = arith.constant 0 : i32
      %dma_start3A_39 = tpu.memref_slice %arg2[%select_n3A_9, %dma_start3A_38] : memref<8x65536xf32, #tpu.memory_space<hbm>> -> memref<1x65536xf32, #tpu.memory_space<hbm>>
      %dma_start3A_40 = tpu.memref_squeeze %dma_start3A_39 : memref<1x65536xf32, #tpu.memory_space<hbm>> -> memref<65536xf32, #tpu.memory_space<hbm>>
      tpu.enqueue_dma source(%dma_start3A_40 : memref<65536xf32, #tpu.memory_space<hbm>>) target(%arg5 : memref<65536xf32, #tpu.memory_space<vmem>>) target_semaphore(%run_scoped3A : memref<!tpu.dma_semaphore, #tpu.memory_space<semaphore_mem>>)
      %dma_wait3A = arith.constant 0 : i32
      %dma_wait3A_41 = tpu.memref_slice %arg2[%select_n3A_9, %dma_wait3A] : memref<8x65536xf32, #tpu.memory_space<hbm>> -> memref<1x65536xf32, #tpu.memory_space<hbm>>
      %dma_wait3A_42 = tpu.memref_squeeze %dma_wait3A_41 : memref<1x65536xf32, #tpu.memory_space<hbm>> -> memref<65536xf32, #tpu.memory_space<hbm>>
      %dma_wait3A_43 = arith.constant 0 : i32
      %dma_wait3A_44 = tpu.memref_slice %arg2[%select_n3A_9, %dma_wait3A_43] : memref<8x65536xf32, #tpu.memory_space<hbm>> -> memref<1x65536xf32, #tpu.memory_space<hbm>>
      %dma_wait3A_45 = tpu.memref_squeeze %dma_wait3A_44 : memref<1x65536xf32, #tpu.memory_space<hbm>> -> memref<65536xf32, #tpu.memory_space<hbm>>
      tpu.wait_dma2 semaphore(%run_scoped3A : memref<!tpu.dma_semaphore, #tpu.memory_space<semaphore_mem>>) src(%dma_wait3A_45 : memref<65536xf32, #tpu.memory_space<hbm>>) dst(%arg5 : memref<65536xf32, #tpu.memory_space<vmem>>)
      tpu.yield
    }) : () -> ()
    %scan3A = arith.constant 0 : i32
    %scan3A_31 = arith.constant 0 : i32
    %scan3A_32 = arith.constant 4 : i32
    %scan3A_33 = arith.addi %scan3A_31, %scan3A_32 : i32
    %scan3A_34 = arith.constant 1 : i32
    scf.for %scan3A_36 = %scan3A_31 to %scan3A_33 step %scan3A_34  : i32 {
      %mul3A_37 = arith.constant 1024 : i32
      %mul3A_38 = arith.muli %select_n3A_30, %mul3A_37 : i32
      %mul3A_39 = arith.constant 256 : i32
      %mul3A_40 = arith.muli %scan3A_36, %mul3A_39 : i32
      %add3A_41 = arith.addi %mul3A_38, %mul3A_40 : i32
      "tpu.region"() ({
        %run_scoped3A = tpu.sem_alloc : memref<!tpu.dma_semaphore, #tpu.memory_space<semaphore_mem>>
        %dma_start3A = arith.constant 0 : i32
        %dma_start3A_50 = tpu.memref_slice %arg3[%add3A_41, %dma_start3A] : memref<4096x64xi32, #tpu.memory_space<hbm>> -> memref<256x64xi32, #tpu.memory_space<hbm>>
        %dma_start3A_51 = arith.constant 0 : i32
        %dma_start3A_52 = tpu.memref_slice %arg3[%add3A_41, %dma_start3A_51] : memref<4096x64xi32, #tpu.memory_space<hbm>> -> memref<256x64xi32, #tpu.memory_space<hbm>>
        tpu.enqueue_dma source(%dma_start3A_52 : memref<256x64xi32, #tpu.memory_space<hbm>>) target(%arg6 : memref<256x64xi32, #tpu.memory_space<vmem>>) target_semaphore(%run_scoped3A : memref<!tpu.dma_semaphore, #tpu.memory_space<semaphore_mem>>)
        %dma_wait3A = arith.constant 0 : i32
        %dma_wait3A_53 = tpu.memref_slice %arg3[%add3A_41, %dma_wait3A] : memref<4096x64xi32, #tpu.memory_space<hbm>> -> memref<256x64xi32, #tpu.memory_space<hbm>>
        %dma_wait3A_54 = arith.constant 0 : i32
        %dma_wait3A_55 = tpu.memref_slice %arg3[%add3A_41, %dma_wait3A_54] : memref<4096x64xi32, #tpu.memory_space<hbm>> -> memref<256x64xi32, #tpu.memory_space<hbm>>
        tpu.wait_dma2 semaphore(%run_scoped3A : memref<!tpu.dma_semaphore, #tpu.memory_space<semaphore_mem>>) src(%dma_wait3A_55 : memref<256x64xi32, #tpu.memory_space<hbm>>) dst(%arg6 : memref<256x64xi32, #tpu.memory_space<vmem>>)
        tpu.yield
      }) : () -> ()
      %scan3A_42 = arith.constant 0 : i32
      %scan3A_43 = arith.constant 0 : i32
      %scan3A_44 = arith.constant 128 : i32
      %scan3A_45 = arith.addi %scan3A_43, %scan3A_44 : i32
      %scan3A_46 = arith.constant 1 : i32
      scf.for %scan3A_50 = %scan3A_43 to %scan3A_45 step %scan3A_46  : i32 {
        %mul3A_51 = arith.constant 2 : i32
        %mul3A_52 = arith.muli %scan3A_50, %mul3A_51 : i32
        %get3A = arith.index_cast %mul3A_52 : i32 to index
        %get3A_53 = arith.constant 0 : index
        %get3A_54 = tpu.vector_load %arg6[%get3A, %get3A_53] {strides = array<i32>} : memref<256x64xi32, #tpu.memory_space<vmem>>, vector<16xi32>,
        %get3A_55 = arith.index_cast %mul3A_52 : i32 to index
        %get3A_56 = arith.constant 16 : index
        %get3A_57 = tpu.vector_load %arg6[%get3A_55, %get3A_56] {strides = array<i32>} : memref<256x64xi32, #tpu.memory_space<vmem>>, vector<16xi32>,
        %get3A_58 = arith.index_cast %mul3A_52 : i32 to index
        %get3A_59 = arith.constant 32 : index
        %get3A_60 = tpu.vector_load %arg6[%get3A_58, %get3A_59] {strides = array<i32>} : memref<256x64xi32, #tpu.memory_space<vmem>>, vector<16xi32>,
        %get3A_61 = arith.index_cast %mul3A_52 : i32 to index
        %get3A_62 = arith.constant 48 : index
        %get3A_63 = tpu.vector_load %arg6[%get3A_61, %get3A_62] {strides = array<i32>} : memref<256x64xi32, #tpu.memory_space<vmem>>, vector<16xi32>,
        %add3A_64 = arith.constant 1 : i32
        %add3A_65 = arith.addi %mul3A_52, %add3A_64 : i32
        %get3A_66 = arith.index_cast %add3A_65 : i32 to index
        %get3A_67 = arith.constant 0 : index
        %get3A_68 = tpu.vector_load %arg6[%get3A_66, %get3A_67] {strides = array<i32>} : memref<256x64xi32, #tpu.memory_space<vmem>>, vector<16xi32>,
        %add3A_69 = arith.constant 1 : i32
        %add3A_70 = arith.addi %mul3A_52, %add3A_69 : i32
        %get3A_71 = arith.index_cast %add3A_70 : i32 to index
        %get3A_72 = arith.constant 16 : index
        %get3A_73 = tpu.vector_load %arg6[%get3A_71, %get3A_72] {strides = array<i32>} : memref<256x64xi32, #tpu.memory_space<vmem>>, vector<16xi32>,
        %add3A_74 = arith.constant 1 : i32
        %add3A_75 = arith.addi %mul3A_52, %add3A_74 : i32
        %get3A_76 = arith.index_cast %add3A_75 : i32 to index
        %get3A_77 = arith.constant 32 : index
        %get3A_78 = tpu.vector_load %arg6[%get3A_76, %get3A_77] {strides = array<i32>} : memref<256x64xi32, #tpu.memory_space<vmem>>, vector<16xi32>,
        %add3A_79 = arith.constant 1 : i32
        %add3A_80 = arith.addi %mul3A_52, %add3A_79 : i32
        %get3A_81 = arith.index_cast %add3A_80 : i32 to index
        %get3A_82 = arith.constant 48 : index
        %get3A_83 = tpu.vector_load %arg6[%get3A_81, %get3A_82] {strides = array<i32>} : memref<256x64xi32, #tpu.memory_space<vmem>>, vector<16xi32>,
        %broadcast_in_dim3A = arith.constant 0.000000e+00 : f32
        %broadcast_in_dim3A_84 = vector.broadcast %broadcast_in_dim3A : f32 to vector<16xf32>
        %broadcast_in_dim3A_85 = arith.constant 0.000000e+00 : f32
        %broadcast_in_dim3A_86 = vector.broadcast %broadcast_in_dim3A_85 : f32 to vector<16xf32>
        %broadcast_in_dim3A_87 = arith.constant 0.000000e+00 : f32
        %broadcast_in_dim3A_88 = vector.broadcast %broadcast_in_dim3A_87 : f32 to vector<16xf32>
        %broadcast_in_dim3A_89 = arith.constant 0.000000e+00 : f32
        %broadcast_in_dim3A_90 = vector.broadcast %broadcast_in_dim3A_89 : f32 to vector<16xf32>
        %broadcast_in_dim3A_91 = arith.constant 0.000000e+00 : f32
        %broadcast_in_dim3A_92 = vector.broadcast %broadcast_in_dim3A_91 : f32 to vector<16xf32>
        %broadcast_in_dim3A_93 = arith.constant 0.000000e+00 : f32
        %broadcast_in_dim3A_94 = vector.broadcast %broadcast_in_dim3A_93 : f32 to vector<16xf32>
        %broadcast_in_dim3A_95 = arith.constant 0.000000e+00 : f32
        %broadcast_in_dim3A_96 = vector.broadcast %broadcast_in_dim3A_95 : f32 to vector<16xf32>
        %broadcast_in_dim3A_97 = arith.constant 0.000000e+00 : f32
        %broadcast_in_dim3A_98 = vector.broadcast %broadcast_in_dim3A_97 : f32 to vector<16xf32>
        %slice3A = vector.extract_strided_slice %get3A_54 {offsets = [0], sizes = [1], strides = [1]} : vector<16xi32> to vector<1xi32>
        %squeeze3A = vector.extract %slice3A[0] : i32 from vector<1xi32>
        %slice3A_99 = vector.extract_strided_slice %get3A_68 {offsets = [0], sizes = [1], strides = [1]} : vector<16xi32> to vector<1xi32>
        %squeeze3A_100 = vector.extract %slice3A_99[0] : i32 from vector<1xi32>
        %and3A_101 = arith.constant 4095 : i32
        %and3A_102 = arith.andi %squeeze3A, %and3A_101 : i32
        %mul3A_103 = arith.constant 16 : i32
        %mul3A_104 = arith.muli %and3A_102, %mul3A_103 : i32
        %get3A_105 = arith.index_cast %mul3A_104 : i32 to index
        %get3A_106 = tpu.vector_load %arg5[%get3A_105] {strides = array<i32>} : memref<65536xf32, #tpu.memory_space<vmem>>, vector<16xf32>,
        %and3A_107 = arith.constant 4095 : i32
        %and3A_108 = arith.andi %squeeze3A_100, %and3A_107 : i32
        %mul3A_109 = arith.constant 16 : i32
        %mul3A_110 = arith.muli %and3A_108, %mul3A_109 : i32
        %get3A_111 = arith.index_cast %mul3A_110 : i32 to index
        %get3A_112 = tpu.vector_load %arg5[%get3A_111] {strides = array<i32>} : memref<65536xf32, #tpu.memory_space<vmem>>, vector<16xf32>,
        %and3A_113 = arith.constant -4096 : i32
        %and3A_114 = arith.andi %squeeze3A, %and3A_113 : i32
        %broadcast_in_dim3A_115 = vector.broadcast %and3A_114 : i32 to vector<16xi32>
        %bitcast3A = vector.bitcast %broadcast_in_dim3A_115 : vector<16xi32> to vector<16xf32>
        %and3A_116 = arith.constant -4096 : i32
        %and3A_117 = arith.andi %squeeze3A_100, %and3A_116 : i32
        %broadcast_in_dim3A_118 = vector.broadcast %and3A_117 : i32 to vector<16xi32>
        %bitcast3A_119 = vector.bitcast %broadcast_in_dim3A_118 : vector<16xi32> to vector<16xf32>
        %mul3A_120 = arith.mulf %bitcast3A, %get3A_106 : vector<16xf32>
        %add3A_121 = arith.addf %broadcast_in_dim3A_84, %mul3A_120 : vector<16xf32>
        %mul3A_122 = arith.mulf %bitcast3A_119, %get3A_112 : vector<16xf32>
        %add3A_123 = arith.addf %broadcast_in_dim3A_92, %mul3A_122 : vector<16xf32>
        %slice3A_124 = vector.extract_strided_slice %get3A_54 {offsets = [1], sizes = [1], strides = [1]} : vector<16xi32> to vector<1xi32>
        %squeeze3A_125 = vector.extract %slice3A_124[0] : i32 from vector<1xi32>
        %slice3A_126 = vector.extract_strided_slice %get3A_68 {offsets = [1], sizes = [1], strides = [1]} : vector<16xi32> to vector<1xi32>
        %squeeze3A_127 = vector.extract %slice3A_126[0] : i32 from vector<1xi32>
        %and3A_128 = arith.constant 4095 : i32
        %and3A_129 = arith.andi %squeeze3A_125, %and3A_128 : i32
        %mul3A_130 = arith.constant 16 : i32
        %mul3A_131 = arith.muli %and3A_129, %mul3A_130 : i32
        %get3A_132 = arith.index_cast %mul3A_131 : i32 to index
        %get3A_133 = tpu.vector_load %arg5[%get3A_132] {strides = array<i32>} : memref<65536xf32, #tpu.memory_space<vmem>>, vector<16xf32>,
        %and3A_134 = arith.constant 4095 : i32
        %and3A_135 = arith.andi %squeeze3A_127, %and3A_134 : i32
        %mul3A_136 = arith.constant 16 : i32
        %mul3A_137 = arith.muli %and3A_135, %mul3A_136 : i32
        %get3A_138 = arith.index_cast %mul3A_137 : i32 to index
        %get3A_139 = tpu.vector_load %arg5[%get3A_138] {strides = array<i32>} : memref<65536xf32, #tpu.memory_space<vmem>>, vector<16xf32>,
        %and3A_140 = arith.constant -4096 : i32
        %and3A_141 = arith.andi %squeeze3A_125, %and3A_140 : i32
        %broadcast_in_dim3A_142 = vector.broadcast %and3A_141 : i32 to vector<16xi32>
        %bitcast3A_143 = vector.bitcast %broadcast_in_dim3A_142 : vector<16xi32> to vector<16xf32>
        %and3A_144 = arith.constant -4096 : i32
        %and3A_145 = arith.andi %squeeze3A_127, %and3A_144 : i32
        %broadcast_in_dim3A_146 = vector.broadcast %and3A_145 : i32 to vector<16xi32>
        %bitcast3A_147 = vector.bitcast %broadcast_in_dim3A_146 : vector<16xi32> to vector<16xf32>
        %mul3A_148 = arith.mulf %bitcast3A_143, %get3A_133 : vector<16xf32>
        %add3A_149 = arith.addf %broadcast_in_dim3A_86, %mul3A_148 : vector<16xf32>
        %mul3A_150 = arith.mulf %bitcast3A_147, %get3A_139 : vector<16xf32>
        %add3A_151 = arith.addf %broadcast_in_dim3A_94, %mul3A_150 : vector<16xf32>
        %slice3A_152 = vector.extract_strided_slice %get3A_54 {offsets = [2], sizes = [1], strides = [1]} : vector<16xi32> to vector<1xi32>
        %squeeze3A_153 = vector.extract %slice3A_152[0] : i32 from vector<1xi32>
        %slice3A_154 = vector.extract_strided_slice %get3A_68 {offsets = [2], sizes = [1], strides = [1]} : vector<16xi32> to vector<1xi32>
        %squeeze3A_155 = vector.extract %slice3A_154[0] : i32 from vector<1xi32>
        %and3A_156 = arith.constant 4095 : i32
        %and3A_157 = arith.andi %squeeze3A_153, %and3A_156 : i32
        %mul3A_158 = arith.constant 16 : i32
        %mul3A_159 = arith.muli %and3A_157, %mul3A_158 : i32
        %get3A_160 = arith.index_cast %mul3A_159 : i32 to index
        %get3A_161 = tpu.vector_load %arg5[%get3A_160] {strides = array<i32>} : memref<65536xf32, #tpu.memory_space<vmem>>, vector<16xf32>,
        %and3A_162 = arith.constant 4095 : i32
        %and3A_163 = arith.andi %squeeze3A_155, %and3A_162 : i32
        %mul3A_164 = arith.constant 16 : i32
        %mul3A_165 = arith.muli %and3A_163, %mul3A_164 : i32
        %get3A_166 = arith.index_cast %mul3A_165 : i32 to index
        %get3A_167 = tpu.vector_load %arg5[%get3A_166] {strides = array<i32>} : memref<65536xf32, #tpu.memory_space<vmem>>, vector<16xf32>,
        %and3A_168 = arith.constant -4096 : i32
        %and3A_169 = arith.andi %squeeze3A_153, %and3A_168 : i32
        %broadcast_in_dim3A_170 = vector.broadcast %and3A_169 : i32 to vector<16xi32>
        %bitcast3A_171 = vector.bitcast %broadcast_in_dim3A_170 : vector<16xi32> to vector<16xf32>
        %and3A_172 = arith.constant -4096 : i32
        %and3A_173 = arith.andi %squeeze3A_155, %and3A_172 : i32
        %broadcast_in_dim3A_174 = vector.broadcast %and3A_173 : i32 to vector<16xi32>
        %bitcast3A_175 = vector.bitcast %broadcast_in_dim3A_174 : vector<16xi32> to vector<16xf32>
        %mul3A_176 = arith.mulf %bitcast3A_171, %get3A_161 : vector<16xf32>
        %add3A_177 = arith.addf %broadcast_in_dim3A_88, %mul3A_176 : vector<16xf32>
        %mul3A_178 = arith.mulf %bitcast3A_175, %get3A_167 : vector<16xf32>
        %add3A_179 = arith.addf %broadcast_in_dim3A_96, %mul3A_178 : vector<16xf32>
        %slice3A_180 = vector.extract_strided_slice %get3A_54 {offsets = [3], sizes = [1], strides = [1]} : vector<16xi32> to vector<1xi32>
        %squeeze3A_181 = vector.extract %slice3A_180[0] : i32 from vector<1xi32>
        %slice3A_182 = vector.extract_strided_slice %get3A_68 {offsets = [3], sizes = [1], strides = [1]} : vector<16xi32> to vector<1xi32>
        %squeeze3A_183 = vector.extract %slice3A_182[0] : i32 from vector<1xi32>
        %and3A_184 = arith.constant 4095 : i32
        %and3A_185 = arith.andi %squeeze3A_181, %and3A_184 : i32
        %mul3A_186 = arith.constant 16 : i32
        %mul3A_187 = arith.muli %and3A_185, %mul3A_186 : i32
        %get3A_188 = arith.index_cast %mul3A_187 : i32 to index
        %get3A_189 = tpu.vector_load %arg5[%get3A_188] {strides = array<i32>} : memref<65536xf32, #tpu.memory_space<vmem>>, vector<16xf32>,
        %and3A_190 = arith.constant 4095 : i32
        %and3A_191 = arith.andi %squeeze3A_183, %and3A_190 : i32
        %mul3A_192 = arith.constant 16 : i32
        %mul3A_193 = arith.muli %and3A_191, %mul3A_192 : i32
        %get3A_194 = arith.index_cast %mul3A_193 : i32 to index
        %get3A_195 = tpu.vector_load %arg5[%get3A_194] {strides = array<i32>} : memref<65536xf32, #tpu.memory_space<vmem>>, vector<16xf32>,
        %and3A_196 = arith.constant -4096 : i32
        %and3A_197 = arith.andi %squeeze3A_181, %and3A_196 : i32
        %broadcast_in_dim3A_198 = vector.broadcast %and3A_197 : i32 to vector<16xi32>
        %bitcast3A_199 = vector.bitcast %broadcast_in_dim3A_198 : vector<16xi32> to vector<16xf32>
        %and3A_200 = arith.constant -4096 : i32
        %and3A_201 = arith.andi %squeeze3A_183, %and3A_200 : i32
        %broadcast_in_dim3A_202 = vector.broadcast %and3A_201 : i32 to vector<16xi32>
        %bitcast3A_203 = vector.bitcast %broadcast_in_dim3A_202 : vector<16xi32> to vector<16xf32>
        %mul3A_204 = arith.mulf %bitcast3A_199, %get3A_189 : vector<16xf32>
        %add3A_205 = arith.addf %broadcast_in_dim3A_90, %mul3A_204 : vector<16xf32>
        %mul3A_206 = arith.mulf %bitcast3A_203, %get3A_195 : vector<16xf32>
        %add3A_207 = arith.addf %broadcast_in_dim3A_98, %mul3A_206 : vector<16xf32>
        %slice3A_208 = vector.extract_strided_slice %get3A_54 {offsets = [4], sizes = [1], strides = [1]} : vector<16xi32> to vector<1xi32>
        %squeeze3A_209 = vector.extract %slice3A_208[0] : i32 from vector<1xi32>
        %slice3A_210 = vector.extract_strided_slice %get3A_68 {offsets = [4], sizes = [1], strides = [1]} : vector<16xi32> to vector<1xi32>
        %squeeze3A_211 = vector.extract %slice3A_210[0] : i32 from vector<1xi32>
        %and3A_212 = arith.constant 4095 : i32
        %and3A_213 = arith.andi %squeeze3A_209, %and3A_212 : i32
        %mul3A_214 = arith.constant 16 : i32
        %mul3A_215 = arith.muli %and3A_213, %mul3A_214 : i32
        %get3A_216 = arith.index_cast %mul3A_215 : i32 to index
        %get3A_217 = tpu.vector_load %arg5[%get3A_216] {strides = array<i32>} : memref<65536xf32, #tpu.memory_space<vmem>>, vector<16xf32>,
        %and3A_218 = arith.constant 4095 : i32
        %and3A_219 = arith.andi %squeeze3A_211, %and3A_218 : i32
        %mul3A_220 = arith.constant 16 : i32
        %mul3A_221 = arith.muli %and3A_219, %mul3A_220 : i32
        %get3A_222 = arith.index_cast %mul3A_221 : i32 to index
        %get3A_223 = tpu.vector_load %arg5[%get3A_222] {strides = array<i32>} : memref<65536xf32, #tpu.memory_space<vmem>>, vector<16xf32>,
        %and3A_224 = arith.constant -4096 : i32
        %and3A_225 = arith.andi %squeeze3A_209, %and3A_224 : i32
        %broadcast_in_dim3A_226 = vector.broadcast %and3A_225 : i32 to vector<16xi32>
        %bitcast3A_227 = vector.bitcast %broadcast_in_dim3A_226 : vector<16xi32> to vector<16xf32>
        %and3A_228 = arith.constant -4096 : i32
        %and3A_229 = arith.andi %squeeze3A_211, %and3A_228 : i32
        %broadcast_in_dim3A_230 = vector.broadcast %and3A_229 : i32 to vector<16xi32>
        %bitcast3A_231 = vector.bitcast %broadcast_in_dim3A_230 : vector<16xi32> to vector<16xf32>
        %mul3A_232 = arith.mulf %bitcast3A_227, %get3A_217 : vector<16xf32>
        %add3A_233 = arith.addf %add3A_121, %mul3A_232 : vector<16xf32>
        %mul3A_234 = arith.mulf %bitcast3A_231, %get3A_223 : vector<16xf32>
        %add3A_235 = arith.addf %add3A_123, %mul3A_234 : vector<16xf32>
        %slice3A_236 = vector.extract_strided_slice %get3A_54 {offsets = [5], sizes = [1], strides = [1]} : vector<16xi32> to vector<1xi32>
        %squeeze3A_237 = vector.extract %slice3A_236[0] : i32 from vector<1xi32>
        %slice3A_238 = vector.extract_strided_slice %get3A_68 {offsets = [5], sizes = [1], strides = [1]} : vector<16xi32> to vector<1xi32>
        %squeeze3A_239 = vector.extract %slice3A_238[0] : i32 from vector<1xi32>
        %and3A_240 = arith.constant 4095 : i32
        %and3A_241 = arith.andi %squeeze3A_237, %and3A_240 : i32
        %mul3A_242 = arith.constant 16 : i32
        %mul3A_243 = arith.muli %and3A_241, %mul3A_242 : i32
        %get3A_244 = arith.index_cast %mul3A_243 : i32 to index
        %get3A_245 = tpu.vector_load %arg5[%get3A_244] {strides = array<i32>} : memref<65536xf32, #tpu.memory_space<vmem>>, vector<16xf32>,
        %and3A_246 = arith.constant 4095 : i32
        %and3A_247 = arith.andi %squeeze3A_239, %and3A_246 : i32
        %mul3A_248 = arith.constant 16 : i32
        %mul3A_249 = arith.muli %and3A_247, %mul3A_248 : i32
        %get3A_250 = arith.index_cast %mul3A_249 : i32 to index
        %get3A_251 = tpu.vector_load %arg5[%get3A_250] {strides = array<i32>} : memref<65536xf32, #tpu.memory_space<vmem>>, vector<16xf32>,
        %and3A_252 = arith.constant -4096 : i32
        %and3A_253 = arith.andi %squeeze3A_237, %and3A_252 : i32
        %broadcast_in_dim3A_254 = vector.broadcast %and3A_253 : i32 to vector<16xi32>
        %bitcast3A_255 = vector.bitcast %broadcast_in_dim3A_254 : vector<16xi32> to vector<16xf32>
        %and3A_256 = arith.constant -4096 : i32
        %and3A_257 = arith.andi %squeeze3A_239, %and3A_256 : i32
        %broadcast_in_dim3A_258 = vector.broadcast %and3A_257 : i32 to vector<16xi32>
        %bitcast3A_259 = vector.bitcast %broadcast_in_dim3A_258 : vector<16xi32> to vector<16xf32>
        %mul3A_260 = arith.mulf %bitcast3A_255, %get3A_245 : vector<16xf32>
        %add3A_261 = arith.addf %add3A_149, %mul3A_260 : vector<16xf32>
        %mul3A_262 = arith.mulf %bitcast3A_259, %get3A_251 : vector<16xf32>
        %add3A_263 = arith.addf %add3A_151, %mul3A_262 : vector<16xf32>
        %slice3A_264 = vector.extract_strided_slice %get3A_54 {offsets = [6], sizes = [1], strides = [1]} : vector<16xi32> to vector<1xi32>
        %squeeze3A_265 = vector.extract %slice3A_264[0] : i32 from vector<1xi32>
        %slice3A_266 = vector.extract_strided_slice %get3A_68 {offsets = [6], sizes = [1], strides = [1]} : vector<16xi32> to vector<1xi32>
        %squeeze3A_267 = vector.extract %slice3A_266[0] : i32 from vector<1xi32>
        %and3A_268 = arith.constant 4095 : i32
        %and3A_269 = arith.andi %squeeze3A_265, %and3A_268 : i32
        %mul3A_270 = arith.constant 16 : i32
        %mul3A_271 = arith.muli %and3A_269, %mul3A_270 : i32
        %get3A_272 = arith.index_cast %mul3A_271 : i32 to index
        %get3A_273 = tpu.vector_load %arg5[%get3A_272] {strides = array<i32>} : memref<65536xf32, #tpu.memory_space<vmem>>, vector<16xf32>,
        %and3A_274 = arith.constant 4095 : i32
        %and3A_275 = arith.andi %squeeze3A_267, %and3A_274 : i32
        %mul3A_276 = arith.constant 16 : i32
        %mul3A_277 = arith.muli %and3A_275, %mul3A_276 : i32
        %get3A_278 = arith.index_cast %mul3A_277 : i32 to index
        %get3A_279 = tpu.vector_load %arg5[%get3A_278] {strides = array<i32>} : memref<65536xf32, #tpu.memory_space<vmem>>, vector<16xf32>,
        %and3A_280 = arith.constant -4096 : i32
        %and3A_281 = arith.andi %squeeze3A_265, %and3A_280 : i32
        %broadcast_in_dim3A_282 = vector.broadcast %and3A_281 : i32 to vector<16xi32>
        %bitcast3A_283 = vector.bitcast %broadcast_in_dim3A_282 : vector<16xi32> to vector<16xf32>
        %and3A_284 = arith.constant -4096 : i32
        %and3A_285 = arith.andi %squeeze3A_267, %and3A_284 : i32
        %broadcast_in_dim3A_286 = vector.broadcast %and3A_285 : i32 to vector<16xi32>
        %bitcast3A_287 = vector.bitcast %broadcast_in_dim3A_286 : vector<16xi32> to vector<16xf32>
        %mul3A_288 = arith.mulf %bitcast3A_283, %get3A_273 : vector<16xf32>
        %add3A_289 = arith.addf %add3A_177, %mul3A_288 : vector<16xf32>
        %mul3A_290 = arith.mulf %bitcast3A_287, %get3A_279 : vector<16xf32>
        %add3A_291 = arith.addf %add3A_179, %mul3A_290 : vector<16xf32>
        %slice3A_292 = vector.extract_strided_slice %get3A_54 {offsets = [7], sizes = [1], strides = [1]} : vector<16xi32> to vector<1xi32>
        %squeeze3A_293 = vector.extract %slice3A_292[0] : i32 from vector<1xi32>
        %slice3A_294 = vector.extract_strided_slice %get3A_68 {offsets = [7], sizes = [1], strides = [1]} : vector<16xi32> to vector<1xi32>
        %squeeze3A_295 = vector.extract %slice3A_294[0] : i32 from vector<1xi32>
        %and3A_296 = arith.constant 4095 : i32
        %and3A_297 = arith.andi %squeeze3A_293, %and3A_296 : i32
        %mul3A_298 = arith.constant 16 : i32
        %mul3A_299 = arith.muli %and3A_297, %mul3A_298 : i32
        %get3A_300 = arith.index_cast %mul3A_299 : i32 to index
        %get3A_301 = tpu.vector_load %arg5[%get3A_300] {strides = array<i32>} : memref<65536xf32, #tpu.memory_space<vmem>>, vector<16xf32>,
        %and3A_302 = arith.constant 4095 : i32
        %and3A_303 = arith.andi %squeeze3A_295, %and3A_302 : i32
        %mul3A_304 = arith.constant 16 : i32
        %mul3A_305 = arith.muli %and3A_303, %mul3A_304 : i32
        %get3A_306 = arith.index_cast %mul3A_305 : i32 to index
        %get3A_307 = tpu.vector_load %arg5[%get3A_306] {strides = array<i32>} : memref<65536xf32, #tpu.memory_space<vmem>>, vector<16xf32>,
        %and3A_308 = arith.constant -4096 : i32
        %and3A_309 = arith.andi %squeeze3A_293, %and3A_308 : i32
        %broadcast_in_dim3A_310 = vector.broadcast %and3A_309 : i32 to vector<16xi32>
        %bitcast3A_311 = vector.bitcast %broadcast_in_dim3A_310 : vector<16xi32> to vector<16xf32>
        %and3A_312 = arith.constant -4096 : i32
        %and3A_313 = arith.andi %squeeze3A_295, %and3A_312 : i32
        %broadcast_in_dim3A_314 = vector.broadcast %and3A_313 : i32 to vector<16xi32>
        %bitcast3A_315 = vector.bitcast %broadcast_in_dim3A_314 : vector<16xi32> to vector<16xf32>
        %mul3A_316 = arith.mulf %bitcast3A_311, %get3A_301 : vector<16xf32>
        %add3A_317 = arith.addf %add3A_205, %mul3A_316 : vector<16xf32>
        %mul3A_318 = arith.mulf %bitcast3A_315, %get3A_307 : vector<16xf32>
        %add3A_319 = arith.addf %add3A_207, %mul3A_318 : vector<16xf32>
        %slice3A_320 = vector.extract_strided_slice %get3A_54 {offsets = [8], sizes = [1], strides = [1]} : vector<16xi32> to vector<1xi32>
        %squeeze3A_321 = vector.extract %slice3A_320[0] : i32 from vector<1xi32>
        %slice3A_322 = vector.extract_strided_slice %get3A_68 {offsets = [8], sizes = [1], strides = [1]} : vector<16xi32> to vector<1xi32>
        %squeeze3A_323 = vector.extract %slice3A_322[0] : i32 from vector<1xi32>
        %and3A_324 = arith.constant 4095 : i32
        %and3A_325 = arith.andi %squeeze3A_321, %and3A_324 : i32
        %mul3A_326 = arith.constant 16 : i32
        %mul3A_327 = arith.muli %and3A_325, %mul3A_326 : i32
        %get3A_328 = arith.index_cast %mul3A_327 : i32 to index
        %get3A_329 = tpu.vector_load %arg5[%get3A_328] {strides = array<i32>} : memref<65536xf32, #tpu.memory_space<vmem>>, vector<16xf32>,
        %and3A_330 = arith.constant 4095 : i32
        %and3A_331 = arith.andi %squeeze3A_323, %and3A_330 : i32
        %mul3A_332 = arith.constant 16 : i32
        %mul3A_333 = arith.muli %and3A_331, %mul3A_332 : i32
        %get3A_334 = arith.index_cast %mul3A_333 : i32 to index
        %get3A_335 = tpu.vector_load %arg5[%get3A_334] {strides = array<i32>} : memref<65536xf32, #tpu.memory_space<vmem>>, vector<16xf32>,
        %and3A_336 = arith.constant -4096 : i32
        %and3A_337 = arith.andi %squeeze3A_321, %and3A_336 : i32
        %broadcast_in_dim3A_338 = vector.broadcast %and3A_337 : i32 to vector<16xi32>
        %bitcast3A_339 = vector.bitcast %broadcast_in_dim3A_338 : vector<16xi32> to vector<16xf32>
        %and3A_340 = arith.constant -4096 : i32
        %and3A_341 = arith.andi %squeeze3A_323, %and3A_340 : i32
        %broadcast_in_dim3A_342 = vector.broadcast %and3A_341 : i32 to vector<16xi32>
        %bitcast3A_343 = vector.bitcast %broadcast_in_dim3A_342 : vector<16xi32> to vector<16xf32>
        %mul3A_344 = arith.mulf %bitcast3A_339, %get3A_329 : vector<16xf32>
        %add3A_345 = arith.addf %add3A_233, %mul3A_344 : vector<16xf32>
        %mul3A_346 = arith.mulf %bitcast3A_343, %get3A_335 : vector<16xf32>
        %add3A_347 = arith.addf %add3A_235, %mul3A_346 : vector<16xf32>
        %slice3A_348 = vector.extract_strided_slice %get3A_54 {offsets = [9], sizes = [1], strides = [1]} : vector<16xi32> to vector<1xi32>
        %squeeze3A_349 = vector.extract %slice3A_348[0] : i32 from vector<1xi32>
        %slice3A_350 = vector.extract_strided_slice %get3A_68 {offsets = [9], sizes = [1], strides = [1]} : vector<16xi32> to vector<1xi32>
        %squeeze3A_351 = vector.extract %slice3A_350[0] : i32 from vector<1xi32>
        %and3A_352 = arith.constant 4095 : i32
        %and3A_353 = arith.andi %squeeze3A_349, %and3A_352 : i32
        %mul3A_354 = arith.constant 16 : i32
        %mul3A_355 = arith.muli %and3A_353, %mul3A_354 : i32
        %get3A_356 = arith.index_cast %mul3A_355 : i32 to index
        %get3A_357 = tpu.vector_load %arg5[%get3A_356] {strides = array<i32>} : memref<65536xf32, #tpu.memory_space<vmem>>, vector<16xf32>,
        %and3A_358 = arith.constant 4095 : i32
        %and3A_359 = arith.andi %squeeze3A_351, %and3A_358 : i32
        %mul3A_360 = arith.constant 16 : i32
        %mul3A_361 = arith.muli %and3A_359, %mul3A_360 : i32
        %get3A_362 = arith.index_cast %mul3A_361 : i32 to index
        %get3A_363 = tpu.vector_load %arg5[%get3A_362] {strides = array<i32>} : memref<65536xf32, #tpu.memory_space<vmem>>, vector<16xf32>,
        %and3A_364 = arith.constant -4096 : i32
        %and3A_365 = arith.andi %squeeze3A_349, %and3A_364 : i32
        %broadcast_in_dim3A_366 = vector.broadcast %and3A_365 : i32 to vector<16xi32>
        %bitcast3A_367 = vector.bitcast %broadcast_in_dim3A_366 : vector<16xi32> to vector<16xf32>
        %and3A_368 = arith.constant -4096 : i32
        %and3A_369 = arith.andi %squeeze3A_351, %and3A_368 : i32
        %broadcast_in_dim3A_370 = vector.broadcast %and3A_369 : i32 to vector<16xi32>
        %bitcast3A_371 = vector.bitcast %broadcast_in_dim3A_370 : vector<16xi32> to vector<16xf32>
        %mul3A_372 = arith.mulf %bitcast3A_367, %get3A_357 : vector<16xf32>
        %add3A_373 = arith.addf %add3A_261, %mul3A_372 : vector<16xf32>
        %mul3A_374 = arith.mulf %bitcast3A_371, %get3A_363 : vector<16xf32>
        %add3A_375 = arith.addf %add3A_263, %mul3A_374 : vector<16xf32>
        %slice3A_376 = vector.extract_strided_slice %get3A_54 {offsets = [10], sizes = [1], strides = [1]} : vector<16xi32> to vector<1xi32>
        %squeeze3A_377 = vector.extract %slice3A_376[0] : i32 from vector<1xi32>
        %slice3A_378 = vector.extract_strided_slice %get3A_68 {offsets = [10], sizes = [1], strides = [1]} : vector<16xi32> to vector<1xi32>
        %squeeze3A_379 = vector.extract %slice3A_378[0] : i32 from vector<1xi32>
        %and3A_380 = arith.constant 4095 : i32
        %and3A_381 = arith.andi %squeeze3A_377, %and3A_380 : i32
        %mul3A_382 = arith.constant 16 : i32
        %mul3A_383 = arith.muli %and3A_381, %mul3A_382 : i32
        %get3A_384 = arith.index_cast %mul3A_383 : i32 to index
        %get3A_385 = tpu.vector_load %arg5[%get3A_384] {strides = array<i32>} : memref<65536xf32, #tpu.memory_space<vmem>>, vector<16xf32>,
        %and3A_386 = arith.constant 4095 : i32
        %and3A_387 = arith.andi %squeeze3A_379, %and3A_386 : i32
        %mul3A_388 = arith.constant 16 : i32
        %mul3A_389 = arith.muli %and3A_387, %mul3A_388 : i32
        %get3A_390 = arith.index_cast %mul3A_389 : i32 to index
        %get3A_391 = tpu.vector_load %arg5[%get3A_390] {strides = array<i32>} : memref<65536xf32, #tpu.memory_space<vmem>>, vector<16xf32>,
        %and3A_392 = arith.constant -4096 : i32
        %and3A_393 = arith.andi %squeeze3A_377, %and3A_392 : i32
        %broadcast_in_dim3A_394 = vector.broadcast %and3A_393 : i32 to vector<16xi32>
        %bitcast3A_395 = vector.bitcast %broadcast_in_dim3A_394 : vector<16xi32> to vector<16xf32>
        %and3A_396 = arith.constant -4096 : i32
        %and3A_397 = arith.andi %squeeze3A_379, %and3A_396 : i32
        %broadcast_in_dim3A_398 = vector.broadcast %and3A_397 : i32 to vector<16xi32>
        %bitcast3A_399 = vector.bitcast %broadcast_in_dim3A_398 : vector<16xi32> to vector<16xf32>
        %mul3A_400 = arith.mulf %bitcast3A_395, %get3A_385 : vector<16xf32>
        %add3A_401 = arith.addf %add3A_289, %mul3A_400 : vector<16xf32>
        %mul3A_402 = arith.mulf %bitcast3A_399, %get3A_391 : vector<16xf32>
        %add3A_403 = arith.addf %add3A_291, %mul3A_402 : vector<16xf32>
        %slice3A_404 = vector.extract_strided_slice %get3A_54 {offsets = [11], sizes = [1], strides = [1]} : vector<16xi32> to vector<1xi32>
        %squeeze3A_405 = vector.extract %slice3A_404[0] : i32 from vector<1xi32>
        %slice3A_406 = vector.extract_strided_slice %get3A_68 {offsets = [11], sizes = [1], strides = [1]} : vector<16xi32> to vector<1xi32>
        %squeeze3A_407 = vector.extract %slice3A_406[0] : i32 from vector<1xi32>
        %and3A_408 = arith.constant 4095 : i32
        %and3A_409 = arith.andi %squeeze3A_405, %and3A_408 : i32
        %mul3A_410 = arith.constant 16 : i32
        %mul3A_411 = arith.muli %and3A_409, %mul3A_410 : i32
        %get3A_412 = arith.index_cast %mul3A_411 : i32 to index
        %get3A_413 = tpu.vector_load %arg5[%get3A_412] {strides = array<i32>} : memref<65536xf32, #tpu.memory_space<vmem>>, vector<16xf32>,
        %and3A_414 = arith.constant 4095 : i32
        %and3A_415 = arith.andi %squeeze3A_407, %and3A_414 : i32
        %mul3A_416 = arith.constant 16 : i32
        %mul3A_417 = arith.muli %and3A_415, %mul3A_416 : i32
        %get3A_418 = arith.index_cast %mul3A_417 : i32 to index
        %get3A_419 = tpu.vector_load %arg5[%get3A_418] {strides = array<i32>} : memref<65536xf32, #tpu.memory_space<vmem>>, vector<16xf32>,
        %and3A_420 = arith.constant -4096 : i32
        %and3A_421 = arith.andi %squeeze3A_405, %and3A_420 : i32
        %broadcast_in_dim3A_422 = vector.broadcast %and3A_421 : i32 to vector<16xi32>
        %bitcast3A_423 = vector.bitcast %broadcast_in_dim3A_422 : vector<16xi32> to vector<16xf32>
        %and3A_424 = arith.constant -4096 : i32
        %and3A_425 = arith.andi %squeeze3A_407, %and3A_424 : i32
        %broadcast_in_dim3A_426 = vector.broadcast %and3A_425 : i32 to vector<16xi32>
        %bitcast3A_427 = vector.bitcast %broadcast_in_dim3A_426 : vector<16xi32> to vector<16xf32>
        %mul3A_428 = arith.mulf %bitcast3A_423, %get3A_413 : vector<16xf32>
        %add3A_429 = arith.addf %add3A_317, %mul3A_428 : vector<16xf32>
        %mul3A_430 = arith.mulf %bitcast3A_427, %get3A_419 : vector<16xf32>
        %add3A_431 = arith.addf %add3A_319, %mul3A_430 : vector<16xf32>
        %slice3A_432 = vector.extract_strided_slice %get3A_54 {offsets = [12], sizes = [1], strides = [1]} : vector<16xi32> to vector<1xi32>
        %squeeze3A_433 = vector.extract %slice3A_432[0] : i32 from vector<1xi32>
        %slice3A_434 = vector.extract_strided_slice %get3A_68 {offsets = [12], sizes = [1], strides = [1]} : vector<16xi32> to vector<1xi32>
        %squeeze3A_435 = vector.extract %slice3A_434[0] : i32 from vector<1xi32>
        %and3A_436 = arith.constant 4095 : i32
        %and3A_437 = arith.andi %squeeze3A_433, %and3A_436 : i32
        %mul3A_438 = arith.constant 16 : i32
        %mul3A_439 = arith.muli %and3A_437, %mul3A_438 : i32
        %get3A_440 = arith.index_cast %mul3A_439 : i32 to index
        %get3A_441 = tpu.vector_load %arg5[%get3A_440] {strides = array<i32>} : memref<65536xf32, #tpu.memory_space<vmem>>, vector<16xf32>,
        %and3A_442 = arith.constant 4095 : i32
        %and3A_443 = arith.andi %squeeze3A_435, %and3A_442 : i32
        %mul3A_444 = arith.constant 16 : i32
        %mul3A_445 = arith.muli %and3A_443, %mul3A_444 : i32
        %get3A_446 = arith.index_cast %mul3A_445 : i32 to index
        %get3A_447 = tpu.vector_load %arg5[%get3A_446] {strides = array<i32>} : memref<65536xf32, #tpu.memory_space<vmem>>, vector<16xf32>,
        %and3A_448 = arith.constant -4096 : i32
        %and3A_449 = arith.andi %squeeze3A_433, %and3A_448 : i32
        %broadcast_in_dim3A_450 = vector.broadcast %and3A_449 : i32 to vector<16xi32>
        %bitcast3A_451 = vector.bitcast %broadcast_in_dim3A_450 : vector<16xi32> to vector<16xf32>
        %and3A_452 = arith.constant -4096 : i32
        %and3A_453 = arith.andi %squeeze3A_435, %and3A_452 : i32
        %broadcast_in_dim3A_454 = vector.broadcast %and3A_453 : i32 to vector<16xi32>
        %bitcast3A_455 = vector.bitcast %broadcast_in_dim3A_454 : vector<16xi32> to vector<16xf32>
        %mul3A_456 = arith.mulf %bitcast3A_451, %get3A_441 : vector<16xf32>
        %add3A_457 = arith.addf %add3A_345, %mul3A_456 : vector<16xf32>
        %mul3A_458 = arith.mulf %bitcast3A_455, %get3A_447 : vector<16xf32>
        %add3A_459 = arith.addf %add3A_347, %mul3A_458 : vector<16xf32>
        %slice3A_460 = vector.extract_strided_slice %get3A_54 {offsets = [13], sizes = [1], strides = [1]} : vector<16xi32> to vector<1xi32>
        %squeeze3A_461 = vector.extract %slice3A_460[0] : i32 from vector<1xi32>
        %slice3A_462 = vector.extract_strided_slice %get3A_68 {offsets = [13], sizes = [1], strides = [1]} : vector<16xi32> to vector<1xi32>
        %squeeze3A_463 = vector.extract %slice3A_462[0] : i32 from vector<1xi32>
        %and3A_464 = arith.constant 4095 : i32
        %and3A_465 = arith.andi %squeeze3A_461, %and3A_464 : i32
        %mul3A_466 = arith.constant 16 : i32
        %mul3A_467 = arith.muli %and3A_465, %mul3A_466 : i32
        %get3A_468 = arith.index_cast %mul3A_467 : i32 to index
        %get3A_469 = tpu.vector_load %arg5[%get3A_468] {strides = array<i32>} : memref<65536xf32, #tpu.memory_space<vmem>>, vector<16xf32>,
        %and3A_470 = arith.constant 4095 : i32
        %and3A_471 = arith.andi %squeeze3A_463, %and3A_470 : i32
        %mul3A_472 = arith.constant 16 : i32
        %mul3A_473 = arith.muli %and3A_471, %mul3A_472 : i32
        %get3A_474 = arith.index_cast %mul3A_473 : i32 to index
        %get3A_475 = tpu.vector_load %arg5[%get3A_474] {strides = array<i32>} : memref<65536xf32, #tpu.memory_space<vmem>>, vector<16xf32>,
        %and3A_476 = arith.constant -4096 : i32
        %and3A_477 = arith.andi %squeeze3A_461, %and3A_476 : i32
        %broadcast_in_dim3A_478 = vector.broadcast %and3A_477 : i32 to vector<16xi32>
        %bitcast3A_479 = vector.bitcast %broadcast_in_dim3A_478 : vector<16xi32> to vector<16xf32>
        %and3A_480 = arith.constant -4096 : i32
        %and3A_481 = arith.andi %squeeze3A_463, %and3A_480 : i32
        %broadcast_in_dim3A_482 = vector.broadcast %and3A_481 : i32 to vector<16xi32>
        %bitcast3A_483 = vector.bitcast %broadcast_in_dim3A_482 : vector<16xi32> to vector<16xf32>
        %mul3A_484 = arith.mulf %bitcast3A_479, %get3A_469 : vector<16xf32>
        %add3A_485 = arith.addf %add3A_373, %mul3A_484 : vector<16xf32>
        %mul3A_486 = arith.mulf %bitcast3A_483, %get3A_475 : vector<16xf32>
        %add3A_487 = arith.addf %add3A_375, %mul3A_486 : vector<16xf32>
        %slice3A_488 = vector.extract_strided_slice %get3A_54 {offsets = [14], sizes = [1], strides = [1]} : vector<16xi32> to vector<1xi32>
        %squeeze3A_489 = vector.extract %slice3A_488[0] : i32 from vector<1xi32>
        %slice3A_490 = vector.extract_strided_slice %get3A_68 {offsets = [14], sizes = [1], strides = [1]} : vector<16xi32> to vector<1xi32>
        %squeeze3A_491 = vector.extract %slice3A_490[0] : i32 from vector<1xi32>
        %and3A_492 = arith.constant 4095 : i32
        %and3A_493 = arith.andi %squeeze3A_489, %and3A_492 : i32
        %mul3A_494 = arith.constant 16 : i32
        %mul3A_495 = arith.muli %and3A_493, %mul3A_494 : i32
        %get3A_496 = arith.index_cast %mul3A_495 : i32 to index
        %get3A_497 = tpu.vector_load %arg5[%get3A_496] {strides = array<i32>} : memref<65536xf32, #tpu.memory_space<vmem>>, vector<16xf32>,
        %and3A_498 = arith.constant 4095 : i32
        %and3A_499 = arith.andi %squeeze3A_491, %and3A_498 : i32
        %mul3A_500 = arith.constant 16 : i32
        %mul3A_501 = arith.muli %and3A_499, %mul3A_500 : i32
        %get3A_502 = arith.index_cast %mul3A_501 : i32 to index
        %get3A_503 = tpu.vector_load %arg5[%get3A_502] {strides = array<i32>} : memref<65536xf32, #tpu.memory_space<vmem>>, vector<16xf32>,
        %and3A_504 = arith.constant -4096 : i32
        %and3A_505 = arith.andi %squeeze3A_489, %and3A_504 : i32
        %broadcast_in_dim3A_506 = vector.broadcast %and3A_505 : i32 to vector<16xi32>
        %bitcast3A_507 = vector.bitcast %broadcast_in_dim3A_506 : vector<16xi32> to vector<16xf32>
        %and3A_508 = arith.constant -4096 : i32
        %and3A_509 = arith.andi %squeeze3A_491, %and3A_508 : i32
        %broadcast_in_dim3A_510 = vector.broadcast %and3A_509 : i32 to vector<16xi32>
        %bitcast3A_511 = vector.bitcast %broadcast_in_dim3A_510 : vector<16xi32> to vector<16xf32>
        %mul3A_512 = arith.mulf %bitcast3A_507, %get3A_497 : vector<16xf32>
        %add3A_513 = arith.addf %add3A_401, %mul3A_512 : vector<16xf32>
        %mul3A_514 = arith.mulf %bitcast3A_511, %get3A_503 : vector<16xf32>
        %add3A_515 = arith.addf %add3A_403, %mul3A_514 : vector<16xf32>
        %slice3A_516 = vector.extract_strided_slice %get3A_54 {offsets = [15], sizes = [1], strides = [1]} : vector<16xi32> to vector<1xi32>
        %squeeze3A_517 = vector.extract %slice3A_516[0] : i32 from vector<1xi32>
        %slice3A_518 = vector.extract_strided_slice %get3A_68 {offsets = [15], sizes = [1], strides = [1]} : vector<16xi32> to vector<1xi32>
        %squeeze3A_519 = vector.extract %slice3A_518[0] : i32 from vector<1xi32>
        %and3A_520 = arith.constant 4095 : i32
        %and3A_521 = arith.andi %squeeze3A_517, %and3A_520 : i32
        %mul3A_522 = arith.constant 16 : i32
        %mul3A_523 = arith.muli %and3A_521, %mul3A_522 : i32
        %get3A_524 = arith.index_cast %mul3A_523 : i32 to index
        %get3A_525 = tpu.vector_load %arg5[%get3A_524] {strides = array<i32>} : memref<65536xf32, #tpu.memory_space<vmem>>, vector<16xf32>,
        %and3A_526 = arith.constant 4095 : i32
        %and3A_527 = arith.andi %squeeze3A_519, %and3A_526 : i32
        %mul3A_528 = arith.constant 16 : i32
        %mul3A_529 = arith.muli %and3A_527, %mul3A_528 : i32
        %get3A_530 = arith.index_cast %mul3A_529 : i32 to index
        %get3A_531 = tpu.vector_load %arg5[%get3A_530] {strides = array<i32>} : memref<65536xf32, #tpu.memory_space<vmem>>, vector<16xf32>,
        %and3A_532 = arith.constant -4096 : i32
        %and3A_533 = arith.andi %squeeze3A_517, %and3A_532 : i32
        %broadcast_in_dim3A_534 = vector.broadcast %and3A_533 : i32 to vector<16xi32>
        %bitcast3A_535 = vector.bitcast %broadcast_in_dim3A_534 : vector<16xi32> to vector<16xf32>
        %and3A_536 = arith.constant -4096 : i32
        %and3A_537 = arith.andi %squeeze3A_519, %and3A_536 : i32
        %broadcast_in_dim3A_538 = vector.broadcast %and3A_537 : i32 to vector<16xi32>
        %bitcast3A_539 = vector.bitcast %broadcast_in_dim3A_538 : vector<16xi32> to vector<16xf32>
        %mul3A_540 = arith.mulf %bitcast3A_535, %get3A_525 : vector<16xf32>
        %add3A_541 = arith.addf %add3A_429, %mul3A_540 : vector<16xf32>
        %mul3A_542 = arith.mulf %bitcast3A_539, %get3A_531 : vector<16xf32>
        %add3A_543 = arith.addf %add3A_431, %mul3A_542 : vector<16xf32>
        %slice3A_544 = vector.extract_strided_slice %get3A_57 {offsets = [0], sizes = [1], strides = [1]} : vector<16xi32> to vector<1xi32>
        %squeeze3A_545 = vector.extract %slice3A_544[0] : i32 from vector<1xi32>
        %slice3A_546 = vector.extract_strided_slice %get3A_73 {offsets = [0], sizes = [1], strides = [1]} : vector<16xi32> to vector<1xi32>
        %squeeze3A_547 = vector.extract %slice3A_546[0] : i32 from vector<1xi32>
        %and3A_548 = arith.constant 4095 : i32
        %and3A_549 = arith.andi %squeeze3A_545, %and3A_548 : i32
        %mul3A_550 = arith.constant 16 : i32
        %mul3A_551 = arith.muli %and3A_549, %mul3A_550 : i32
        %get3A_552 = arith.index_cast %mul3A_551 : i32 to index
        %get3A_553 = tpu.vector_load %arg5[%get3A_552] {strides = array<i32>} : memref<65536xf32, #tpu.memory_space<vmem>>, vector<16xf32>,
        %and3A_554 = arith.constant 4095 : i32
        %and3A_555 = arith.andi %squeeze3A_547, %and3A_554 : i32
        %mul3A_556 = arith.constant 16 : i32
        %mul3A_557 = arith.muli %and3A_555, %mul3A_556 : i32
        %get3A_558 = arith.index_cast %mul3A_557 : i32 to index
        %get3A_559 = tpu.vector_load %arg5[%get3A_558] {strides = array<i32>} : memref<65536xf32, #tpu.memory_space<vmem>>, vector<16xf32>,
        %and3A_560 = arith.constant -4096 : i32
        %and3A_561 = arith.andi %squeeze3A_545, %and3A_560 : i32
        %broadcast_in_dim3A_562 = vector.broadcast %and3A_561 : i32 to vector<16xi32>
        %bitcast3A_563 = vector.bitcast %broadcast_in_dim3A_562 : vector<16xi32> to vector<16xf32>
        %and3A_564 = arith.constant -4096 : i32
        %and3A_565 = arith.andi %squeeze3A_547, %and3A_564 : i32
        %broadcast_in_dim3A_566 = vector.broadcast %and3A_565 : i32 to vector<16xi32>
        %bitcast3A_567 = vector.bitcast %broadcast_in_dim3A_566 : vector<16xi32> to vector<16xf32>
        %mul3A_568 = arith.mulf %bitcast3A_563, %get3A_553 : vector<16xf32>
        %add3A_569 = arith.addf %add3A_457, %mul3A_568 : vector<16xf32>
        %mul3A_570 = arith.mulf %bitcast3A_567, %get3A_559 : vector<16xf32>
        %add3A_571 = arith.addf %add3A_459, %mul3A_570 : vector<16xf32>
        %slice3A_572 = vector.extract_strided_slice %get3A_57 {offsets = [1], sizes = [1], strides = [1]} : vector<16xi32> to vector<1xi32>
        %squeeze3A_573 = vector.extract %slice3A_572[0] : i32 from vector<1xi32>
        %slice3A_574 = vector.extract_strided_slice %get3A_73 {offsets = [1], sizes = [1], strides = [1]} : vector<16xi32> to vector<1xi32>
        %squeeze3A_575 = vector.extract %slice3A_574[0] : i32 from vector<1xi32>
        %and3A_576 = arith.constant 4095 : i32
        %and3A_577 = arith.andi %squeeze3A_573, %and3A_576 : i32
        %mul3A_578 = arith.constant 16 : i32
        %mul3A_579 = arith.muli %and3A_577, %mul3A_578 : i32
        %get3A_580 = arith.index_cast %mul3A_579 : i32 to index
        %get3A_581 = tpu.vector_load %arg5[%get3A_580] {strides = array<i32>} : memref<65536xf32, #tpu.memory_space<vmem>>, vector<16xf32>,
        %and3A_582 = arith.constant 4095 : i32
        %and3A_583 = arith.andi %squeeze3A_575, %and3A_582 : i32
        %mul3A_584 = arith.constant 16 : i32
        %mul3A_585 = arith.muli %and3A_583, %mul3A_584 : i32
        %get3A_586 = arith.index_cast %mul3A_585 : i32 to index
        %get3A_587 = tpu.vector_load %arg5[%get3A_586] {strides = array<i32>} : memref<65536xf32, #tpu.memory_space<vmem>>, vector<16xf32>,
        %and3A_588 = arith.constant -4096 : i32
        %and3A_589 = arith.andi %squeeze3A_573, %and3A_588 : i32
        %broadcast_in_dim3A_590 = vector.broadcast %and3A_589 : i32 to vector<16xi32>
        %bitcast3A_591 = vector.bitcast %broadcast_in_dim3A_590 : vector<16xi32> to vector<16xf32>
        %and3A_592 = arith.constant -4096 : i32
        %and3A_593 = arith.andi %squeeze3A_575, %and3A_592 : i32
        %broadcast_in_dim3A_594 = vector.broadcast %and3A_593 : i32 to vector<16xi32>
        %bitcast3A_595 = vector.bitcast %broadcast_in_dim3A_594 : vector<16xi32> to vector<16xf32>
        %mul3A_596 = arith.mulf %bitcast3A_591, %get3A_581 : vector<16xf32>
        %add3A_597 = arith.addf %add3A_485, %mul3A_596 : vector<16xf32>
        %mul3A_598 = arith.mulf %bitcast3A_595, %get3A_587 : vector<16xf32>
        %add3A_599 = arith.addf %add3A_487, %mul3A_598 : vector<16xf32>
        %slice3A_600 = vector.extract_strided_slice %get3A_57 {offsets = [2], sizes = [1], strides = [1]} : vector<16xi32> to vector<1xi32>
        %squeeze3A_601 = vector.extract %slice3A_600[0] : i32 from vector<1xi32>
        %slice3A_602 = vector.extract_strided_slice %get3A_73 {offsets = [2], sizes = [1], strides = [1]} : vector<16xi32> to vector<1xi32>
        %squeeze3A_603 = vector.extract %slice3A_602[0] : i32 from vector<1xi32>
        %and3A_604 = arith.constant 4095 : i32
        %and3A_605 = arith.andi %squeeze3A_601, %and3A_604 : i32
        %mul3A_606 = arith.constant 16 : i32
        %mul3A_607 = arith.muli %and3A_605, %mul3A_606 : i32
        %get3A_608 = arith.index_cast %mul3A_607 : i32 to index
        %get3A_609 = tpu.vector_load %arg5[%get3A_608] {strides = array<i32>} : memref<65536xf32, #tpu.memory_space<vmem>>, vector<16xf32>,
        %and3A_610 = arith.constant 4095 : i32
        %and3A_611 = arith.andi %squeeze3A_603, %and3A_610 : i32
        %mul3A_612 = arith.constant 16 : i32
        %mul3A_613 = arith.muli %and3A_611, %mul3A_612 : i32
        %get3A_614 = arith.index_cast %mul3A_613 : i32 to index
        %get3A_615 = tpu.vector_load %arg5[%get3A_614] {strides = array<i32>} : memref<65536xf32, #tpu.memory_space<vmem>>, vector<16xf32>,
        %and3A_616 = arith.constant -4096 : i32
        %and3A_617 = arith.andi %squeeze3A_601, %and3A_616 : i32
        %broadcast_in_dim3A_618 = vector.broadcast %and3A_617 : i32 to vector<16xi32>
        %bitcast3A_619 = vector.bitcast %broadcast_in_dim3A_618 : vector<16xi32> to vector<16xf32>
        %and3A_620 = arith.constant -4096 : i32
        %and3A_621 = arith.andi %squeeze3A_603, %and3A_620 : i32
        %broadcast_in_dim3A_622 = vector.broadcast %and3A_621 : i32 to vector<16xi32>
        %bitcast3A_623 = vector.bitcast %broadcast_in_dim3A_622 : vector<16xi32> to vector<16xf32>
        %mul3A_624 = arith.mulf %bitcast3A_619, %get3A_609 : vector<16xf32>
        %add3A_625 = arith.addf %add3A_513, %mul3A_624 : vector<16xf32>
        %mul3A_626 = arith.mulf %bitcast3A_623, %get3A_615 : vector<16xf32>
        %add3A_627 = arith.addf %add3A_515, %mul3A_626 : vector<16xf32>
        %slice3A_628 = vector.extract_strided_slice %get3A_57 {offsets = [3], sizes = [1], strides = [1]} : vector<16xi32> to vector<1xi32>
        %squeeze3A_629 = vector.extract %slice3A_628[0] : i32 from vector<1xi32>
        %slice3A_630 = vector.extract_strided_slice %get3A_73 {offsets = [3], sizes = [1], strides = [1]} : vector<16xi32> to vector<1xi32>
        %squeeze3A_631 = vector.extract %slice3A_630[0] : i32 from vector<1xi32>
        %and3A_632 = arith.constant 4095 : i32
        %and3A_633 = arith.andi %squeeze3A_629, %and3A_632 : i32
        %mul3A_634 = arith.constant 16 : i32
        %mul3A_635 = arith.muli %and3A_633, %mul3A_634 : i32
        %get3A_636 = arith.index_cast %mul3A_635 : i32 to index
        %get3A_637 = tpu.vector_load %arg5[%get3A_636] {strides = array<i32>} : memref<65536xf32, #tpu.memory_space<vmem>>, vector<16xf32>,
        %and3A_638 = arith.constant 4095 : i32
        %and3A_639 = arith.andi %squeeze3A_631, %and3A_638 : i32
        %mul3A_640 = arith.constant 16 : i32
        %mul3A_641 = arith.muli %and3A_639, %mul3A_640 : i32
        %get3A_642 = arith.index_cast %mul3A_641 : i32 to index
        %get3A_643 = tpu.vector_load %arg5[%get3A_642] {strides = array<i32>} : memref<65536xf32, #tpu.memory_space<vmem>>, vector<16xf32>,
        %and3A_644 = arith.constant -4096 : i32
        %and3A_645 = arith.andi %squeeze3A_629, %and3A_644 : i32
        %broadcast_in_dim3A_646 = vector.broadcast %and3A_645 : i32 to vector<16xi32>
        %bitcast3A_647 = vector.bitcast %broadcast_in_dim3A_646 : vector<16xi32> to vector<16xf32>
        %and3A_648 = arith.constant -4096 : i32
        %and3A_649 = arith.andi %squeeze3A_631, %and3A_648 : i32
        %broadcast_in_dim3A_650 = vector.broadcast %and3A_649 : i32 to vector<16xi32>
        %bitcast3A_651 = vector.bitcast %broadcast_in_dim3A_650 : vector<16xi32> to vector<16xf32>
        %mul3A_652 = arith.mulf %bitcast3A_647, %get3A_637 : vector<16xf32>
        %add3A_653 = arith.addf %add3A_541, %mul3A_652 : vector<16xf32>
        %mul3A_654 = arith.mulf %bitcast3A_651, %get3A_643 : vector<16xf32>
        %add3A_655 = arith.addf %add3A_543, %mul3A_654 : vector<16xf32>
        %slice3A_656 = vector.extract_strided_slice %get3A_57 {offsets = [4], sizes = [1], strides = [1]} : vector<16xi32> to vector<1xi32>
        %squeeze3A_657 = vector.extract %slice3A_656[0] : i32 from vector<1xi32>
        %slice3A_658 = vector.extract_strided_slice %get3A_73 {offsets = [4], sizes = [1], strides = [1]} : vector<16xi32> to vector<1xi32>
        %squeeze3A_659 = vector.extract %slice3A_658[0] : i32 from vector<1xi32>
        %and3A_660 = arith.constant 4095 : i32
        %and3A_661 = arith.andi %squeeze3A_657, %and3A_660 : i32
        %mul3A_662 = arith.constant 16 : i32
        %mul3A_663 = arith.muli %and3A_661, %mul3A_662 : i32
        %get3A_664 = arith.index_cast %mul3A_663 : i32 to index
        %get3A_665 = tpu.vector_load %arg5[%get3A_664] {strides = array<i32>} : memref<65536xf32, #tpu.memory_space<vmem>>, vector<16xf32>,
        %and3A_666 = arith.constant 4095 : i32
        %and3A_667 = arith.andi %squeeze3A_659, %and3A_666 : i32
        %mul3A_668 = arith.constant 16 : i32
        %mul3A_669 = arith.muli %and3A_667, %mul3A_668 : i32
        %get3A_670 = arith.index_cast %mul3A_669 : i32 to index
        %get3A_671 = tpu.vector_load %arg5[%get3A_670] {strides = array<i32>} : memref<65536xf32, #tpu.memory_space<vmem>>, vector<16xf32>,
        %and3A_672 = arith.constant -4096 : i32
        %and3A_673 = arith.andi %squeeze3A_657, %and3A_672 : i32
        %broadcast_in_dim3A_674 = vector.broadcast %and3A_673 : i32 to vector<16xi32>
        %bitcast3A_675 = vector.bitcast %broadcast_in_dim3A_674 : vector<16xi32> to vector<16xf32>
        %and3A_676 = arith.constant -4096 : i32
        %and3A_677 = arith.andi %squeeze3A_659, %and3A_676 : i32
        %broadcast_in_dim3A_678 = vector.broadcast %and3A_677 : i32 to vector<16xi32>
        %bitcast3A_679 = vector.bitcast %broadcast_in_dim3A_678 : vector<16xi32> to vector<16xf32>
        %mul3A_680 = arith.mulf %bitcast3A_675, %get3A_665 : vector<16xf32>
        %add3A_681 = arith.addf %add3A_569, %mul3A_680 : vector<16xf32>
        %mul3A_682 = arith.mulf %bitcast3A_679, %get3A_671 : vector<16xf32>
        %add3A_683 = arith.addf %add3A_571, %mul3A_682 : vector<16xf32>
        %slice3A_684 = vector.extract_strided_slice %get3A_57 {offsets = [5], sizes = [1], strides = [1]} : vector<16xi32> to vector<1xi32>
        %squeeze3A_685 = vector.extract %slice3A_684[0] : i32 from vector<1xi32>
        %slice3A_686 = vector.extract_strided_slice %get3A_73 {offsets = [5], sizes = [1], strides = [1]} : vector<16xi32> to vector<1xi32>
        %squeeze3A_687 = vector.extract %slice3A_686[0] : i32 from vector<1xi32>
        %and3A_688 = arith.constant 4095 : i32
        %and3A_689 = arith.andi %squeeze3A_685, %and3A_688 : i32
        %mul3A_690 = arith.constant 16 : i32
        %mul3A_691 = arith.muli %and3A_689, %mul3A_690 : i32
        %get3A_692 = arith.index_cast %mul3A_691 : i32 to index
        %get3A_693 = tpu.vector_load %arg5[%get3A_692] {strides = array<i32>} : memref<65536xf32, #tpu.memory_space<vmem>>, vector<16xf32>,
        %and3A_694 = arith.constant 4095 : i32
        %and3A_695 = arith.andi %squeeze3A_687, %and3A_694 : i32
        %mul3A_696 = arith.constant 16 : i32
        %mul3A_697 = arith.muli %and3A_695, %mul3A_696 : i32
        %get3A_698 = arith.index_cast %mul3A_697 : i32 to index
        %get3A_699 = tpu.vector_load %arg5[%get3A_698] {strides = array<i32>} : memref<65536xf32, #tpu.memory_space<vmem>>, vector<16xf32>,
        %and3A_700 = arith.constant -4096 : i32
        %and3A_701 = arith.andi %squeeze3A_685, %and3A_700 : i32
        %broadcast_in_dim3A_702 = vector.broadcast %and3A_701 : i32 to vector<16xi32>
        %bitcast3A_703 = vector.bitcast %broadcast_in_dim3A_702 : vector<16xi32> to vector<16xf32>
        %and3A_704 = arith.constant -4096 : i32
        %and3A_705 = arith.andi %squeeze3A_687, %and3A_704 : i32
        %broadcast_in_dim3A_706 = vector.broadcast %and3A_705 : i32 to vector<16xi32>
        %bitcast3A_707 = vector.bitcast %broadcast_in_dim3A_706 : vector<16xi32> to vector<16xf32>
        %mul3A_708 = arith.mulf %bitcast3A_703, %get3A_693 : vector<16xf32>
        %add3A_709 = arith.addf %add3A_597, %mul3A_708 : vector<16xf32>
        %mul3A_710 = arith.mulf %bitcast3A_707, %get3A_699 : vector<16xf32>
        %add3A_711 = arith.addf %add3A_599, %mul3A_710 : vector<16xf32>
        %slice3A_712 = vector.extract_strided_slice %get3A_57 {offsets = [6], sizes = [1], strides = [1]} : vector<16xi32> to vector<1xi32>
        %squeeze3A_713 = vector.extract %slice3A_712[0] : i32 from vector<1xi32>
        %slice3A_714 = vector.extract_strided_slice %get3A_73 {offsets = [6], sizes = [1], strides = [1]} : vector<16xi32> to vector<1xi32>
        %squeeze3A_715 = vector.extract %slice3A_714[0] : i32 from vector<1xi32>
        %and3A_716 = arith.constant 4095 : i32
        %and3A_717 = arith.andi %squeeze3A_713, %and3A_716 : i32
        %mul3A_718 = arith.constant 16 : i32
        %mul3A_719 = arith.muli %and3A_717, %mul3A_718 : i32
        %get3A_720 = arith.index_cast %mul3A_719 : i32 to index
        %get3A_721 = tpu.vector_load %arg5[%get3A_720] {strides = array<i32>} : memref<65536xf32, #tpu.memory_space<vmem>>, vector<16xf32>,
        %and3A_722 = arith.constant 4095 : i32
        %and3A_723 = arith.andi %squeeze3A_715, %and3A_722 : i32
        %mul3A_724 = arith.constant 16 : i32
        %mul3A_725 = arith.muli %and3A_723, %mul3A_724 : i32
        %get3A_726 = arith.index_cast %mul3A_725 : i32 to index
        %get3A_727 = tpu.vector_load %arg5[%get3A_726] {strides = array<i32>} : memref<65536xf32, #tpu.memory_space<vmem>>, vector<16xf32>,
        %and3A_728 = arith.constant -4096 : i32
        %and3A_729 = arith.andi %squeeze3A_713, %and3A_728 : i32
        %broadcast_in_dim3A_730 = vector.broadcast %and3A_729 : i32 to vector<16xi32>
        %bitcast3A_731 = vector.bitcast %broadcast_in_dim3A_730 : vector<16xi32> to vector<16xf32>
        %and3A_732 = arith.constant -4096 : i32
        %and3A_733 = arith.andi %squeeze3A_715, %and3A_732 : i32
        %broadcast_in_dim3A_734 = vector.broadcast %and3A_733 : i32 to vector<16xi32>
        %bitcast3A_735 = vector.bitcast %broadcast_in_dim3A_734 : vector<16xi32> to vector<16xf32>
        %mul3A_736 = arith.mulf %bitcast3A_731, %get3A_721 : vector<16xf32>
        %add3A_737 = arith.addf %add3A_625, %mul3A_736 : vector<16xf32>
        %mul3A_738 = arith.mulf %bitcast3A_735, %get3A_727 : vector<16xf32>
        %add3A_739 = arith.addf %add3A_627, %mul3A_738 : vector<16xf32>
        %slice3A_740 = vector.extract_strided_slice %get3A_57 {offsets = [7], sizes = [1], strides = [1]} : vector<16xi32> to vector<1xi32>
        %squeeze3A_741 = vector.extract %slice3A_740[0] : i32 from vector<1xi32>
        %slice3A_742 = vector.extract_strided_slice %get3A_73 {offsets = [7], sizes = [1], strides = [1]} : vector<16xi32> to vector<1xi32>
        %squeeze3A_743 = vector.extract %slice3A_742[0] : i32 from vector<1xi32>
        %and3A_744 = arith.constant 4095 : i32
        %and3A_745 = arith.andi %squeeze3A_741, %and3A_744 : i32
        %mul3A_746 = arith.constant 16 : i32
        %mul3A_747 = arith.muli %and3A_745, %mul3A_746 : i32
        %get3A_748 = arith.index_cast %mul3A_747 : i32 to index
        %get3A_749 = tpu.vector_load %arg5[%get3A_748] {strides = array<i32>} : memref<65536xf32, #tpu.memory_space<vmem>>, vector<16xf32>,
        %and3A_750 = arith.constant 4095 : i32
        %and3A_751 = arith.andi %squeeze3A_743, %and3A_750 : i32
        %mul3A_752 = arith.constant 16 : i32
        %mul3A_753 = arith.muli %and3A_751, %mul3A_752 : i32
        %get3A_754 = arith.index_cast %mul3A_753 : i32 to index
        %get3A_755 = tpu.vector_load %arg5[%get3A_754] {strides = array<i32>} : memref<65536xf32, #tpu.memory_space<vmem>>, vector<16xf32>,
        %and3A_756 = arith.constant -4096 : i32
        %and3A_757 = arith.andi %squeeze3A_741, %and3A_756 : i32
        %broadcast_in_dim3A_758 = vector.broadcast %and3A_757 : i32 to vector<16xi32>
        %bitcast3A_759 = vector.bitcast %broadcast_in_dim3A_758 : vector<16xi32> to vector<16xf32>
        %and3A_760 = arith.constant -4096 : i32
        %and3A_761 = arith.andi %squeeze3A_743, %and3A_760 : i32
        %broadcast_in_dim3A_762 = vector.broadcast %and3A_761 : i32 to vector<16xi32>
        %bitcast3A_763 = vector.bitcast %broadcast_in_dim3A_762 : vector<16xi32> to vector<16xf32>
        %mul3A_764 = arith.mulf %bitcast3A_759, %get3A_749 : vector<16xf32>
        %add3A_765 = arith.addf %add3A_653, %mul3A_764 : vector<16xf32>
        %mul3A_766 = arith.mulf %bitcast3A_763, %get3A_755 : vector<16xf32>
        %add3A_767 = arith.addf %add3A_655, %mul3A_766 : vector<16xf32>
        %slice3A_768 = vector.extract_strided_slice %get3A_57 {offsets = [8], sizes = [1], strides = [1]} : vector<16xi32> to vector<1xi32>
        %squeeze3A_769 = vector.extract %slice3A_768[0] : i32 from vector<1xi32>
        %slice3A_770 = vector.extract_strided_slice %get3A_73 {offsets = [8], sizes = [1], strides = [1]} : vector<16xi32> to vector<1xi32>
        %squeeze3A_771 = vector.extract %slice3A_770[0] : i32 from vector<1xi32>
        %and3A_772 = arith.constant 4095 : i32
        %and3A_773 = arith.andi %squeeze3A_769, %and3A_772 : i32
        %mul3A_774 = arith.constant 16 : i32
        %mul3A_775 = arith.muli %and3A_773, %mul3A_774 : i32
        %get3A_776 = arith.index_cast %mul3A_775 : i32 to index
        %get3A_777 = tpu.vector_load %arg5[%get3A_776] {strides = array<i32>} : memref<65536xf32, #tpu.memory_space<vmem>>, vector<16xf32>,
        %and3A_778 = arith.constant 4095 : i32
        %and3A_779 = arith.andi %squeeze3A_771, %and3A_778 : i32
        %mul3A_780 = arith.constant 16 : i32
        %mul3A_781 = arith.muli %and3A_779, %mul3A_780 : i32
        %get3A_782 = arith.index_cast %mul3A_781 : i32 to index
        %get3A_783 = tpu.vector_load %arg5[%get3A_782] {strides = array<i32>} : memref<65536xf32, #tpu.memory_space<vmem>>, vector<16xf32>,
        %and3A_784 = arith.constant -4096 : i32
        %and3A_785 = arith.andi %squeeze3A_769, %and3A_784 : i32
        %broadcast_in_dim3A_786 = vector.broadcast %and3A_785 : i32 to vector<16xi32>
        %bitcast3A_787 = vector.bitcast %broadcast_in_dim3A_786 : vector<16xi32> to vector<16xf32>
        %and3A_788 = arith.constant -4096 : i32
        %and3A_789 = arith.andi %squeeze3A_771, %and3A_788 : i32
        %broadcast_in_dim3A_790 = vector.broadcast %and3A_789 : i32 to vector<16xi32>
        %bitcast3A_791 = vector.bitcast %broadcast_in_dim3A_790 : vector<16xi32> to vector<16xf32>
        %mul3A_792 = arith.mulf %bitcast3A_787, %get3A_777 : vector<16xf32>
        %add3A_793 = arith.addf %add3A_681, %mul3A_792 : vector<16xf32>
        %mul3A_794 = arith.mulf %bitcast3A_791, %get3A_783 : vector<16xf32>
        %add3A_795 = arith.addf %add3A_683, %mul3A_794 : vector<16xf32>
        %slice3A_796 = vector.extract_strided_slice %get3A_57 {offsets = [9], sizes = [1], strides = [1]} : vector<16xi32> to vector<1xi32>
        %squeeze3A_797 = vector.extract %slice3A_796[0] : i32 from vector<1xi32>
        %slice3A_798 = vector.extract_strided_slice %get3A_73 {offsets = [9], sizes = [1], strides = [1]} : vector<16xi32> to vector<1xi32>
        %squeeze3A_799 = vector.extract %slice3A_798[0] : i32 from vector<1xi32>
        %and3A_800 = arith.constant 4095 : i32
        %and3A_801 = arith.andi %squeeze3A_797, %and3A_800 : i32
        %mul3A_802 = arith.constant 16 : i32
        %mul3A_803 = arith.muli %and3A_801, %mul3A_802 : i32
        %get3A_804 = arith.index_cast %mul3A_803 : i32 to index
        %get3A_805 = tpu.vector_load %arg5[%get3A_804] {strides = array<i32>} : memref<65536xf32, #tpu.memory_space<vmem>>, vector<16xf32>,
        %and3A_806 = arith.constant 4095 : i32
        %and3A_807 = arith.andi %squeeze3A_799, %and3A_806 : i32
        %mul3A_808 = arith.constant 16 : i32
        %mul3A_809 = arith.muli %and3A_807, %mul3A_808 : i32
        %get3A_810 = arith.index_cast %mul3A_809 : i32 to index
        %get3A_811 = tpu.vector_load %arg5[%get3A_810] {strides = array<i32>} : memref<65536xf32, #tpu.memory_space<vmem>>, vector<16xf32>,
        %and3A_812 = arith.constant -4096 : i32
        %and3A_813 = arith.andi %squeeze3A_797, %and3A_812 : i32
        %broadcast_in_dim3A_814 = vector.broadcast %and3A_813 : i32 to vector<16xi32>
        %bitcast3A_815 = vector.bitcast %broadcast_in_dim3A_814 : vector<16xi32> to vector<16xf32>
        %and3A_816 = arith.constant -4096 : i32
        %and3A_817 = arith.andi %squeeze3A_799, %and3A_816 : i32
        %broadcast_in_dim3A_818 = vector.broadcast %and3A_817 : i32 to vector<16xi32>
        %bitcast3A_819 = vector.bitcast %broadcast_in_dim3A_818 : vector<16xi32> to vector<16xf32>
        %mul3A_820 = arith.mulf %bitcast3A_815, %get3A_805 : vector<16xf32>
        %add3A_821 = arith.addf %add3A_709, %mul3A_820 : vector<16xf32>
        %mul3A_822 = arith.mulf %bitcast3A_819, %get3A_811 : vector<16xf32>
        %add3A_823 = arith.addf %add3A_711, %mul3A_822 : vector<16xf32>
        %slice3A_824 = vector.extract_strided_slice %get3A_57 {offsets = [10], sizes = [1], strides = [1]} : vector<16xi32> to vector<1xi32>
        %squeeze3A_825 = vector.extract %slice3A_824[0] : i32 from vector<1xi32>
        %slice3A_826 = vector.extract_strided_slice %get3A_73 {offsets = [10], sizes = [1], strides = [1]} : vector<16xi32> to vector<1xi32>
        %squeeze3A_827 = vector.extract %slice3A_826[0] : i32 from vector<1xi32>
        %and3A_828 = arith.constant 4095 : i32
        %and3A_829 = arith.andi %squeeze3A_825, %and3A_828 : i32
        %mul3A_830 = arith.constant 16 : i32
        %mul3A_831 = arith.muli %and3A_829, %mul3A_830 : i32
        %get3A_832 = arith.index_cast %mul3A_831 : i32 to index
        %get3A_833 = tpu.vector_load %arg5[%get3A_832] {strides = array<i32>} : memref<65536xf32, #tpu.memory_space<vmem>>, vector<16xf32>,
        %and3A_834 = arith.constant 4095 : i32
        %and3A_835 = arith.andi %squeeze3A_827, %and3A_834 : i32
        %mul3A_836 = arith.constant 16 : i32
        %mul3A_837 = arith.muli %and3A_835, %mul3A_836 : i32
        %get3A_838 = arith.index_cast %mul3A_837 : i32 to index
        %get3A_839 = tpu.vector_load %arg5[%get3A_838] {strides = array<i32>} : memref<65536xf32, #tpu.memory_space<vmem>>, vector<16xf32>,
        %and3A_840 = arith.constant -4096 : i32
        %and3A_841 = arith.andi %squeeze3A_825, %and3A_840 : i32
        %broadcast_in_dim3A_842 = vector.broadcast %and3A_841 : i32 to vector<16xi32>
        %bitcast3A_843 = vector.bitcast %broadcast_in_dim3A_842 : vector<16xi32> to vector<16xf32>
        %and3A_844 = arith.constant -4096 : i32
        %and3A_845 = arith.andi %squeeze3A_827, %and3A_844 : i32
        %broadcast_in_dim3A_846 = vector.broadcast %and3A_845 : i32 to vector<16xi32>
        %bitcast3A_847 = vector.bitcast %broadcast_in_dim3A_846 : vector<16xi32> to vector<16xf32>
        %mul3A_848 = arith.mulf %bitcast3A_843, %get3A_833 : vector<16xf32>
        %add3A_849 = arith.addf %add3A_737, %mul3A_848 : vector<16xf32>
        %mul3A_850 = arith.mulf %bitcast3A_847, %get3A_839 : vector<16xf32>
        %add3A_851 = arith.addf %add3A_739, %mul3A_850 : vector<16xf32>
        %slice3A_852 = vector.extract_strided_slice %get3A_57 {offsets = [11], sizes = [1], strides = [1]} : vector<16xi32> to vector<1xi32>
        %squeeze3A_853 = vector.extract %slice3A_852[0] : i32 from vector<1xi32>
        %slice3A_854 = vector.extract_strided_slice %get3A_73 {offsets = [11], sizes = [1], strides = [1]} : vector<16xi32> to vector<1xi32>
        %squeeze3A_855 = vector.extract %slice3A_854[0] : i32 from vector<1xi32>
        %and3A_856 = arith.constant 4095 : i32
        %and3A_857 = arith.andi %squeeze3A_853, %and3A_856 : i32
        %mul3A_858 = arith.constant 16 : i32
        %mul3A_859 = arith.muli %and3A_857, %mul3A_858 : i32
        %get3A_860 = arith.index_cast %mul3A_859 : i32 to index
        %get3A_861 = tpu.vector_load %arg5[%get3A_860] {strides = array<i32>} : memref<65536xf32, #tpu.memory_space<vmem>>, vector<16xf32>,
        %and3A_862 = arith.constant 4095 : i32
        %and3A_863 = arith.andi %squeeze3A_855, %and3A_862 : i32
        %mul3A_864 = arith.constant 16 : i32
        %mul3A_865 = arith.muli %and3A_863, %mul3A_864 : i32
        %get3A_866 = arith.index_cast %mul3A_865 : i32 to index
        %get3A_867 = tpu.vector_load %arg5[%get3A_866] {strides = array<i32>} : memref<65536xf32, #tpu.memory_space<vmem>>, vector<16xf32>,
        %and3A_868 = arith.constant -4096 : i32
        %and3A_869 = arith.andi %squeeze3A_853, %and3A_868 : i32
        %broadcast_in_dim3A_870 = vector.broadcast %and3A_869 : i32 to vector<16xi32>
        %bitcast3A_871 = vector.bitcast %broadcast_in_dim3A_870 : vector<16xi32> to vector<16xf32>
        %and3A_872 = arith.constant -4096 : i32
        %and3A_873 = arith.andi %squeeze3A_855, %and3A_872 : i32
        %broadcast_in_dim3A_874 = vector.broadcast %and3A_873 : i32 to vector<16xi32>
        %bitcast3A_875 = vector.bitcast %broadcast_in_dim3A_874 : vector<16xi32> to vector<16xf32>
        %mul3A_876 = arith.mulf %bitcast3A_871, %get3A_861 : vector<16xf32>
        %add3A_877 = arith.addf %add3A_765, %mul3A_876 : vector<16xf32>
        %mul3A_878 = arith.mulf %bitcast3A_875, %get3A_867 : vector<16xf32>
        %add3A_879 = arith.addf %add3A_767, %mul3A_878 : vector<16xf32>
        %slice3A_880 = vector.extract_strided_slice %get3A_57 {offsets = [12], sizes = [1], strides = [1]} : vector<16xi32> to vector<1xi32>
        %squeeze3A_881 = vector.extract %slice3A_880[0] : i32 from vector<1xi32>
        %slice3A_882 = vector.extract_strided_slice %get3A_73 {offsets = [12], sizes = [1], strides = [1]} : vector<16xi32> to vector<1xi32>
        %squeeze3A_883 = vector.extract %slice3A_882[0] : i32 from vector<1xi32>
        %and3A_884 = arith.constant 4095 : i32
        %and3A_885 = arith.andi %squeeze3A_881, %and3A_884 : i32
        %mul3A_886 = arith.constant 16 : i32
        %mul3A_887 = arith.muli %and3A_885, %mul3A_886 : i32
        %get3A_888 = arith.index_cast %mul3A_887 : i32 to index
        %get3A_889 = tpu.vector_load %arg5[%get3A_888] {strides = array<i32>} : memref<65536xf32, #tpu.memory_space<vmem>>, vector<16xf32>,
        %and3A_890 = arith.constant 4095 : i32
        %and3A_891 = arith.andi %squeeze3A_883, %and3A_890 : i32
        %mul3A_892 = arith.constant 16 : i32
        %mul3A_893 = arith.muli %and3A_891, %mul3A_892 : i32
        %get3A_894 = arith.index_cast %mul3A_893 : i32 to index
        %get3A_895 = tpu.vector_load %arg5[%get3A_894] {strides = array<i32>} : memref<65536xf32, #tpu.memory_space<vmem>>, vector<16xf32>,
        %and3A_896 = arith.constant -4096 : i32
        %and3A_897 = arith.andi %squeeze3A_881, %and3A_896 : i32
        %broadcast_in_dim3A_898 = vector.broadcast %and3A_897 : i32 to vector<16xi32>
        %bitcast3A_899 = vector.bitcast %broadcast_in_dim3A_898 : vector<16xi32> to vector<16xf32>
        %and3A_900 = arith.constant -4096 : i32
        %and3A_901 = arith.andi %squeeze3A_883, %and3A_900 : i32
        %broadcast_in_dim3A_902 = vector.broadcast %and3A_901 : i32 to vector<16xi32>
        %bitcast3A_903 = vector.bitcast %broadcast_in_dim3A_902 : vector<16xi32> to vector<16xf32>
        %mul3A_904 = arith.mulf %bitcast3A_899, %get3A_889 : vector<16xf32>
        %add3A_905 = arith.addf %add3A_793, %mul3A_904 : vector<16xf32>
        %mul3A_906 = arith.mulf %bitcast3A_903, %get3A_895 : vector<16xf32>
        %add3A_907 = arith.addf %add3A_795, %mul3A_906 : vector<16xf32>
        %slice3A_908 = vector.extract_strided_slice %get3A_57 {offsets = [13], sizes = [1], strides = [1]} : vector<16xi32> to vector<1xi32>
        %squeeze3A_909 = vector.extract %slice3A_908[0] : i32 from vector<1xi32>
        %slice3A_910 = vector.extract_strided_slice %get3A_73 {offsets = [13], sizes = [1], strides = [1]} : vector<16xi32> to vector<1xi32>
        %squeeze3A_911 = vector.extract %slice3A_910[0] : i32 from vector<1xi32>
        %and3A_912 = arith.constant 4095 : i32
        %and3A_913 = arith.andi %squeeze3A_909, %and3A_912 : i32
        %mul3A_914 = arith.constant 16 : i32
        %mul3A_915 = arith.muli %and3A_913, %mul3A_914 : i32
        %get3A_916 = arith.index_cast %mul3A_915 : i32 to index
        %get3A_917 = tpu.vector_load %arg5[%get3A_916] {strides = array<i32>} : memref<65536xf32, #tpu.memory_space<vmem>>, vector<16xf32>,
        %and3A_918 = arith.constant 4095 : i32
        %and3A_919 = arith.andi %squeeze3A_911, %and3A_918 : i32
        %mul3A_920 = arith.constant 16 : i32
        %mul3A_921 = arith.muli %and3A_919, %mul3A_920 : i32
        %get3A_922 = arith.index_cast %mul3A_921 : i32 to index
        %get3A_923 = tpu.vector_load %arg5[%get3A_922] {strides = array<i32>} : memref<65536xf32, #tpu.memory_space<vmem>>, vector<16xf32>,
        %and3A_924 = arith.constant -4096 : i32
        %and3A_925 = arith.andi %squeeze3A_909, %and3A_924 : i32
        %broadcast_in_dim3A_926 = vector.broadcast %and3A_925 : i32 to vector<16xi32>
        %bitcast3A_927 = vector.bitcast %broadcast_in_dim3A_926 : vector<16xi32> to vector<16xf32>
        %and3A_928 = arith.constant -4096 : i32
        %and3A_929 = arith.andi %squeeze3A_911, %and3A_928 : i32
        %broadcast_in_dim3A_930 = vector.broadcast %and3A_929 : i32 to vector<16xi32>
        %bitcast3A_931 = vector.bitcast %broadcast_in_dim3A_930 : vector<16xi32> to vector<16xf32>
        %mul3A_932 = arith.mulf %bitcast3A_927, %get3A_917 : vector<16xf32>
        %add3A_933 = arith.addf %add3A_821, %mul3A_932 : vector<16xf32>
        %mul3A_934 = arith.mulf %bitcast3A_931, %get3A_923 : vector<16xf32>
        %add3A_935 = arith.addf %add3A_823, %mul3A_934 : vector<16xf32>
        %slice3A_936 = vector.extract_strided_slice %get3A_57 {offsets = [14], sizes = [1], strides = [1]} : vector<16xi32> to vector<1xi32>
        %squeeze3A_937 = vector.extract %slice3A_936[0] : i32 from vector<1xi32>
        %slice3A_938 = vector.extract_strided_slice %get3A_73 {offsets = [14], sizes = [1], strides = [1]} : vector<16xi32> to vector<1xi32>
        %squeeze3A_939 = vector.extract %slice3A_938[0] : i32 from vector<1xi32>
        %and3A_940 = arith.constant 4095 : i32
        %and3A_941 = arith.andi %squeeze3A_937, %and3A_940 : i32
        %mul3A_942 = arith.constant 16 : i32
        %mul3A_943 = arith.muli %and3A_941, %mul3A_942 : i32
        %get3A_944 = arith.index_cast %mul3A_943 : i32 to index
        %get3A_945 = tpu.vector_load %arg5[%get3A_944] {strides = array<i32>} : memref<65536xf32, #tpu.memory_space<vmem>>, vector<16xf32>,
        %and3A_946 = arith.constant 4095 : i32
        %and3A_947 = arith.andi %squeeze3A_939, %and3A_946 : i32
        %mul3A_948 = arith.constant 16 : i32
        %mul3A_949 = arith.muli %and3A_947, %mul3A_948 : i32
        %get3A_950 = arith.index_cast %mul3A_949 : i32 to index
        %get3A_951 = tpu.vector_load %arg5[%get3A_950] {strides = array<i32>} : memref<65536xf32, #tpu.memory_space<vmem>>, vector<16xf32>,
        %and3A_952 = arith.constant -4096 : i32
        %and3A_953 = arith.andi %squeeze3A_937, %and3A_952 : i32
        %broadcast_in_dim3A_954 = vector.broadcast %and3A_953 : i32 to vector<16xi32>
        %bitcast3A_955 = vector.bitcast %broadcast_in_dim3A_954 : vector<16xi32> to vector<16xf32>
        %and3A_956 = arith.constant -4096 : i32
        %and3A_957 = arith.andi %squeeze3A_939, %and3A_956 : i32
        %broadcast_in_dim3A_958 = vector.broadcast %and3A_957 : i32 to vector<16xi32>
        %bitcast3A_959 = vector.bitcast %broadcast_in_dim3A_958 : vector<16xi32> to vector<16xf32>
        %mul3A_960 = arith.mulf %bitcast3A_955, %get3A_945 : vector<16xf32>
        %add3A_961 = arith.addf %add3A_849, %mul3A_960 : vector<16xf32>
        %mul3A_962 = arith.mulf %bitcast3A_959, %get3A_951 : vector<16xf32>
        %add3A_963 = arith.addf %add3A_851, %mul3A_962 : vector<16xf32>
        %slice3A_964 = vector.extract_strided_slice %get3A_57 {offsets = [15], sizes = [1], strides = [1]} : vector<16xi32> to vector<1xi32>
        %squeeze3A_965 = vector.extract %slice3A_964[0] : i32 from vector<1xi32>
        %slice3A_966 = vector.extract_strided_slice %get3A_73 {offsets = [15], sizes = [1], strides = [1]} : vector<16xi32> to vector<1xi32>
        %squeeze3A_967 = vector.extract %slice3A_966[0] : i32 from vector<1xi32>
        %and3A_968 = arith.constant 4095 : i32
        %and3A_969 = arith.andi %squeeze3A_965, %and3A_968 : i32
        %mul3A_970 = arith.constant 16 : i32
        %mul3A_971 = arith.muli %and3A_969, %mul3A_970 : i32
        %get3A_972 = arith.index_cast %mul3A_971 : i32 to index
        %get3A_973 = tpu.vector_load %arg5[%get3A_972] {strides = array<i32>} : memref<65536xf32, #tpu.memory_space<vmem>>, vector<16xf32>,
        %and3A_974 = arith.constant 4095 : i32
        %and3A_975 = arith.andi %squeeze3A_967, %and3A_974 : i32
        %mul3A_976 = arith.constant 16 : i32
        %mul3A_977 = arith.muli %and3A_975, %mul3A_976 : i32
        %get3A_978 = arith.index_cast %mul3A_977 : i32 to index
        %get3A_979 = tpu.vector_load %arg5[%get3A_978] {strides = array<i32>} : memref<65536xf32, #tpu.memory_space<vmem>>, vector<16xf32>,
        %and3A_980 = arith.constant -4096 : i32
        %and3A_981 = arith.andi %squeeze3A_965, %and3A_980 : i32
        %broadcast_in_dim3A_982 = vector.broadcast %and3A_981 : i32 to vector<16xi32>
        %bitcast3A_983 = vector.bitcast %broadcast_in_dim3A_982 : vector<16xi32> to vector<16xf32>
        %and3A_984 = arith.constant -4096 : i32
        %and3A_985 = arith.andi %squeeze3A_967, %and3A_984 : i32
        %broadcast_in_dim3A_986 = vector.broadcast %and3A_985 : i32 to vector<16xi32>
        %bitcast3A_987 = vector.bitcast %broadcast_in_dim3A_986 : vector<16xi32> to vector<16xf32>
        %mul3A_988 = arith.mulf %bitcast3A_983, %get3A_973 : vector<16xf32>
        %add3A_989 = arith.addf %add3A_877, %mul3A_988 : vector<16xf32>
        %mul3A_990 = arith.mulf %bitcast3A_987, %get3A_979 : vector<16xf32>
        %add3A_991 = arith.addf %add3A_879, %mul3A_990 : vector<16xf32>
        %slice3A_992 = vector.extract_strided_slice %get3A_60 {offsets = [0], sizes = [1], strides = [1]} : vector<16xi32> to vector<1xi32>
        %squeeze3A_993 = vector.extract %slice3A_992[0] : i32 from vector<1xi32>
        %slice3A_994 = vector.extract_strided_slice %get3A_78 {offsets = [0], sizes = [1], strides = [1]} : vector<16xi32> to vector<1xi32>
        %squeeze3A_995 = vector.extract %slice3A_994[0] : i32 from vector<1xi32>
        %and3A_996 = arith.constant 4095 : i32
        %and3A_997 = arith.andi %squeeze3A_993, %and3A_996 : i32
        %mul3A_998 = arith.constant 16 : i32
        %mul3A_999 = arith.muli %and3A_997, %mul3A_998 : i32
        %get3A_1000 = arith.index_cast %mul3A_999 : i32 to index
        %get3A_1001 = tpu.vector_load %arg5[%get3A_1000] {strides = array<i32>} : memref<65536xf32, #tpu.memory_space<vmem>>, vector<16xf32>,
        %and3A_1002 = arith.constant 4095 : i32
        %and3A_1003 = arith.andi %squeeze3A_995, %and3A_1002 : i32
        %mul3A_1004 = arith.constant 16 : i32
        %mul3A_1005 = arith.muli %and3A_1003, %mul3A_1004 : i32
        %get3A_1006 = arith.index_cast %mul3A_1005 : i32 to index
        %get3A_1007 = tpu.vector_load %arg5[%get3A_1006] {strides = array<i32>} : memref<65536xf32, #tpu.memory_space<vmem>>, vector<16xf32>,
        %and3A_1008 = arith.constant -4096 : i32
        %and3A_1009 = arith.andi %squeeze3A_993, %and3A_1008 : i32
        %broadcast_in_dim3A_1010 = vector.broadcast %and3A_1009 : i32 to vector<16xi32>
        %bitcast3A_1011 = vector.bitcast %broadcast_in_dim3A_1010 : vector<16xi32> to vector<16xf32>
        %and3A_1012 = arith.constant -4096 : i32
        %and3A_1013 = arith.andi %squeeze3A_995, %and3A_1012 : i32
        %broadcast_in_dim3A_1014 = vector.broadcast %and3A_1013 : i32 to vector<16xi32>
        %bitcast3A_1015 = vector.bitcast %broadcast_in_dim3A_1014 : vector<16xi32> to vector<16xf32>
        %mul3A_1016 = arith.mulf %bitcast3A_1011, %get3A_1001 : vector<16xf32>
        %add3A_1017 = arith.addf %add3A_905, %mul3A_1016 : vector<16xf32>
        %mul3A_1018 = arith.mulf %bitcast3A_1015, %get3A_1007 : vector<16xf32>
        %add3A_1019 = arith.addf %add3A_907, %mul3A_1018 : vector<16xf32>
        %slice3A_1020 = vector.extract_strided_slice %get3A_60 {offsets = [1], sizes = [1], strides = [1]} : vector<16xi32> to vector<1xi32>
        %squeeze3A_1021 = vector.extract %slice3A_1020[0] : i32 from vector<1xi32>
        %slice3A_1022 = vector.extract_strided_slice %get3A_78 {offsets = [1], sizes = [1], strides = [1]} : vector<16xi32> to vector<1xi32>
        %squeeze3A_1023 = vector.extract %slice3A_1022[0] : i32 from vector<1xi32>
        %and3A_1024 = arith.constant 4095 : i32
        %and3A_1025 = arith.andi %squeeze3A_1021, %and3A_1024 : i32
        %mul3A_1026 = arith.constant 16 : i32
        %mul3A_1027 = arith.muli %and3A_1025, %mul3A_1026 : i32
        %get3A_1028 = arith.index_cast %mul3A_1027 : i32 to index
        %get3A_1029 = tpu.vector_load %arg5[%get3A_1028] {strides = array<i32>} : memref<65536xf32, #tpu.memory_space<vmem>>, vector<16xf32>,
        %and3A_1030 = arith.constant 4095 : i32
        %and3A_1031 = arith.andi %squeeze3A_1023, %and3A_1030 : i32
        %mul3A_1032 = arith.constant 16 : i32
        %mul3A_1033 = arith.muli %and3A_1031, %mul3A_1032 : i32
        %get3A_1034 = arith.index_cast %mul3A_1033 : i32 to index
        %get3A_1035 = tpu.vector_load %arg5[%get3A_1034] {strides = array<i32>} : memref<65536xf32, #tpu.memory_space<vmem>>, vector<16xf32>,
        %and3A_1036 = arith.constant -4096 : i32
        %and3A_1037 = arith.andi %squeeze3A_1021, %and3A_1036 : i32
        %broadcast_in_dim3A_1038 = vector.broadcast %and3A_1037 : i32 to vector<16xi32>
        %bitcast3A_1039 = vector.bitcast %broadcast_in_dim3A_1038 : vector<16xi32> to vector<16xf32>
        %and3A_1040 = arith.constant -4096 : i32
        %and3A_1041 = arith.andi %squeeze3A_1023, %and3A_1040 : i32
        %broadcast_in_dim3A_1042 = vector.broadcast %and3A_1041 : i32 to vector<16xi32>
        %bitcast3A_1043 = vector.bitcast %broadcast_in_dim3A_1042 : vector<16xi32> to vector<16xf32>
        %mul3A_1044 = arith.mulf %bitcast3A_1039, %get3A_1029 : vector<16xf32>
        %add3A_1045 = arith.addf %add3A_933, %mul3A_1044 : vector<16xf32>
        %mul3A_1046 = arith.mulf %bitcast3A_1043, %get3A_1035 : vector<16xf32>
        %add3A_1047 = arith.addf %add3A_935, %mul3A_1046 : vector<16xf32>
        %slice3A_1048 = vector.extract_strided_slice %get3A_60 {offsets = [2], sizes = [1], strides = [1]} : vector<16xi32> to vector<1xi32>
        %squeeze3A_1049 = vector.extract %slice3A_1048[0] : i32 from vector<1xi32>
        %slice3A_1050 = vector.extract_strided_slice %get3A_78 {offsets = [2], sizes = [1], strides = [1]} : vector<16xi32> to vector<1xi32>
        %squeeze3A_1051 = vector.extract %slice3A_1050[0] : i32 from vector<1xi32>
        %and3A_1052 = arith.constant 4095 : i32
        %and3A_1053 = arith.andi %squeeze3A_1049, %and3A_1052 : i32
        %mul3A_1054 = arith.constant 16 : i32
        %mul3A_1055 = arith.muli %and3A_1053, %mul3A_1054 : i32
        %get3A_1056 = arith.index_cast %mul3A_1055 : i32 to index
        %get3A_1057 = tpu.vector_load %arg5[%get3A_1056] {strides = array<i32>} : memref<65536xf32, #tpu.memory_space<vmem>>, vector<16xf32>,
        %and3A_1058 = arith.constant 4095 : i32
        %and3A_1059 = arith.andi %squeeze3A_1051, %and3A_1058 : i32
        %mul3A_1060 = arith.constant 16 : i32
        %mul3A_1061 = arith.muli %and3A_1059, %mul3A_1060 : i32
        %get3A_1062 = arith.index_cast %mul3A_1061 : i32 to index
        %get3A_1063 = tpu.vector_load %arg5[%get3A_1062] {strides = array<i32>} : memref<65536xf32, #tpu.memory_space<vmem>>, vector<16xf32>,
        %and3A_1064 = arith.constant -4096 : i32
        %and3A_1065 = arith.andi %squeeze3A_1049, %and3A_1064 : i32
        %broadcast_in_dim3A_1066 = vector.broadcast %and3A_1065 : i32 to vector<16xi32>
        %bitcast3A_1067 = vector.bitcast %broadcast_in_dim3A_1066 : vector<16xi32> to vector<16xf32>
        %and3A_1068 = arith.constant -4096 : i32
        %and3A_1069 = arith.andi %squeeze3A_1051, %and3A_1068 : i32
        %broadcast_in_dim3A_1070 = vector.broadcast %and3A_1069 : i32 to vector<16xi32>
        %bitcast3A_1071 = vector.bitcast %broadcast_in_dim3A_1070 : vector<16xi32> to vector<16xf32>
        %mul3A_1072 = arith.mulf %bitcast3A_1067, %get3A_1057 : vector<16xf32>
        %add3A_1073 = arith.addf %add3A_961, %mul3A_1072 : vector<16xf32>
        %mul3A_1074 = arith.mulf %bitcast3A_1071, %get3A_1063 : vector<16xf32>
        %add3A_1075 = arith.addf %add3A_963, %mul3A_1074 : vector<16xf32>
        %slice3A_1076 = vector.extract_strided_slice %get3A_60 {offsets = [3], sizes = [1], strides = [1]} : vector<16xi32> to vector<1xi32>
        %squeeze3A_1077 = vector.extract %slice3A_1076[0] : i32 from vector<1xi32>
        %slice3A_1078 = vector.extract_strided_slice %get3A_78 {offsets = [3], sizes = [1], strides = [1]} : vector<16xi32> to vector<1xi32>
        %squeeze3A_1079 = vector.extract %slice3A_1078[0] : i32 from vector<1xi32>
        %and3A_1080 = arith.constant 4095 : i32
        %and3A_1081 = arith.andi %squeeze3A_1077, %and3A_1080 : i32
        %mul3A_1082 = arith.constant 16 : i32
        %mul3A_1083 = arith.muli %and3A_1081, %mul3A_1082 : i32
        %get3A_1084 = arith.index_cast %mul3A_1083 : i32 to index
        %get3A_1085 = tpu.vector_load %arg5[%get3A_1084] {strides = array<i32>} : memref<65536xf32, #tpu.memory_space<vmem>>, vector<16xf32>,
        %and3A_1086 = arith.constant 4095 : i32
        %and3A_1087 = arith.andi %squeeze3A_1079, %and3A_1086 : i32
        %mul3A_1088 = arith.constant 16 : i32
        %mul3A_1089 = arith.muli %and3A_1087, %mul3A_1088 : i32
        %get3A_1090 = arith.index_cast %mul3A_1089 : i32 to index
        %get3A_1091 = tpu.vector_load %arg5[%get3A_1090] {strides = array<i32>} : memref<65536xf32, #tpu.memory_space<vmem>>, vector<16xf32>,
        %and3A_1092 = arith.constant -4096 : i32
        %and3A_1093 = arith.andi %squeeze3A_1077, %and3A_1092 : i32
        %broadcast_in_dim3A_1094 = vector.broadcast %and3A_1093 : i32 to vector<16xi32>
        %bitcast3A_1095 = vector.bitcast %broadcast_in_dim3A_1094 : vector<16xi32> to vector<16xf32>
        %and3A_1096 = arith.constant -4096 : i32
        %and3A_1097 = arith.andi %squeeze3A_1079, %and3A_1096 : i32
        %broadcast_in_dim3A_1098 = vector.broadcast %and3A_1097 : i32 to vector<16xi32>
        %bitcast3A_1099 = vector.bitcast %broadcast_in_dim3A_1098 : vector<16xi32> to vector<16xf32>
        %mul3A_1100 = arith.mulf %bitcast3A_1095, %get3A_1085 : vector<16xf32>
        %add3A_1101 = arith.addf %add3A_989, %mul3A_1100 : vector<16xf32>
        %mul3A_1102 = arith.mulf %bitcast3A_1099, %get3A_1091 : vector<16xf32>
        %add3A_1103 = arith.addf %add3A_991, %mul3A_1102 : vector<16xf32>
        %slice3A_1104 = vector.extract_strided_slice %get3A_60 {offsets = [4], sizes = [1], strides = [1]} : vector<16xi32> to vector<1xi32>
        %squeeze3A_1105 = vector.extract %slice3A_1104[0] : i32 from vector<1xi32>
        %slice3A_1106 = vector.extract_strided_slice %get3A_78 {offsets = [4], sizes = [1], strides = [1]} : vector<16xi32> to vector<1xi32>
        %squeeze3A_1107 = vector.extract %slice3A_1106[0] : i32 from vector<1xi32>
        %and3A_1108 = arith.constant 4095 : i32
        %and3A_1109 = arith.andi %squeeze3A_1105, %and3A_1108 : i32
        %mul3A_1110 = arith.constant 16 : i32
        %mul3A_1111 = arith.muli %and3A_1109, %mul3A_1110 : i32
        %get3A_1112 = arith.index_cast %mul3A_1111 : i32 to index
        %get3A_1113 = tpu.vector_load %arg5[%get3A_1112] {strides = array<i32>} : memref<65536xf32, #tpu.memory_space<vmem>>, vector<16xf32>,
        %and3A_1114 = arith.constant 4095 : i32
        %and3A_1115 = arith.andi %squeeze3A_1107, %and3A_1114 : i32
        %mul3A_1116 = arith.constant 16 : i32
        %mul3A_1117 = arith.muli %and3A_1115, %mul3A_1116 : i32
        %get3A_1118 = arith.index_cast %mul3A_1117 : i32 to index
        %get3A_1119 = tpu.vector_load %arg5[%get3A_1118] {strides = array<i32>} : memref<65536xf32, #tpu.memory_space<vmem>>, vector<16xf32>,
        %and3A_1120 = arith.constant -4096 : i32
        %and3A_1121 = arith.andi %squeeze3A_1105, %and3A_1120 : i32
        %broadcast_in_dim3A_1122 = vector.broadcast %and3A_1121 : i32 to vector<16xi32>
        %bitcast3A_1123 = vector.bitcast %broadcast_in_dim3A_1122 : vector<16xi32> to vector<16xf32>
        %and3A_1124 = arith.constant -4096 : i32
        %and3A_1125 = arith.andi %squeeze3A_1107, %and3A_1124 : i32
        %broadcast_in_dim3A_1126 = vector.broadcast %and3A_1125 : i32 to vector<16xi32>
        %bitcast3A_1127 = vector.bitcast %broadcast_in_dim3A_1126 : vector<16xi32> to vector<16xf32>
        %mul3A_1128 = arith.mulf %bitcast3A_1123, %get3A_1113 : vector<16xf32>
        %add3A_1129 = arith.addf %add3A_1017, %mul3A_1128 : vector<16xf32>
        %mul3A_1130 = arith.mulf %bitcast3A_1127, %get3A_1119 : vector<16xf32>
        %add3A_1131 = arith.addf %add3A_1019, %mul3A_1130 : vector<16xf32>
        %slice3A_1132 = vector.extract_strided_slice %get3A_60 {offsets = [5], sizes = [1], strides = [1]} : vector<16xi32> to vector<1xi32>
        %squeeze3A_1133 = vector.extract %slice3A_1132[0] : i32 from vector<1xi32>
        %slice3A_1134 = vector.extract_strided_slice %get3A_78 {offsets = [5], sizes = [1], strides = [1]} : vector<16xi32> to vector<1xi32>
        %squeeze3A_1135 = vector.extract %slice3A_1134[0] : i32 from vector<1xi32>
        %and3A_1136 = arith.constant 4095 : i32
        %and3A_1137 = arith.andi %squeeze3A_1133, %and3A_1136 : i32
        %mul3A_1138 = arith.constant 16 : i32
        %mul3A_1139 = arith.muli %and3A_1137, %mul3A_1138 : i32
        %get3A_1140 = arith.index_cast %mul3A_1139 : i32 to index
        %get3A_1141 = tpu.vector_load %arg5[%get3A_1140] {strides = array<i32>} : memref<65536xf32, #tpu.memory_space<vmem>>, vector<16xf32>,
        %and3A_1142 = arith.constant 4095 : i32
        %and3A_1143 = arith.andi %squeeze3A_1135, %and3A_1142 : i32
        %mul3A_1144 = arith.constant 16 : i32
        %mul3A_1145 = arith.muli %and3A_1143, %mul3A_1144 : i32
        %get3A_1146 = arith.index_cast %mul3A_1145 : i32 to index
        %get3A_1147 = tpu.vector_load %arg5[%get3A_1146] {strides = array<i32>} : memref<65536xf32, #tpu.memory_space<vmem>>, vector<16xf32>,
        %and3A_1148 = arith.constant -4096 : i32
        %and3A_1149 = arith.andi %squeeze3A_1133, %and3A_1148 : i32
        %broadcast_in_dim3A_1150 = vector.broadcast %and3A_1149 : i32 to vector<16xi32>
        %bitcast3A_1151 = vector.bitcast %broadcast_in_dim3A_1150 : vector<16xi32> to vector<16xf32>
        %and3A_1152 = arith.constant -4096 : i32
        %and3A_1153 = arith.andi %squeeze3A_1135, %and3A_1152 : i32
        %broadcast_in_dim3A_1154 = vector.broadcast %and3A_1153 : i32 to vector<16xi32>
        %bitcast3A_1155 = vector.bitcast %broadcast_in_dim3A_1154 : vector<16xi32> to vector<16xf32>
        %mul3A_1156 = arith.mulf %bitcast3A_1151, %get3A_1141 : vector<16xf32>
        %add3A_1157 = arith.addf %add3A_1045, %mul3A_1156 : vector<16xf32>
        %mul3A_1158 = arith.mulf %bitcast3A_1155, %get3A_1147 : vector<16xf32>
        %add3A_1159 = arith.addf %add3A_1047, %mul3A_1158 : vector<16xf32>
        %slice3A_1160 = vector.extract_strided_slice %get3A_60 {offsets = [6], sizes = [1], strides = [1]} : vector<16xi32> to vector<1xi32>
        %squeeze3A_1161 = vector.extract %slice3A_1160[0] : i32 from vector<1xi32>
        %slice3A_1162 = vector.extract_strided_slice %get3A_78 {offsets = [6], sizes = [1], strides = [1]} : vector<16xi32> to vector<1xi32>
        %squeeze3A_1163 = vector.extract %slice3A_1162[0] : i32 from vector<1xi32>
        %and3A_1164 = arith.constant 4095 : i32
        %and3A_1165 = arith.andi %squeeze3A_1161, %and3A_1164 : i32
        %mul3A_1166 = arith.constant 16 : i32
        %mul3A_1167 = arith.muli %and3A_1165, %mul3A_1166 : i32
        %get3A_1168 = arith.index_cast %mul3A_1167 : i32 to index
        %get3A_1169 = tpu.vector_load %arg5[%get3A_1168] {strides = array<i32>} : memref<65536xf32, #tpu.memory_space<vmem>>, vector<16xf32>,
        %and3A_1170 = arith.constant 4095 : i32
        %and3A_1171 = arith.andi %squeeze3A_1163, %and3A_1170 : i32
        %mul3A_1172 = arith.constant 16 : i32
        %mul3A_1173 = arith.muli %and3A_1171, %mul3A_1172 : i32
        %get3A_1174 = arith.index_cast %mul3A_1173 : i32 to index
        %get3A_1175 = tpu.vector_load %arg5[%get3A_1174] {strides = array<i32>} : memref<65536xf32, #tpu.memory_space<vmem>>, vector<16xf32>,
        %and3A_1176 = arith.constant -4096 : i32
        %and3A_1177 = arith.andi %squeeze3A_1161, %and3A_1176 : i32
        %broadcast_in_dim3A_1178 = vector.broadcast %and3A_1177 : i32 to vector<16xi32>
        %bitcast3A_1179 = vector.bitcast %broadcast_in_dim3A_1178 : vector<16xi32> to vector<16xf32>
        %and3A_1180 = arith.constant -4096 : i32
        %and3A_1181 = arith.andi %squeeze3A_1163, %and3A_1180 : i32
        %broadcast_in_dim3A_1182 = vector.broadcast %and3A_1181 : i32 to vector<16xi32>
        %bitcast3A_1183 = vector.bitcast %broadcast_in_dim3A_1182 : vector<16xi32> to vector<16xf32>
        %mul3A_1184 = arith.mulf %bitcast3A_1179, %get3A_1169 : vector<16xf32>
        %add3A_1185 = arith.addf %add3A_1073, %mul3A_1184 : vector<16xf32>
        %mul3A_1186 = arith.mulf %bitcast3A_1183, %get3A_1175 : vector<16xf32>
        %add3A_1187 = arith.addf %add3A_1075, %mul3A_1186 : vector<16xf32>
        %slice3A_1188 = vector.extract_strided_slice %get3A_60 {offsets = [7], sizes = [1], strides = [1]} : vector<16xi32> to vector<1xi32>
        %squeeze3A_1189 = vector.extract %slice3A_1188[0] : i32 from vector<1xi32>
        %slice3A_1190 = vector.extract_strided_slice %get3A_78 {offsets = [7], sizes = [1], strides = [1]} : vector<16xi32> to vector<1xi32>
        %squeeze3A_1191 = vector.extract %slice3A_1190[0] : i32 from vector<1xi32>
        %and3A_1192 = arith.constant 4095 : i32
        %and3A_1193 = arith.andi %squeeze3A_1189, %and3A_1192 : i32
        %mul3A_1194 = arith.constant 16 : i32
        %mul3A_1195 = arith.muli %and3A_1193, %mul3A_1194 : i32
        %get3A_1196 = arith.index_cast %mul3A_1195 : i32 to index
        %get3A_1197 = tpu.vector_load %arg5[%get3A_1196] {strides = array<i32>} : memref<65536xf32, #tpu.memory_space<vmem>>, vector<16xf32>,
        %and3A_1198 = arith.constant 4095 : i32
        %and3A_1199 = arith.andi %squeeze3A_1191, %and3A_1198 : i32
        %mul3A_1200 = arith.constant 16 : i32
        %mul3A_1201 = arith.muli %and3A_1199, %mul3A_1200 : i32
        %get3A_1202 = arith.index_cast %mul3A_1201 : i32 to index
        %get3A_1203 = tpu.vector_load %arg5[%get3A_1202] {strides = array<i32>} : memref<65536xf32, #tpu.memory_space<vmem>>, vector<16xf32>,
        %and3A_1204 = arith.constant -4096 : i32
        %and3A_1205 = arith.andi %squeeze3A_1189, %and3A_1204 : i32
        %broadcast_in_dim3A_1206 = vector.broadcast %and3A_1205 : i32 to vector<16xi32>
        %bitcast3A_1207 = vector.bitcast %broadcast_in_dim3A_1206 : vector<16xi32> to vector<16xf32>
        %and3A_1208 = arith.constant -4096 : i32
        %and3A_1209 = arith.andi %squeeze3A_1191, %and3A_1208 : i32
        %broadcast_in_dim3A_1210 = vector.broadcast %and3A_1209 : i32 to vector<16xi32>
        %bitcast3A_1211 = vector.bitcast %broadcast_in_dim3A_1210 : vector<16xi32> to vector<16xf32>
        %mul3A_1212 = arith.mulf %bitcast3A_1207, %get3A_1197 : vector<16xf32>
        %add3A_1213 = arith.addf %add3A_1101, %mul3A_1212 : vector<16xf32>
        %mul3A_1214 = arith.mulf %bitcast3A_1211, %get3A_1203 : vector<16xf32>
        %add3A_1215 = arith.addf %add3A_1103, %mul3A_1214 : vector<16xf32>
        %slice3A_1216 = vector.extract_strided_slice %get3A_60 {offsets = [8], sizes = [1], strides = [1]} : vector<16xi32> to vector<1xi32>
        %squeeze3A_1217 = vector.extract %slice3A_1216[0] : i32 from vector<1xi32>
        %slice3A_1218 = vector.extract_strided_slice %get3A_78 {offsets = [8], sizes = [1], strides = [1]} : vector<16xi32> to vector<1xi32>
        %squeeze3A_1219 = vector.extract %slice3A_1218[0] : i32 from vector<1xi32>
        %and3A_1220 = arith.constant 4095 : i32
        %and3A_1221 = arith.andi %squeeze3A_1217, %and3A_1220 : i32
        %mul3A_1222 = arith.constant 16 : i32
        %mul3A_1223 = arith.muli %and3A_1221, %mul3A_1222 : i32
        %get3A_1224 = arith.index_cast %mul3A_1223 : i32 to index
        %get3A_1225 = tpu.vector_load %arg5[%get3A_1224] {strides = array<i32>} : memref<65536xf32, #tpu.memory_space<vmem>>, vector<16xf32>,
        %and3A_1226 = arith.constant 4095 : i32
        %and3A_1227 = arith.andi %squeeze3A_1219, %and3A_1226 : i32
        %mul3A_1228 = arith.constant 16 : i32
        %mul3A_1229 = arith.muli %and3A_1227, %mul3A_1228 : i32
        %get3A_1230 = arith.index_cast %mul3A_1229 : i32 to index
        %get3A_1231 = tpu.vector_load %arg5[%get3A_1230] {strides = array<i32>} : memref<65536xf32, #tpu.memory_space<vmem>>, vector<16xf32>,
        %and3A_1232 = arith.constant -4096 : i32
        %and3A_1233 = arith.andi %squeeze3A_1217, %and3A_1232 : i32
        %broadcast_in_dim3A_1234 = vector.broadcast %and3A_1233 : i32 to vector<16xi32>
        %bitcast3A_1235 = vector.bitcast %broadcast_in_dim3A_1234 : vector<16xi32> to vector<16xf32>
        %and3A_1236 = arith.constant -4096 : i32
        %and3A_1237 = arith.andi %squeeze3A_1219, %and3A_1236 : i32
        %broadcast_in_dim3A_1238 = vector.broadcast %and3A_1237 : i32 to vector<16xi32>
        %bitcast3A_1239 = vector.bitcast %broadcast_in_dim3A_1238 : vector<16xi32> to vector<16xf32>
        %mul3A_1240 = arith.mulf %bitcast3A_1235, %get3A_1225 : vector<16xf32>
        %add3A_1241 = arith.addf %add3A_1129, %mul3A_1240 : vector<16xf32>
        %mul3A_1242 = arith.mulf %bitcast3A_1239, %get3A_1231 : vector<16xf32>
        %add3A_1243 = arith.addf %add3A_1131, %mul3A_1242 : vector<16xf32>
        %slice3A_1244 = vector.extract_strided_slice %get3A_60 {offsets = [9], sizes = [1], strides = [1]} : vector<16xi32> to vector<1xi32>
        %squeeze3A_1245 = vector.extract %slice3A_1244[0] : i32 from vector<1xi32>
        %slice3A_1246 = vector.extract_strided_slice %get3A_78 {offsets = [9], sizes = [1], strides = [1]} : vector<16xi32> to vector<1xi32>
        %squeeze3A_1247 = vector.extract %slice3A_1246[0] : i32 from vector<1xi32>
        %and3A_1248 = arith.constant 4095 : i32
        %and3A_1249 = arith.andi %squeeze3A_1245, %and3A_1248 : i32
        %mul3A_1250 = arith.constant 16 : i32
        %mul3A_1251 = arith.muli %and3A_1249, %mul3A_1250 : i32
        %get3A_1252 = arith.index_cast %mul3A_1251 : i32 to index
        %get3A_1253 = tpu.vector_load %arg5[%get3A_1252] {strides = array<i32>} : memref<65536xf32, #tpu.memory_space<vmem>>, vector<16xf32>,
        %and3A_1254 = arith.constant 4095 : i32
        %and3A_1255 = arith.andi %squeeze3A_1247, %and3A_1254 : i32
        %mul3A_1256 = arith.constant 16 : i32
        %mul3A_1257 = arith.muli %and3A_1255, %mul3A_1256 : i32
        %get3A_1258 = arith.index_cast %mul3A_1257 : i32 to index
        %get3A_1259 = tpu.vector_load %arg5[%get3A_1258] {strides = array<i32>} : memref<65536xf32, #tpu.memory_space<vmem>>, vector<16xf32>,
        %and3A_1260 = arith.constant -4096 : i32
        %and3A_1261 = arith.andi %squeeze3A_1245, %and3A_1260 : i32
        %broadcast_in_dim3A_1262 = vector.broadcast %and3A_1261 : i32 to vector<16xi32>
        %bitcast3A_1263 = vector.bitcast %broadcast_in_dim3A_1262 : vector<16xi32> to vector<16xf32>
        %and3A_1264 = arith.constant -4096 : i32
        %and3A_1265 = arith.andi %squeeze3A_1247, %and3A_1264 : i32
        %broadcast_in_dim3A_1266 = vector.broadcast %and3A_1265 : i32 to vector<16xi32>
        %bitcast3A_1267 = vector.bitcast %broadcast_in_dim3A_1266 : vector<16xi32> to vector<16xf32>
        %mul3A_1268 = arith.mulf %bitcast3A_1263, %get3A_1253 : vector<16xf32>
        %add3A_1269 = arith.addf %add3A_1157, %mul3A_1268 : vector<16xf32>
        %mul3A_1270 = arith.mulf %bitcast3A_1267, %get3A_1259 : vector<16xf32>
        %add3A_1271 = arith.addf %add3A_1159, %mul3A_1270 : vector<16xf32>
        %slice3A_1272 = vector.extract_strided_slice %get3A_60 {offsets = [10], sizes = [1], strides = [1]} : vector<16xi32> to vector<1xi32>
        %squeeze3A_1273 = vector.extract %slice3A_1272[0] : i32 from vector<1xi32>
        %slice3A_1274 = vector.extract_strided_slice %get3A_78 {offsets = [10], sizes = [1], strides = [1]} : vector<16xi32> to vector<1xi32>
        %squeeze3A_1275 = vector.extract %slice3A_1274[0] : i32 from vector<1xi32>
        %and3A_1276 = arith.constant 4095 : i32
        %and3A_1277 = arith.andi %squeeze3A_1273, %and3A_1276 : i32
        %mul3A_1278 = arith.constant 16 : i32
        %mul3A_1279 = arith.muli %and3A_1277, %mul3A_1278 : i32
        %get3A_1280 = arith.index_cast %mul3A_1279 : i32 to index
        %get3A_1281 = tpu.vector_load %arg5[%get3A_1280] {strides = array<i32>} : memref<65536xf32, #tpu.memory_space<vmem>>, vector<16xf32>,
        %and3A_1282 = arith.constant 4095 : i32
        %and3A_1283 = arith.andi %squeeze3A_1275, %and3A_1282 : i32
        %mul3A_1284 = arith.constant 16 : i32
        %mul3A_1285 = arith.muli %and3A_1283, %mul3A_1284 : i32
        %get3A_1286 = arith.index_cast %mul3A_1285 : i32 to index
        %get3A_1287 = tpu.vector_load %arg5[%get3A_1286] {strides = array<i32>} : memref<65536xf32, #tpu.memory_space<vmem>>, vector<16xf32>,
        %and3A_1288 = arith.constant -4096 : i32
        %and3A_1289 = arith.andi %squeeze3A_1273, %and3A_1288 : i32
        %broadcast_in_dim3A_1290 = vector.broadcast %and3A_1289 : i32 to vector<16xi32>
        %bitcast3A_1291 = vector.bitcast %broadcast_in_dim3A_1290 : vector<16xi32> to vector<16xf32>
        %and3A_1292 = arith.constant -4096 : i32
        %and3A_1293 = arith.andi %squeeze3A_1275, %and3A_1292 : i32
        %broadcast_in_dim3A_1294 = vector.broadcast %and3A_1293 : i32 to vector<16xi32>
        %bitcast3A_1295 = vector.bitcast %broadcast_in_dim3A_1294 : vector<16xi32> to vector<16xf32>
        %mul3A_1296 = arith.mulf %bitcast3A_1291, %get3A_1281 : vector<16xf32>
        %add3A_1297 = arith.addf %add3A_1185, %mul3A_1296 : vector<16xf32>
        %mul3A_1298 = arith.mulf %bitcast3A_1295, %get3A_1287 : vector<16xf32>
        %add3A_1299 = arith.addf %add3A_1187, %mul3A_1298 : vector<16xf32>
        %slice3A_1300 = vector.extract_strided_slice %get3A_60 {offsets = [11], sizes = [1], strides = [1]} : vector<16xi32> to vector<1xi32>
        %squeeze3A_1301 = vector.extract %slice3A_1300[0] : i32 from vector<1xi32>
        %slice3A_1302 = vector.extract_strided_slice %get3A_78 {offsets = [11], sizes = [1], strides = [1]} : vector<16xi32> to vector<1xi32>
        %squeeze3A_1303 = vector.extract %slice3A_1302[0] : i32 from vector<1xi32>
        %and3A_1304 = arith.constant 4095 : i32
        %and3A_1305 = arith.andi %squeeze3A_1301, %and3A_1304 : i32
        %mul3A_1306 = arith.constant 16 : i32
        %mul3A_1307 = arith.muli %and3A_1305, %mul3A_1306 : i32
        %get3A_1308 = arith.index_cast %mul3A_1307 : i32 to index
        %get3A_1309 = tpu.vector_load %arg5[%get3A_1308] {strides = array<i32>} : memref<65536xf32, #tpu.memory_space<vmem>>, vector<16xf32>,
        %and3A_1310 = arith.constant 4095 : i32
        %and3A_1311 = arith.andi %squeeze3A_1303, %and3A_1310 : i32
        %mul3A_1312 = arith.constant 16 : i32
        %mul3A_1313 = arith.muli %and3A_1311, %mul3A_1312 : i32
        %get3A_1314 = arith.index_cast %mul3A_1313 : i32 to index
        %get3A_1315 = tpu.vector_load %arg5[%get3A_1314] {strides = array<i32>} : memref<65536xf32, #tpu.memory_space<vmem>>, vector<16xf32>,
        %and3A_1316 = arith.constant -4096 : i32
        %and3A_1317 = arith.andi %squeeze3A_1301, %and3A_1316 : i32
        %broadcast_in_dim3A_1318 = vector.broadcast %and3A_1317 : i32 to vector<16xi32>
        %bitcast3A_1319 = vector.bitcast %broadcast_in_dim3A_1318 : vector<16xi32> to vector<16xf32>
        %and3A_1320 = arith.constant -4096 : i32
        %and3A_1321 = arith.andi %squeeze3A_1303, %and3A_1320 : i32
        %broadcast_in_dim3A_1322 = vector.broadcast %and3A_1321 : i32 to vector<16xi32>
        %bitcast3A_1323 = vector.bitcast %broadcast_in_dim3A_1322 : vector<16xi32> to vector<16xf32>
        %mul3A_1324 = arith.mulf %bitcast3A_1319, %get3A_1309 : vector<16xf32>
        %add3A_1325 = arith.addf %add3A_1213, %mul3A_1324 : vector<16xf32>
        %mul3A_1326 = arith.mulf %bitcast3A_1323, %get3A_1315 : vector<16xf32>
        %add3A_1327 = arith.addf %add3A_1215, %mul3A_1326 : vector<16xf32>
        %slice3A_1328 = vector.extract_strided_slice %get3A_60 {offsets = [12], sizes = [1], strides = [1]} : vector<16xi32> to vector<1xi32>
        %squeeze3A_1329 = vector.extract %slice3A_1328[0] : i32 from vector<1xi32>
        %slice3A_1330 = vector.extract_strided_slice %get3A_78 {offsets = [12], sizes = [1], strides = [1]} : vector<16xi32> to vector<1xi32>
        %squeeze3A_1331 = vector.extract %slice3A_1330[0] : i32 from vector<1xi32>
        %and3A_1332 = arith.constant 4095 : i32
        %and3A_1333 = arith.andi %squeeze3A_1329, %and3A_1332 : i32
        %mul3A_1334 = arith.constant 16 : i32
        %mul3A_1335 = arith.muli %and3A_1333, %mul3A_1334 : i32
        %get3A_1336 = arith.index_cast %mul3A_1335 : i32 to index
        %get3A_1337 = tpu.vector_load %arg5[%get3A_1336] {strides = array<i32>} : memref<65536xf32, #tpu.memory_space<vmem>>, vector<16xf32>,
        %and3A_1338 = arith.constant 4095 : i32
        %and3A_1339 = arith.andi %squeeze3A_1331, %and3A_1338 : i32
        %mul3A_1340 = arith.constant 16 : i32
        %mul3A_1341 = arith.muli %and3A_1339, %mul3A_1340 : i32
        %get3A_1342 = arith.index_cast %mul3A_1341 : i32 to index
        %get3A_1343 = tpu.vector_load %arg5[%get3A_1342] {strides = array<i32>} : memref<65536xf32, #tpu.memory_space<vmem>>, vector<16xf32>,
        %and3A_1344 = arith.constant -4096 : i32
        %and3A_1345 = arith.andi %squeeze3A_1329, %and3A_1344 : i32
        %broadcast_in_dim3A_1346 = vector.broadcast %and3A_1345 : i32 to vector<16xi32>
        %bitcast3A_1347 = vector.bitcast %broadcast_in_dim3A_1346 : vector<16xi32> to vector<16xf32>
        %and3A_1348 = arith.constant -4096 : i32
        %and3A_1349 = arith.andi %squeeze3A_1331, %and3A_1348 : i32
        %broadcast_in_dim3A_1350 = vector.broadcast %and3A_1349 : i32 to vector<16xi32>
        %bitcast3A_1351 = vector.bitcast %broadcast_in_dim3A_1350 : vector<16xi32> to vector<16xf32>
        %mul3A_1352 = arith.mulf %bitcast3A_1347, %get3A_1337 : vector<16xf32>
        %add3A_1353 = arith.addf %add3A_1241, %mul3A_1352 : vector<16xf32>
        %mul3A_1354 = arith.mulf %bitcast3A_1351, %get3A_1343 : vector<16xf32>
        %add3A_1355 = arith.addf %add3A_1243, %mul3A_1354 : vector<16xf32>
        %slice3A_1356 = vector.extract_strided_slice %get3A_60 {offsets = [13], sizes = [1], strides = [1]} : vector<16xi32> to vector<1xi32>
        %squeeze3A_1357 = vector.extract %slice3A_1356[0] : i32 from vector<1xi32>
        %slice3A_1358 = vector.extract_strided_slice %get3A_78 {offsets = [13], sizes = [1], strides = [1]} : vector<16xi32> to vector<1xi32>
        %squeeze3A_1359 = vector.extract %slice3A_1358[0] : i32 from vector<1xi32>
        %and3A_1360 = arith.constant 4095 : i32
        %and3A_1361 = arith.andi %squeeze3A_1357, %and3A_1360 : i32
        %mul3A_1362 = arith.constant 16 : i32
        %mul3A_1363 = arith.muli %and3A_1361, %mul3A_1362 : i32
        %get3A_1364 = arith.index_cast %mul3A_1363 : i32 to index
        %get3A_1365 = tpu.vector_load %arg5[%get3A_1364] {strides = array<i32>} : memref<65536xf32, #tpu.memory_space<vmem>>, vector<16xf32>,
        %and3A_1366 = arith.constant 4095 : i32
        %and3A_1367 = arith.andi %squeeze3A_1359, %and3A_1366 : i32
        %mul3A_1368 = arith.constant 16 : i32
        %mul3A_1369 = arith.muli %and3A_1367, %mul3A_1368 : i32
        %get3A_1370 = arith.index_cast %mul3A_1369 : i32 to index
        %get3A_1371 = tpu.vector_load %arg5[%get3A_1370] {strides = array<i32>} : memref<65536xf32, #tpu.memory_space<vmem>>, vector<16xf32>,
        %and3A_1372 = arith.constant -4096 : i32
        %and3A_1373 = arith.andi %squeeze3A_1357, %and3A_1372 : i32
        %broadcast_in_dim3A_1374 = vector.broadcast %and3A_1373 : i32 to vector<16xi32>
        %bitcast3A_1375 = vector.bitcast %broadcast_in_dim3A_1374 : vector<16xi32> to vector<16xf32>
        %and3A_1376 = arith.constant -4096 : i32
        %and3A_1377 = arith.andi %squeeze3A_1359, %and3A_1376 : i32
        %broadcast_in_dim3A_1378 = vector.broadcast %and3A_1377 : i32 to vector<16xi32>
        %bitcast3A_1379 = vector.bitcast %broadcast_in_dim3A_1378 : vector<16xi32> to vector<16xf32>
        %mul3A_1380 = arith.mulf %bitcast3A_1375, %get3A_1365 : vector<16xf32>
        %add3A_1381 = arith.addf %add3A_1269, %mul3A_1380 : vector<16xf32>
        %mul3A_1382 = arith.mulf %bitcast3A_1379, %get3A_1371 : vector<16xf32>
        %add3A_1383 = arith.addf %add3A_1271, %mul3A_1382 : vector<16xf32>
        %slice3A_1384 = vector.extract_strided_slice %get3A_60 {offsets = [14], sizes = [1], strides = [1]} : vector<16xi32> to vector<1xi32>
        %squeeze3A_1385 = vector.extract %slice3A_1384[0] : i32 from vector<1xi32>
        %slice3A_1386 = vector.extract_strided_slice %get3A_78 {offsets = [14], sizes = [1], strides = [1]} : vector<16xi32> to vector<1xi32>
        %squeeze3A_1387 = vector.extract %slice3A_1386[0] : i32 from vector<1xi32>
        %and3A_1388 = arith.constant 4095 : i32
        %and3A_1389 = arith.andi %squeeze3A_1385, %and3A_1388 : i32
        %mul3A_1390 = arith.constant 16 : i32
        %mul3A_1391 = arith.muli %and3A_1389, %mul3A_1390 : i32
        %get3A_1392 = arith.index_cast %mul3A_1391 : i32 to index
        %get3A_1393 = tpu.vector_load %arg5[%get3A_1392] {strides = array<i32>} : memref<65536xf32, #tpu.memory_space<vmem>>, vector<16xf32>,
        %and3A_1394 = arith.constant 4095 : i32
        %and3A_1395 = arith.andi %squeeze3A_1387, %and3A_1394 : i32
        %mul3A_1396 = arith.constant 16 : i32
        %mul3A_1397 = arith.muli %and3A_1395, %mul3A_1396 : i32
        %get3A_1398 = arith.index_cast %mul3A_1397 : i32 to index
        %get3A_1399 = tpu.vector_load %arg5[%get3A_1398] {strides = array<i32>} : memref<65536xf32, #tpu.memory_space<vmem>>, vector<16xf32>,
        %and3A_1400 = arith.constant -4096 : i32
        %and3A_1401 = arith.andi %squeeze3A_1385, %and3A_1400 : i32
        %broadcast_in_dim3A_1402 = vector.broadcast %and3A_1401 : i32 to vector<16xi32>
        %bitcast3A_1403 = vector.bitcast %broadcast_in_dim3A_1402 : vector<16xi32> to vector<16xf32>
        %and3A_1404 = arith.constant -4096 : i32
        %and3A_1405 = arith.andi %squeeze3A_1387, %and3A_1404 : i32
        %broadcast_in_dim3A_1406 = vector.broadcast %and3A_1405 : i32 to vector<16xi32>
        %bitcast3A_1407 = vector.bitcast %broadcast_in_dim3A_1406 : vector<16xi32> to vector<16xf32>
        %mul3A_1408 = arith.mulf %bitcast3A_1403, %get3A_1393 : vector<16xf32>
        %add3A_1409 = arith.addf %add3A_1297, %mul3A_1408 : vector<16xf32>
        %mul3A_1410 = arith.mulf %bitcast3A_1407, %get3A_1399 : vector<16xf32>
        %add3A_1411 = arith.addf %add3A_1299, %mul3A_1410 : vector<16xf32>
        %slice3A_1412 = vector.extract_strided_slice %get3A_60 {offsets = [15], sizes = [1], strides = [1]} : vector<16xi32> to vector<1xi32>
        %squeeze3A_1413 = vector.extract %slice3A_1412[0] : i32 from vector<1xi32>
        %slice3A_1414 = vector.extract_strided_slice %get3A_78 {offsets = [15], sizes = [1], strides = [1]} : vector<16xi32> to vector<1xi32>
        %squeeze3A_1415 = vector.extract %slice3A_1414[0] : i32 from vector<1xi32>
        %and3A_1416 = arith.constant 4095 : i32
        %and3A_1417 = arith.andi %squeeze3A_1413, %and3A_1416 : i32
        %mul3A_1418 = arith.constant 16 : i32
        %mul3A_1419 = arith.muli %and3A_1417, %mul3A_1418 : i32
        %get3A_1420 = arith.index_cast %mul3A_1419 : i32 to index
        %get3A_1421 = tpu.vector_load %arg5[%get3A_1420] {strides = array<i32>} : memref<65536xf32, #tpu.memory_space<vmem>>, vector<16xf32>,
        %and3A_1422 = arith.constant 4095 : i32
        %and3A_1423 = arith.andi %squeeze3A_1415, %and3A_1422 : i32
        %mul3A_1424 = arith.constant 16 : i32
        %mul3A_1425 = arith.muli %and3A_1423, %mul3A_1424 : i32
        %get3A_1426 = arith.index_cast %mul3A_1425 : i32 to index
        %get3A_1427 = tpu.vector_load %arg5[%get3A_1426] {strides = array<i32>} : memref<65536xf32, #tpu.memory_space<vmem>>, vector<16xf32>,
        %and3A_1428 = arith.constant -4096 : i32
        %and3A_1429 = arith.andi %squeeze3A_1413, %and3A_1428 : i32
        %broadcast_in_dim3A_1430 = vector.broadcast %and3A_1429 : i32 to vector<16xi32>
        %bitcast3A_1431 = vector.bitcast %broadcast_in_dim3A_1430 : vector<16xi32> to vector<16xf32>
        %and3A_1432 = arith.constant -4096 : i32
        %and3A_1433 = arith.andi %squeeze3A_1415, %and3A_1432 : i32
        %broadcast_in_dim3A_1434 = vector.broadcast %and3A_1433 : i32 to vector<16xi32>
        %bitcast3A_1435 = vector.bitcast %broadcast_in_dim3A_1434 : vector<16xi32> to vector<16xf32>
        %mul3A_1436 = arith.mulf %bitcast3A_1431, %get3A_1421 : vector<16xf32>
        %add3A_1437 = arith.addf %add3A_1325, %mul3A_1436 : vector<16xf32>
        %mul3A_1438 = arith.mulf %bitcast3A_1435, %get3A_1427 : vector<16xf32>
        %add3A_1439 = arith.addf %add3A_1327, %mul3A_1438 : vector<16xf32>
        %slice3A_1440 = vector.extract_strided_slice %get3A_63 {offsets = [0], sizes = [1], strides = [1]} : vector<16xi32> to vector<1xi32>
        %squeeze3A_1441 = vector.extract %slice3A_1440[0] : i32 from vector<1xi32>
        %slice3A_1442 = vector.extract_strided_slice %get3A_83 {offsets = [0], sizes = [1], strides = [1]} : vector<16xi32> to vector<1xi32>
        %squeeze3A_1443 = vector.extract %slice3A_1442[0] : i32 from vector<1xi32>
        %and3A_1444 = arith.constant 4095 : i32
        %and3A_1445 = arith.andi %squeeze3A_1441, %and3A_1444 : i32
        %mul3A_1446 = arith.constant 16 : i32
        %mul3A_1447 = arith.muli %and3A_1445, %mul3A_1446 : i32
        %get3A_1448 = arith.index_cast %mul3A_1447 : i32 to index
        %get3A_1449 = tpu.vector_load %arg5[%get3A_1448] {strides = array<i32>} : memref<65536xf32, #tpu.memory_space<vmem>>, vector<16xf32>,
        %and3A_1450 = arith.constant 4095 : i32
        %and3A_1451 = arith.andi %squeeze3A_1443, %and3A_1450 : i32
        %mul3A_1452 = arith.constant 16 : i32
        %mul3A_1453 = arith.muli %and3A_1451, %mul3A_1452 : i32
        %get3A_1454 = arith.index_cast %mul3A_1453 : i32 to index
        %get3A_1455 = tpu.vector_load %arg5[%get3A_1454] {strides = array<i32>} : memref<65536xf32, #tpu.memory_space<vmem>>, vector<16xf32>,
        %and3A_1456 = arith.constant -4096 : i32
        %and3A_1457 = arith.andi %squeeze3A_1441, %and3A_1456 : i32
        %broadcast_in_dim3A_1458 = vector.broadcast %and3A_1457 : i32 to vector<16xi32>
        %bitcast3A_1459 = vector.bitcast %broadcast_in_dim3A_1458 : vector<16xi32> to vector<16xf32>
        %and3A_1460 = arith.constant -4096 : i32
        %and3A_1461 = arith.andi %squeeze3A_1443, %and3A_1460 : i32
        %broadcast_in_dim3A_1462 = vector.broadcast %and3A_1461 : i32 to vector<16xi32>
        %bitcast3A_1463 = vector.bitcast %broadcast_in_dim3A_1462 : vector<16xi32> to vector<16xf32>
        %mul3A_1464 = arith.mulf %bitcast3A_1459, %get3A_1449 : vector<16xf32>
        %add3A_1465 = arith.addf %add3A_1353, %mul3A_1464 : vector<16xf32>
        %mul3A_1466 = arith.mulf %bitcast3A_1463, %get3A_1455 : vector<16xf32>
        %add3A_1467 = arith.addf %add3A_1355, %mul3A_1466 : vector<16xf32>
        %slice3A_1468 = vector.extract_strided_slice %get3A_63 {offsets = [1], sizes = [1], strides = [1]} : vector<16xi32> to vector<1xi32>
        %squeeze3A_1469 = vector.extract %slice3A_1468[0] : i32 from vector<1xi32>
        %slice3A_1470 = vector.extract_strided_slice %get3A_83 {offsets = [1], sizes = [1], strides = [1]} : vector<16xi32> to vector<1xi32>
        %squeeze3A_1471 = vector.extract %slice3A_1470[0] : i32 from vector<1xi32>
        %and3A_1472 = arith.constant 4095 : i32
        %and3A_1473 = arith.andi %squeeze3A_1469, %and3A_1472 : i32
        %mul3A_1474 = arith.constant 16 : i32
        %mul3A_1475 = arith.muli %and3A_1473, %mul3A_1474 : i32
        %get3A_1476 = arith.index_cast %mul3A_1475 : i32 to index
        %get3A_1477 = tpu.vector_load %arg5[%get3A_1476] {strides = array<i32>} : memref<65536xf32, #tpu.memory_space<vmem>>, vector<16xf32>,
        %and3A_1478 = arith.constant 4095 : i32
        %and3A_1479 = arith.andi %squeeze3A_1471, %and3A_1478 : i32
        %mul3A_1480 = arith.constant 16 : i32
        %mul3A_1481 = arith.muli %and3A_1479, %mul3A_1480 : i32
        %get3A_1482 = arith.index_cast %mul3A_1481 : i32 to index
        %get3A_1483 = tpu.vector_load %arg5[%get3A_1482] {strides = array<i32>} : memref<65536xf32, #tpu.memory_space<vmem>>, vector<16xf32>,
        %and3A_1484 = arith.constant -4096 : i32
        %and3A_1485 = arith.andi %squeeze3A_1469, %and3A_1484 : i32
        %broadcast_in_dim3A_1486 = vector.broadcast %and3A_1485 : i32 to vector<16xi32>
        %bitcast3A_1487 = vector.bitcast %broadcast_in_dim3A_1486 : vector<16xi32> to vector<16xf32>
        %and3A_1488 = arith.constant -4096 : i32
        %and3A_1489 = arith.andi %squeeze3A_1471, %and3A_1488 : i32
        %broadcast_in_dim3A_1490 = vector.broadcast %and3A_1489 : i32 to vector<16xi32>
        %bitcast3A_1491 = vector.bitcast %broadcast_in_dim3A_1490 : vector<16xi32> to vector<16xf32>
        %mul3A_1492 = arith.mulf %bitcast3A_1487, %get3A_1477 : vector<16xf32>
        %add3A_1493 = arith.addf %add3A_1381, %mul3A_1492 : vector<16xf32>
        %mul3A_1494 = arith.mulf %bitcast3A_1491, %get3A_1483 : vector<16xf32>
        %add3A_1495 = arith.addf %add3A_1383, %mul3A_1494 : vector<16xf32>
        %slice3A_1496 = vector.extract_strided_slice %get3A_63 {offsets = [2], sizes = [1], strides = [1]} : vector<16xi32> to vector<1xi32>
        %squeeze3A_1497 = vector.extract %slice3A_1496[0] : i32 from vector<1xi32>
        %slice3A_1498 = vector.extract_strided_slice %get3A_83 {offsets = [2], sizes = [1], strides = [1]} : vector<16xi32> to vector<1xi32>
        %squeeze3A_1499 = vector.extract %slice3A_1498[0] : i32 from vector<1xi32>
        %and3A_1500 = arith.constant 4095 : i32
        %and3A_1501 = arith.andi %squeeze3A_1497, %and3A_1500 : i32
        %mul3A_1502 = arith.constant 16 : i32
        %mul3A_1503 = arith.muli %and3A_1501, %mul3A_1502 : i32
        %get3A_1504 = arith.index_cast %mul3A_1503 : i32 to index
        %get3A_1505 = tpu.vector_load %arg5[%get3A_1504] {strides = array<i32>} : memref<65536xf32, #tpu.memory_space<vmem>>, vector<16xf32>,
        %and3A_1506 = arith.constant 4095 : i32
        %and3A_1507 = arith.andi %squeeze3A_1499, %and3A_1506 : i32
        %mul3A_1508 = arith.constant 16 : i32
        %mul3A_1509 = arith.muli %and3A_1507, %mul3A_1508 : i32
        %get3A_1510 = arith.index_cast %mul3A_1509 : i32 to index
        %get3A_1511 = tpu.vector_load %arg5[%get3A_1510] {strides = array<i32>} : memref<65536xf32, #tpu.memory_space<vmem>>, vector<16xf32>,
        %and3A_1512 = arith.constant -4096 : i32
        %and3A_1513 = arith.andi %squeeze3A_1497, %and3A_1512 : i32
        %broadcast_in_dim3A_1514 = vector.broadcast %and3A_1513 : i32 to vector<16xi32>
        %bitcast3A_1515 = vector.bitcast %broadcast_in_dim3A_1514 : vector<16xi32> to vector<16xf32>
        %and3A_1516 = arith.constant -4096 : i32
        %and3A_1517 = arith.andi %squeeze3A_1499, %and3A_1516 : i32
        %broadcast_in_dim3A_1518 = vector.broadcast %and3A_1517 : i32 to vector<16xi32>
        %bitcast3A_1519 = vector.bitcast %broadcast_in_dim3A_1518 : vector<16xi32> to vector<16xf32>
        %mul3A_1520 = arith.mulf %bitcast3A_1515, %get3A_1505 : vector<16xf32>
        %add3A_1521 = arith.addf %add3A_1409, %mul3A_1520 : vector<16xf32>
        %mul3A_1522 = arith.mulf %bitcast3A_1519, %get3A_1511 : vector<16xf32>
        %add3A_1523 = arith.addf %add3A_1411, %mul3A_1522 : vector<16xf32>
        %slice3A_1524 = vector.extract_strided_slice %get3A_63 {offsets = [3], sizes = [1], strides = [1]} : vector<16xi32> to vector<1xi32>
        %squeeze3A_1525 = vector.extract %slice3A_1524[0] : i32 from vector<1xi32>
        %slice3A_1526 = vector.extract_strided_slice %get3A_83 {offsets = [3], sizes = [1], strides = [1]} : vector<16xi32> to vector<1xi32>
        %squeeze3A_1527 = vector.extract %slice3A_1526[0] : i32 from vector<1xi32>
        %and3A_1528 = arith.constant 4095 : i32
        %and3A_1529 = arith.andi %squeeze3A_1525, %and3A_1528 : i32
        %mul3A_1530 = arith.constant 16 : i32
        %mul3A_1531 = arith.muli %and3A_1529, %mul3A_1530 : i32
        %get3A_1532 = arith.index_cast %mul3A_1531 : i32 to index
        %get3A_1533 = tpu.vector_load %arg5[%get3A_1532] {strides = array<i32>} : memref<65536xf32, #tpu.memory_space<vmem>>, vector<16xf32>,
        %and3A_1534 = arith.constant 4095 : i32
        %and3A_1535 = arith.andi %squeeze3A_1527, %and3A_1534 : i32
        %mul3A_1536 = arith.constant 16 : i32
        %mul3A_1537 = arith.muli %and3A_1535, %mul3A_1536 : i32
        %get3A_1538 = arith.index_cast %mul3A_1537 : i32 to index
        %get3A_1539 = tpu.vector_load %arg5[%get3A_1538] {strides = array<i32>} : memref<65536xf32, #tpu.memory_space<vmem>>, vector<16xf32>,
        %and3A_1540 = arith.constant -4096 : i32
        %and3A_1541 = arith.andi %squeeze3A_1525, %and3A_1540 : i32
        %broadcast_in_dim3A_1542 = vector.broadcast %and3A_1541 : i32 to vector<16xi32>
        %bitcast3A_1543 = vector.bitcast %broadcast_in_dim3A_1542 : vector<16xi32> to vector<16xf32>
        %and3A_1544 = arith.constant -4096 : i32
        %and3A_1545 = arith.andi %squeeze3A_1527, %and3A_1544 : i32
        %broadcast_in_dim3A_1546 = vector.broadcast %and3A_1545 : i32 to vector<16xi32>
        %bitcast3A_1547 = vector.bitcast %broadcast_in_dim3A_1546 : vector<16xi32> to vector<16xf32>
        %mul3A_1548 = arith.mulf %bitcast3A_1543, %get3A_1533 : vector<16xf32>
        %add3A_1549 = arith.addf %add3A_1437, %mul3A_1548 : vector<16xf32>
        %mul3A_1550 = arith.mulf %bitcast3A_1547, %get3A_1539 : vector<16xf32>
        %add3A_1551 = arith.addf %add3A_1439, %mul3A_1550 : vector<16xf32>
        %slice3A_1552 = vector.extract_strided_slice %get3A_63 {offsets = [4], sizes = [1], strides = [1]} : vector<16xi32> to vector<1xi32>
        %squeeze3A_1553 = vector.extract %slice3A_1552[0] : i32 from vector<1xi32>
        %slice3A_1554 = vector.extract_strided_slice %get3A_83 {offsets = [4], sizes = [1], strides = [1]} : vector<16xi32> to vector<1xi32>
        %squeeze3A_1555 = vector.extract %slice3A_1554[0] : i32 from vector<1xi32>
        %and3A_1556 = arith.constant 4095 : i32
        %and3A_1557 = arith.andi %squeeze3A_1553, %and3A_1556 : i32
        %mul3A_1558 = arith.constant 16 : i32
        %mul3A_1559 = arith.muli %and3A_1557, %mul3A_1558 : i32
        %get3A_1560 = arith.index_cast %mul3A_1559 : i32 to index
        %get3A_1561 = tpu.vector_load %arg5[%get3A_1560] {strides = array<i32>} : memref<65536xf32, #tpu.memory_space<vmem>>, vector<16xf32>,
        %and3A_1562 = arith.constant 4095 : i32
        %and3A_1563 = arith.andi %squeeze3A_1555, %and3A_1562 : i32
        %mul3A_1564 = arith.constant 16 : i32
        %mul3A_1565 = arith.muli %and3A_1563, %mul3A_1564 : i32
        %get3A_1566 = arith.index_cast %mul3A_1565 : i32 to index
        %get3A_1567 = tpu.vector_load %arg5[%get3A_1566] {strides = array<i32>} : memref<65536xf32, #tpu.memory_space<vmem>>, vector<16xf32>,
        %and3A_1568 = arith.constant -4096 : i32
        %and3A_1569 = arith.andi %squeeze3A_1553, %and3A_1568 : i32
        %broadcast_in_dim3A_1570 = vector.broadcast %and3A_1569 : i32 to vector<16xi32>
        %bitcast3A_1571 = vector.bitcast %broadcast_in_dim3A_1570 : vector<16xi32> to vector<16xf32>
        %and3A_1572 = arith.constant -4096 : i32
        %and3A_1573 = arith.andi %squeeze3A_1555, %and3A_1572 : i32
        %broadcast_in_dim3A_1574 = vector.broadcast %and3A_1573 : i32 to vector<16xi32>
        %bitcast3A_1575 = vector.bitcast %broadcast_in_dim3A_1574 : vector<16xi32> to vector<16xf32>
        %mul3A_1576 = arith.mulf %bitcast3A_1571, %get3A_1561 : vector<16xf32>
        %add3A_1577 = arith.addf %add3A_1465, %mul3A_1576 : vector<16xf32>
        %mul3A_1578 = arith.mulf %bitcast3A_1575, %get3A_1567 : vector<16xf32>
        %add3A_1579 = arith.addf %add3A_1467, %mul3A_1578 : vector<16xf32>
        %slice3A_1580 = vector.extract_strided_slice %get3A_63 {offsets = [5], sizes = [1], strides = [1]} : vector<16xi32> to vector<1xi32>
        %squeeze3A_1581 = vector.extract %slice3A_1580[0] : i32 from vector<1xi32>
        %slice3A_1582 = vector.extract_strided_slice %get3A_83 {offsets = [5], sizes = [1], strides = [1]} : vector<16xi32> to vector<1xi32>
        %squeeze3A_1583 = vector.extract %slice3A_1582[0] : i32 from vector<1xi32>
        %and3A_1584 = arith.constant 4095 : i32
        %and3A_1585 = arith.andi %squeeze3A_1581, %and3A_1584 : i32
        %mul3A_1586 = arith.constant 16 : i32
        %mul3A_1587 = arith.muli %and3A_1585, %mul3A_1586 : i32
        %get3A_1588 = arith.index_cast %mul3A_1587 : i32 to index
        %get3A_1589 = tpu.vector_load %arg5[%get3A_1588] {strides = array<i32>} : memref<65536xf32, #tpu.memory_space<vmem>>, vector<16xf32>,
        %and3A_1590 = arith.constant 4095 : i32
        %and3A_1591 = arith.andi %squeeze3A_1583, %and3A_1590 : i32
        %mul3A_1592 = arith.constant 16 : i32
        %mul3A_1593 = arith.muli %and3A_1591, %mul3A_1592 : i32
        %get3A_1594 = arith.index_cast %mul3A_1593 : i32 to index
        %get3A_1595 = tpu.vector_load %arg5[%get3A_1594] {strides = array<i32>} : memref<65536xf32, #tpu.memory_space<vmem>>, vector<16xf32>,
        %and3A_1596 = arith.constant -4096 : i32
        %and3A_1597 = arith.andi %squeeze3A_1581, %and3A_1596 : i32
        %broadcast_in_dim3A_1598 = vector.broadcast %and3A_1597 : i32 to vector<16xi32>
        %bitcast3A_1599 = vector.bitcast %broadcast_in_dim3A_1598 : vector<16xi32> to vector<16xf32>
        %and3A_1600 = arith.constant -4096 : i32
        %and3A_1601 = arith.andi %squeeze3A_1583, %and3A_1600 : i32
        %broadcast_in_dim3A_1602 = vector.broadcast %and3A_1601 : i32 to vector<16xi32>
        %bitcast3A_1603 = vector.bitcast %broadcast_in_dim3A_1602 : vector<16xi32> to vector<16xf32>
        %mul3A_1604 = arith.mulf %bitcast3A_1599, %get3A_1589 : vector<16xf32>
        %add3A_1605 = arith.addf %add3A_1493, %mul3A_1604 : vector<16xf32>
        %mul3A_1606 = arith.mulf %bitcast3A_1603, %get3A_1595 : vector<16xf32>
        %add3A_1607 = arith.addf %add3A_1495, %mul3A_1606 : vector<16xf32>
        %slice3A_1608 = vector.extract_strided_slice %get3A_63 {offsets = [6], sizes = [1], strides = [1]} : vector<16xi32> to vector<1xi32>
        %squeeze3A_1609 = vector.extract %slice3A_1608[0] : i32 from vector<1xi32>
        %slice3A_1610 = vector.extract_strided_slice %get3A_83 {offsets = [6], sizes = [1], strides = [1]} : vector<16xi32> to vector<1xi32>
        %squeeze3A_1611 = vector.extract %slice3A_1610[0] : i32 from vector<1xi32>
        %and3A_1612 = arith.constant 4095 : i32
        %and3A_1613 = arith.andi %squeeze3A_1609, %and3A_1612 : i32
        %mul3A_1614 = arith.constant 16 : i32
        %mul3A_1615 = arith.muli %and3A_1613, %mul3A_1614 : i32
        %get3A_1616 = arith.index_cast %mul3A_1615 : i32 to index
        %get3A_1617 = tpu.vector_load %arg5[%get3A_1616] {strides = array<i32>} : memref<65536xf32, #tpu.memory_space<vmem>>, vector<16xf32>,
        %and3A_1618 = arith.constant 4095 : i32
        %and3A_1619 = arith.andi %squeeze3A_1611, %and3A_1618 : i32
        %mul3A_1620 = arith.constant 16 : i32
        %mul3A_1621 = arith.muli %and3A_1619, %mul3A_1620 : i32
        %get3A_1622 = arith.index_cast %mul3A_1621 : i32 to index
        %get3A_1623 = tpu.vector_load %arg5[%get3A_1622] {strides = array<i32>} : memref<65536xf32, #tpu.memory_space<vmem>>, vector<16xf32>,
        %and3A_1624 = arith.constant -4096 : i32
        %and3A_1625 = arith.andi %squeeze3A_1609, %and3A_1624 : i32
        %broadcast_in_dim3A_1626 = vector.broadcast %and3A_1625 : i32 to vector<16xi32>
        %bitcast3A_1627 = vector.bitcast %broadcast_in_dim3A_1626 : vector<16xi32> to vector<16xf32>
        %and3A_1628 = arith.constant -4096 : i32
        %and3A_1629 = arith.andi %squeeze3A_1611, %and3A_1628 : i32
        %broadcast_in_dim3A_1630 = vector.broadcast %and3A_1629 : i32 to vector<16xi32>
        %bitcast3A_1631 = vector.bitcast %broadcast_in_dim3A_1630 : vector<16xi32> to vector<16xf32>
        %mul3A_1632 = arith.mulf %bitcast3A_1627, %get3A_1617 : vector<16xf32>
        %add3A_1633 = arith.addf %add3A_1521, %mul3A_1632 : vector<16xf32>
        %mul3A_1634 = arith.mulf %bitcast3A_1631, %get3A_1623 : vector<16xf32>
        %add3A_1635 = arith.addf %add3A_1523, %mul3A_1634 : vector<16xf32>
        %slice3A_1636 = vector.extract_strided_slice %get3A_63 {offsets = [7], sizes = [1], strides = [1]} : vector<16xi32> to vector<1xi32>
        %squeeze3A_1637 = vector.extract %slice3A_1636[0] : i32 from vector<1xi32>
        %slice3A_1638 = vector.extract_strided_slice %get3A_83 {offsets = [7], sizes = [1], strides = [1]} : vector<16xi32> to vector<1xi32>
        %squeeze3A_1639 = vector.extract %slice3A_1638[0] : i32 from vector<1xi32>
        %and3A_1640 = arith.constant 4095 : i32
        %and3A_1641 = arith.andi %squeeze3A_1637, %and3A_1640 : i32
        %mul3A_1642 = arith.constant 16 : i32
        %mul3A_1643 = arith.muli %and3A_1641, %mul3A_1642 : i32
        %get3A_1644 = arith.index_cast %mul3A_1643 : i32 to index
        %get3A_1645 = tpu.vector_load %arg5[%get3A_1644] {strides = array<i32>} : memref<65536xf32, #tpu.memory_space<vmem>>, vector<16xf32>,
        %and3A_1646 = arith.constant 4095 : i32
        %and3A_1647 = arith.andi %squeeze3A_1639, %and3A_1646 : i32
        %mul3A_1648 = arith.constant 16 : i32
        %mul3A_1649 = arith.muli %and3A_1647, %mul3A_1648 : i32
        %get3A_1650 = arith.index_cast %mul3A_1649 : i32 to index
        %get3A_1651 = tpu.vector_load %arg5[%get3A_1650] {strides = array<i32>} : memref<65536xf32, #tpu.memory_space<vmem>>, vector<16xf32>,
        %and3A_1652 = arith.constant -4096 : i32
        %and3A_1653 = arith.andi %squeeze3A_1637, %and3A_1652 : i32
        %broadcast_in_dim3A_1654 = vector.broadcast %and3A_1653 : i32 to vector<16xi32>
        %bitcast3A_1655 = vector.bitcast %broadcast_in_dim3A_1654 : vector<16xi32> to vector<16xf32>
        %and3A_1656 = arith.constant -4096 : i32
        %and3A_1657 = arith.andi %squeeze3A_1639, %and3A_1656 : i32
        %broadcast_in_dim3A_1658 = vector.broadcast %and3A_1657 : i32 to vector<16xi32>
        %bitcast3A_1659 = vector.bitcast %broadcast_in_dim3A_1658 : vector<16xi32> to vector<16xf32>
        %mul3A_1660 = arith.mulf %bitcast3A_1655, %get3A_1645 : vector<16xf32>
        %add3A_1661 = arith.addf %add3A_1549, %mul3A_1660 : vector<16xf32>
        %mul3A_1662 = arith.mulf %bitcast3A_1659, %get3A_1651 : vector<16xf32>
        %add3A_1663 = arith.addf %add3A_1551, %mul3A_1662 : vector<16xf32>
        %slice3A_1664 = vector.extract_strided_slice %get3A_63 {offsets = [8], sizes = [1], strides = [1]} : vector<16xi32> to vector<1xi32>
        %squeeze3A_1665 = vector.extract %slice3A_1664[0] : i32 from vector<1xi32>
        %slice3A_1666 = vector.extract_strided_slice %get3A_83 {offsets = [8], sizes = [1], strides = [1]} : vector<16xi32> to vector<1xi32>
        %squeeze3A_1667 = vector.extract %slice3A_1666[0] : i32 from vector<1xi32>
        %and3A_1668 = arith.constant 4095 : i32
        %and3A_1669 = arith.andi %squeeze3A_1665, %and3A_1668 : i32
        %mul3A_1670 = arith.constant 16 : i32
        %mul3A_1671 = arith.muli %and3A_1669, %mul3A_1670 : i32
        %get3A_1672 = arith.index_cast %mul3A_1671 : i32 to index
        %get3A_1673 = tpu.vector_load %arg5[%get3A_1672] {strides = array<i32>} : memref<65536xf32, #tpu.memory_space<vmem>>, vector<16xf32>,
        %and3A_1674 = arith.constant 4095 : i32
        %and3A_1675 = arith.andi %squeeze3A_1667, %and3A_1674 : i32
        %mul3A_1676 = arith.constant 16 : i32
        %mul3A_1677 = arith.muli %and3A_1675, %mul3A_1676 : i32
        %get3A_1678 = arith.index_cast %mul3A_1677 : i32 to index
        %get3A_1679 = tpu.vector_load %arg5[%get3A_1678] {strides = array<i32>} : memref<65536xf32, #tpu.memory_space<vmem>>, vector<16xf32>,
        %and3A_1680 = arith.constant -4096 : i32
        %and3A_1681 = arith.andi %squeeze3A_1665, %and3A_1680 : i32
        %broadcast_in_dim3A_1682 = vector.broadcast %and3A_1681 : i32 to vector<16xi32>
        %bitcast3A_1683 = vector.bitcast %broadcast_in_dim3A_1682 : vector<16xi32> to vector<16xf32>
        %and3A_1684 = arith.constant -4096 : i32
        %and3A_1685 = arith.andi %squeeze3A_1667, %and3A_1684 : i32
        %broadcast_in_dim3A_1686 = vector.broadcast %and3A_1685 : i32 to vector<16xi32>
        %bitcast3A_1687 = vector.bitcast %broadcast_in_dim3A_1686 : vector<16xi32> to vector<16xf32>
        %mul3A_1688 = arith.mulf %bitcast3A_1683, %get3A_1673 : vector<16xf32>
        %add3A_1689 = arith.addf %add3A_1577, %mul3A_1688 : vector<16xf32>
        %mul3A_1690 = arith.mulf %bitcast3A_1687, %get3A_1679 : vector<16xf32>
        %add3A_1691 = arith.addf %add3A_1579, %mul3A_1690 : vector<16xf32>
        %slice3A_1692 = vector.extract_strided_slice %get3A_63 {offsets = [9], sizes = [1], strides = [1]} : vector<16xi32> to vector<1xi32>
        %squeeze3A_1693 = vector.extract %slice3A_1692[0] : i32 from vector<1xi32>
        %slice3A_1694 = vector.extract_strided_slice %get3A_83 {offsets = [9], sizes = [1], strides = [1]} : vector<16xi32> to vector<1xi32>
        %squeeze3A_1695 = vector.extract %slice3A_1694[0] : i32 from vector<1xi32>
        %and3A_1696 = arith.constant 4095 : i32
        %and3A_1697 = arith.andi %squeeze3A_1693, %and3A_1696 : i32
        %mul3A_1698 = arith.constant 16 : i32
        %mul3A_1699 = arith.muli %and3A_1697, %mul3A_1698 : i32
        %get3A_1700 = arith.index_cast %mul3A_1699 : i32 to index
        %get3A_1701 = tpu.vector_load %arg5[%get3A_1700] {strides = array<i32>} : memref<65536xf32, #tpu.memory_space<vmem>>, vector<16xf32>,
        %and3A_1702 = arith.constant 4095 : i32
        %and3A_1703 = arith.andi %squeeze3A_1695, %and3A_1702 : i32
        %mul3A_1704 = arith.constant 16 : i32
        %mul3A_1705 = arith.muli %and3A_1703, %mul3A_1704 : i32
        %get3A_1706 = arith.index_cast %mul3A_1705 : i32 to index
        %get3A_1707 = tpu.vector_load %arg5[%get3A_1706] {strides = array<i32>} : memref<65536xf32, #tpu.memory_space<vmem>>, vector<16xf32>,
        %and3A_1708 = arith.constant -4096 : i32
        %and3A_1709 = arith.andi %squeeze3A_1693, %and3A_1708 : i32
        %broadcast_in_dim3A_1710 = vector.broadcast %and3A_1709 : i32 to vector<16xi32>
        %bitcast3A_1711 = vector.bitcast %broadcast_in_dim3A_1710 : vector<16xi32> to vector<16xf32>
        %and3A_1712 = arith.constant -4096 : i32
        %and3A_1713 = arith.andi %squeeze3A_1695, %and3A_1712 : i32
        %broadcast_in_dim3A_1714 = vector.broadcast %and3A_1713 : i32 to vector<16xi32>
        %bitcast3A_1715 = vector.bitcast %broadcast_in_dim3A_1714 : vector<16xi32> to vector<16xf32>
        %mul3A_1716 = arith.mulf %bitcast3A_1711, %get3A_1701 : vector<16xf32>
        %add3A_1717 = arith.addf %add3A_1605, %mul3A_1716 : vector<16xf32>
        %mul3A_1718 = arith.mulf %bitcast3A_1715, %get3A_1707 : vector<16xf32>
        %add3A_1719 = arith.addf %add3A_1607, %mul3A_1718 : vector<16xf32>
        %slice3A_1720 = vector.extract_strided_slice %get3A_63 {offsets = [10], sizes = [1], strides = [1]} : vector<16xi32> to vector<1xi32>
        %squeeze3A_1721 = vector.extract %slice3A_1720[0] : i32 from vector<1xi32>
        %slice3A_1722 = vector.extract_strided_slice %get3A_83 {offsets = [10], sizes = [1], strides = [1]} : vector<16xi32> to vector<1xi32>
        %squeeze3A_1723 = vector.extract %slice3A_1722[0] : i32 from vector<1xi32>
        %and3A_1724 = arith.constant 4095 : i32
        %and3A_1725 = arith.andi %squeeze3A_1721, %and3A_1724 : i32
        %mul3A_1726 = arith.constant 16 : i32
        %mul3A_1727 = arith.muli %and3A_1725, %mul3A_1726 : i32
        %get3A_1728 = arith.index_cast %mul3A_1727 : i32 to index
        %get3A_1729 = tpu.vector_load %arg5[%get3A_1728] {strides = array<i32>} : memref<65536xf32, #tpu.memory_space<vmem>>, vector<16xf32>,
        %and3A_1730 = arith.constant 4095 : i32
        %and3A_1731 = arith.andi %squeeze3A_1723, %and3A_1730 : i32
        %mul3A_1732 = arith.constant 16 : i32
        %mul3A_1733 = arith.muli %and3A_1731, %mul3A_1732 : i32
        %get3A_1734 = arith.index_cast %mul3A_1733 : i32 to index
        %get3A_1735 = tpu.vector_load %arg5[%get3A_1734] {strides = array<i32>} : memref<65536xf32, #tpu.memory_space<vmem>>, vector<16xf32>,
        %and3A_1736 = arith.constant -4096 : i32
        %and3A_1737 = arith.andi %squeeze3A_1721, %and3A_1736 : i32
        %broadcast_in_dim3A_1738 = vector.broadcast %and3A_1737 : i32 to vector<16xi32>
        %bitcast3A_1739 = vector.bitcast %broadcast_in_dim3A_1738 : vector<16xi32> to vector<16xf32>
        %and3A_1740 = arith.constant -4096 : i32
        %and3A_1741 = arith.andi %squeeze3A_1723, %and3A_1740 : i32
        %broadcast_in_dim3A_1742 = vector.broadcast %and3A_1741 : i32 to vector<16xi32>
        %bitcast3A_1743 = vector.bitcast %broadcast_in_dim3A_1742 : vector<16xi32> to vector<16xf32>
        %mul3A_1744 = arith.mulf %bitcast3A_1739, %get3A_1729 : vector<16xf32>
        %add3A_1745 = arith.addf %add3A_1633, %mul3A_1744 : vector<16xf32>
        %mul3A_1746 = arith.mulf %bitcast3A_1743, %get3A_1735 : vector<16xf32>
        %add3A_1747 = arith.addf %add3A_1635, %mul3A_1746 : vector<16xf32>
        %slice3A_1748 = vector.extract_strided_slice %get3A_63 {offsets = [11], sizes = [1], strides = [1]} : vector<16xi32> to vector<1xi32>
        %squeeze3A_1749 = vector.extract %slice3A_1748[0] : i32 from vector<1xi32>
        %slice3A_1750 = vector.extract_strided_slice %get3A_83 {offsets = [11], sizes = [1], strides = [1]} : vector<16xi32> to vector<1xi32>
        %squeeze3A_1751 = vector.extract %slice3A_1750[0] : i32 from vector<1xi32>
        %and3A_1752 = arith.constant 4095 : i32
        %and3A_1753 = arith.andi %squeeze3A_1749, %and3A_1752 : i32
        %mul3A_1754 = arith.constant 16 : i32
        %mul3A_1755 = arith.muli %and3A_1753, %mul3A_1754 : i32
        %get3A_1756 = arith.index_cast %mul3A_1755 : i32 to index
        %get3A_1757 = tpu.vector_load %arg5[%get3A_1756] {strides = array<i32>} : memref<65536xf32, #tpu.memory_space<vmem>>, vector<16xf32>,
        %and3A_1758 = arith.constant 4095 : i32
        %and3A_1759 = arith.andi %squeeze3A_1751, %and3A_1758 : i32
        %mul3A_1760 = arith.constant 16 : i32
        %mul3A_1761 = arith.muli %and3A_1759, %mul3A_1760 : i32
        %get3A_1762 = arith.index_cast %mul3A_1761 : i32 to index
        %get3A_1763 = tpu.vector_load %arg5[%get3A_1762] {strides = array<i32>} : memref<65536xf32, #tpu.memory_space<vmem>>, vector<16xf32>,
        %and3A_1764 = arith.constant -4096 : i32
        %and3A_1765 = arith.andi %squeeze3A_1749, %and3A_1764 : i32
        %broadcast_in_dim3A_1766 = vector.broadcast %and3A_1765 : i32 to vector<16xi32>
        %bitcast3A_1767 = vector.bitcast %broadcast_in_dim3A_1766 : vector<16xi32> to vector<16xf32>
        %and3A_1768 = arith.constant -4096 : i32
        %and3A_1769 = arith.andi %squeeze3A_1751, %and3A_1768 : i32
        %broadcast_in_dim3A_1770 = vector.broadcast %and3A_1769 : i32 to vector<16xi32>
        %bitcast3A_1771 = vector.bitcast %broadcast_in_dim3A_1770 : vector<16xi32> to vector<16xf32>
        %mul3A_1772 = arith.mulf %bitcast3A_1767, %get3A_1757 : vector<16xf32>
        %add3A_1773 = arith.addf %add3A_1661, %mul3A_1772 : vector<16xf32>
        %mul3A_1774 = arith.mulf %bitcast3A_1771, %get3A_1763 : vector<16xf32>
        %add3A_1775 = arith.addf %add3A_1663, %mul3A_1774 : vector<16xf32>
        %slice3A_1776 = vector.extract_strided_slice %get3A_63 {offsets = [12], sizes = [1], strides = [1]} : vector<16xi32> to vector<1xi32>
        %squeeze3A_1777 = vector.extract %slice3A_1776[0] : i32 from vector<1xi32>
        %slice3A_1778 = vector.extract_strided_slice %get3A_83 {offsets = [12], sizes = [1], strides = [1]} : vector<16xi32> to vector<1xi32>
        %squeeze3A_1779 = vector.extract %slice3A_1778[0] : i32 from vector<1xi32>
        %and3A_1780 = arith.constant 4095 : i32
        %and3A_1781 = arith.andi %squeeze3A_1777, %and3A_1780 : i32
        %mul3A_1782 = arith.constant 16 : i32
        %mul3A_1783 = arith.muli %and3A_1781, %mul3A_1782 : i32
        %get3A_1784 = arith.index_cast %mul3A_1783 : i32 to index
        %get3A_1785 = tpu.vector_load %arg5[%get3A_1784] {strides = array<i32>} : memref<65536xf32, #tpu.memory_space<vmem>>, vector<16xf32>,
        %and3A_1786 = arith.constant 4095 : i32
        %and3A_1787 = arith.andi %squeeze3A_1779, %and3A_1786 : i32
        %mul3A_1788 = arith.constant 16 : i32
        %mul3A_1789 = arith.muli %and3A_1787, %mul3A_1788 : i32
        %get3A_1790 = arith.index_cast %mul3A_1789 : i32 to index
        %get3A_1791 = tpu.vector_load %arg5[%get3A_1790] {strides = array<i32>} : memref<65536xf32, #tpu.memory_space<vmem>>, vector<16xf32>,
        %and3A_1792 = arith.constant -4096 : i32
        %and3A_1793 = arith.andi %squeeze3A_1777, %and3A_1792 : i32
        %broadcast_in_dim3A_1794 = vector.broadcast %and3A_1793 : i32 to vector<16xi32>
        %bitcast3A_1795 = vector.bitcast %broadcast_in_dim3A_1794 : vector<16xi32> to vector<16xf32>
        %and3A_1796 = arith.constant -4096 : i32
        %and3A_1797 = arith.andi %squeeze3A_1779, %and3A_1796 : i32
        %broadcast_in_dim3A_1798 = vector.broadcast %and3A_1797 : i32 to vector<16xi32>
        %bitcast3A_1799 = vector.bitcast %broadcast_in_dim3A_1798 : vector<16xi32> to vector<16xf32>
        %mul3A_1800 = arith.mulf %bitcast3A_1795, %get3A_1785 : vector<16xf32>
        %add3A_1801 = arith.addf %add3A_1689, %mul3A_1800 : vector<16xf32>
        %mul3A_1802 = arith.mulf %bitcast3A_1799, %get3A_1791 : vector<16xf32>
        %add3A_1803 = arith.addf %add3A_1691, %mul3A_1802 : vector<16xf32>
        %slice3A_1804 = vector.extract_strided_slice %get3A_63 {offsets = [13], sizes = [1], strides = [1]} : vector<16xi32> to vector<1xi32>
        %squeeze3A_1805 = vector.extract %slice3A_1804[0] : i32 from vector<1xi32>
        %slice3A_1806 = vector.extract_strided_slice %get3A_83 {offsets = [13], sizes = [1], strides = [1]} : vector<16xi32> to vector<1xi32>
        %squeeze3A_1807 = vector.extract %slice3A_1806[0] : i32 from vector<1xi32>
        %and3A_1808 = arith.constant 4095 : i32
        %and3A_1809 = arith.andi %squeeze3A_1805, %and3A_1808 : i32
        %mul3A_1810 = arith.constant 16 : i32
        %mul3A_1811 = arith.muli %and3A_1809, %mul3A_1810 : i32
        %get3A_1812 = arith.index_cast %mul3A_1811 : i32 to index
        %get3A_1813 = tpu.vector_load %arg5[%get3A_1812] {strides = array<i32>} : memref<65536xf32, #tpu.memory_space<vmem>>, vector<16xf32>,
        %and3A_1814 = arith.constant 4095 : i32
        %and3A_1815 = arith.andi %squeeze3A_1807, %and3A_1814 : i32
        %mul3A_1816 = arith.constant 16 : i32
        %mul3A_1817 = arith.muli %and3A_1815, %mul3A_1816 : i32
        %get3A_1818 = arith.index_cast %mul3A_1817 : i32 to index
        %get3A_1819 = tpu.vector_load %arg5[%get3A_1818] {strides = array<i32>} : memref<65536xf32, #tpu.memory_space<vmem>>, vector<16xf32>,
        %and3A_1820 = arith.constant -4096 : i32
        %and3A_1821 = arith.andi %squeeze3A_1805, %and3A_1820 : i32
        %broadcast_in_dim3A_1822 = vector.broadcast %and3A_1821 : i32 to vector<16xi32>
        %bitcast3A_1823 = vector.bitcast %broadcast_in_dim3A_1822 : vector<16xi32> to vector<16xf32>
        %and3A_1824 = arith.constant -4096 : i32
        %and3A_1825 = arith.andi %squeeze3A_1807, %and3A_1824 : i32
        %broadcast_in_dim3A_1826 = vector.broadcast %and3A_1825 : i32 to vector<16xi32>
        %bitcast3A_1827 = vector.bitcast %broadcast_in_dim3A_1826 : vector<16xi32> to vector<16xf32>
        %mul3A_1828 = arith.mulf %bitcast3A_1823, %get3A_1813 : vector<16xf32>
        %add3A_1829 = arith.addf %add3A_1717, %mul3A_1828 : vector<16xf32>
        %mul3A_1830 = arith.mulf %bitcast3A_1827, %get3A_1819 : vector<16xf32>
        %add3A_1831 = arith.addf %add3A_1719, %mul3A_1830 : vector<16xf32>
        %slice3A_1832 = vector.extract_strided_slice %get3A_63 {offsets = [14], sizes = [1], strides = [1]} : vector<16xi32> to vector<1xi32>
        %squeeze3A_1833 = vector.extract %slice3A_1832[0] : i32 from vector<1xi32>
        %slice3A_1834 = vector.extract_strided_slice %get3A_83 {offsets = [14], sizes = [1], strides = [1]} : vector<16xi32> to vector<1xi32>
        %squeeze3A_1835 = vector.extract %slice3A_1834[0] : i32 from vector<1xi32>
        %and3A_1836 = arith.constant 4095 : i32
        %and3A_1837 = arith.andi %squeeze3A_1833, %and3A_1836 : i32
        %mul3A_1838 = arith.constant 16 : i32
        %mul3A_1839 = arith.muli %and3A_1837, %mul3A_1838 : i32
        %get3A_1840 = arith.index_cast %mul3A_1839 : i32 to index
        %get3A_1841 = tpu.vector_load %arg5[%get3A_1840] {strides = array<i32>} : memref<65536xf32, #tpu.memory_space<vmem>>, vector<16xf32>,
        %and3A_1842 = arith.constant 4095 : i32
        %and3A_1843 = arith.andi %squeeze3A_1835, %and3A_1842 : i32
        %mul3A_1844 = arith.constant 16 : i32
        %mul3A_1845 = arith.muli %and3A_1843, %mul3A_1844 : i32
        %get3A_1846 = arith.index_cast %mul3A_1845 : i32 to index
        %get3A_1847 = tpu.vector_load %arg5[%get3A_1846] {strides = array<i32>} : memref<65536xf32, #tpu.memory_space<vmem>>, vector<16xf32>,
        %and3A_1848 = arith.constant -4096 : i32
        %and3A_1849 = arith.andi %squeeze3A_1833, %and3A_1848 : i32
        %broadcast_in_dim3A_1850 = vector.broadcast %and3A_1849 : i32 to vector<16xi32>
        %bitcast3A_1851 = vector.bitcast %broadcast_in_dim3A_1850 : vector<16xi32> to vector<16xf32>
        %and3A_1852 = arith.constant -4096 : i32
        %and3A_1853 = arith.andi %squeeze3A_1835, %and3A_1852 : i32
        %broadcast_in_dim3A_1854 = vector.broadcast %and3A_1853 : i32 to vector<16xi32>
        %bitcast3A_1855 = vector.bitcast %broadcast_in_dim3A_1854 : vector<16xi32> to vector<16xf32>
        %mul3A_1856 = arith.mulf %bitcast3A_1851, %get3A_1841 : vector<16xf32>
        %add3A_1857 = arith.addf %add3A_1745, %mul3A_1856 : vector<16xf32>
        %mul3A_1858 = arith.mulf %bitcast3A_1855, %get3A_1847 : vector<16xf32>
        %add3A_1859 = arith.addf %add3A_1747, %mul3A_1858 : vector<16xf32>
        %slice3A_1860 = vector.extract_strided_slice %get3A_63 {offsets = [15], sizes = [1], strides = [1]} : vector<16xi32> to vector<1xi32>
        %squeeze3A_1861 = vector.extract %slice3A_1860[0] : i32 from vector<1xi32>
        %slice3A_1862 = vector.extract_strided_slice %get3A_83 {offsets = [15], sizes = [1], strides = [1]} : vector<16xi32> to vector<1xi32>
        %squeeze3A_1863 = vector.extract %slice3A_1862[0] : i32 from vector<1xi32>
        %and3A_1864 = arith.constant 4095 : i32
        %and3A_1865 = arith.andi %squeeze3A_1861, %and3A_1864 : i32
        %mul3A_1866 = arith.constant 16 : i32
        %mul3A_1867 = arith.muli %and3A_1865, %mul3A_1866 : i32
        %get3A_1868 = arith.index_cast %mul3A_1867 : i32 to index
        %get3A_1869 = tpu.vector_load %arg5[%get3A_1868] {strides = array<i32>} : memref<65536xf32, #tpu.memory_space<vmem>>, vector<16xf32>,
        %and3A_1870 = arith.constant 4095 : i32
        %and3A_1871 = arith.andi %squeeze3A_1863, %and3A_1870 : i32
        %mul3A_1872 = arith.constant 16 : i32
        %mul3A_1873 = arith.muli %and3A_1871, %mul3A_1872 : i32
        %get3A_1874 = arith.index_cast %mul3A_1873 : i32 to index
        %get3A_1875 = tpu.vector_load %arg5[%get3A_1874] {strides = array<i32>} : memref<65536xf32, #tpu.memory_space<vmem>>, vector<16xf32>,
        %and3A_1876 = arith.constant -4096 : i32
        %and3A_1877 = arith.andi %squeeze3A_1861, %and3A_1876 : i32
        %broadcast_in_dim3A_1878 = vector.broadcast %and3A_1877 : i32 to vector<16xi32>
        %bitcast3A_1879 = vector.bitcast %broadcast_in_dim3A_1878 : vector<16xi32> to vector<16xf32>
        %and3A_1880 = arith.constant -4096 : i32
        %and3A_1881 = arith.andi %squeeze3A_1863, %and3A_1880 : i32
        %broadcast_in_dim3A_1882 = vector.broadcast %and3A_1881 : i32 to vector<16xi32>
        %bitcast3A_1883 = vector.bitcast %broadcast_in_dim3A_1882 : vector<16xi32> to vector<16xf32>
        %mul3A_1884 = arith.mulf %bitcast3A_1879, %get3A_1869 : vector<16xf32>
        %add3A_1885 = arith.addf %add3A_1773, %mul3A_1884 : vector<16xf32>
        %mul3A_1886 = arith.mulf %bitcast3A_1883, %get3A_1875 : vector<16xf32>
        %add3A_1887 = arith.addf %add3A_1775, %mul3A_1886 : vector<16xf32>
        %add3A_1888 = arith.addf %add3A_1801, %add3A_1829 : vector<16xf32>
        %add3A_1889 = arith.addf %add3A_1857, %add3A_1885 : vector<16xf32>
        %add3A_1890 = arith.addf %add3A_1888, %add3A_1889 : vector<16xf32>
        %mul3A_1891 = arith.constant 16 : i32
        %mul3A_1892 = arith.muli %mul3A_52, %mul3A_1891 : i32
        %swap3A = arith.index_cast %mul3A_1892 : i32 to index
        %swap3A_1893 = tpu.vector_load %arg7[%swap3A] {strides = array<i32>} : memref<4096xf32, #tpu.memory_space<vmem>>, vector<16xf32>,
        tpu.vector_store %arg7[%swap3A], %add3A_1890 {strides = array<i32>} : memref<4096xf32, #tpu.memory_space<vmem>>, vector<16xf32>,
        %add3A_1894 = arith.addf %add3A_1803, %add3A_1831 : vector<16xf32>
        %add3A_1895 = arith.addf %add3A_1859, %add3A_1887 : vector<16xf32>
        %add3A_1896 = arith.addf %add3A_1894, %add3A_1895 : vector<16xf32>
        %mul3A_1897 = arith.constant 16 : i32
        %mul3A_1898 = arith.muli %mul3A_52, %mul3A_1897 : i32
        %add3A_1899 = arith.constant 16 : i32
        %add3A_1900 = arith.addi %mul3A_1898, %add3A_1899 : i32
        %swap3A_1901 = arith.index_cast %add3A_1900 : i32 to index
        %swap3A_1902 = tpu.vector_load %arg7[%swap3A_1901] {strides = array<i32>} : memref<4096xf32, #tpu.memory_space<vmem>>, vector<16xf32>,
        tpu.vector_store %arg7[%swap3A_1901], %add3A_1896 {strides = array<i32>} : memref<4096xf32, #tpu.memory_space<vmem>>, vector<16xf32>,
      }
      %scan3A_47 = arith.constant 128 : i32
      %mul3A_48 = arith.constant 16 : i32
      %mul3A_49 = arith.muli %add3A_41, %mul3A_48 : i32
      "tpu.region"() ({
        %run_scoped3A = tpu.sem_alloc : memref<!tpu.dma_semaphore, #tpu.memory_space<semaphore_mem>>
        %dma_start3A = tpu.memref_slice %arg4[%select_n3A_9, %mul3A_49] : memref<8x65536xf32, #tpu.memory_space<hbm>> -> memref<1x4096xf32, #tpu.memory_space<hbm>>
        %dma_start3A_50 = tpu.memref_squeeze %dma_start3A : memref<1x4096xf32, #tpu.memory_space<hbm>> -> memref<4096xf32, #tpu.memory_space<hbm>>
        %dma_start3A_51 = tpu.memref_slice %arg4[%select_n3A_9, %mul3A_49] : memref<8x65536xf32, #tpu.memory_space<hbm>> -> memref<1x4096xf32, #tpu.memory_space<hbm>>
        %dma_start3A_52 = tpu.memref_squeeze %dma_start3A_51 : memref<1x4096xf32, #tpu.memory_space<hbm>> -> memref<4096xf32, #tpu.memory_space<hbm>>
        tpu.enqueue_dma source(%arg7 : memref<4096xf32, #tpu.memory_space<vmem>>) target(%dma_start3A_52 : memref<4096xf32, #tpu.memory_space<hbm>>) target_semaphore(%run_scoped3A : memref<!tpu.dma_semaphore, #tpu.memory_space<semaphore_mem>>)
        %dma_wait3A = tpu.memref_slice %arg4[%select_n3A_9, %mul3A_49] : memref<8x65536xf32, #tpu.memory_space<hbm>> -> memref<1x4096xf32, #tpu.memory_space<hbm>>
        %dma_wait3A_53 = tpu.memref_squeeze %dma_wait3A : memref<1x4096xf32, #tpu.memory_space<hbm>> -> memref<4096xf32, #tpu.memory_space<hbm>>
        %dma_wait3A_54 = tpu.memref_slice %arg4[%select_n3A_9, %mul3A_49] : memref<8x65536xf32, #tpu.memory_space<hbm>> -> memref<1x4096xf32, #tpu.memory_space<hbm>>
        %dma_wait3A_55 = tpu.memref_squeeze %dma_wait3A_54 : memref<1x4096xf32, #tpu.memory_space<hbm>> -> memref<4096xf32, #tpu.memory_space<hbm>>
        tpu.wait_dma2 semaphore(%run_scoped3A : memref<!tpu.dma_semaphore, #tpu.memory_space<semaphore_mem>>) src(%arg7 : memref<4096xf32, #tpu.memory_space<vmem>>) dst(%dma_wait3A_55 : memref<4096xf32, #tpu.memory_space<hbm>>)
        tpu.yield
      }) : () -> ()
    }
    %scan3A_35 = arith.constant 4 : i32
    return
  }
}

#map = affine_map<(d0, d1) -> (0)>
#map1 = affine_map<(d0, d1) -> (0, 0)>
module attributes {stable_mosaic.version = 14 : i64} {
  func.func @_abuild_body(%arg0: i32, %arg1: i32, %arg2: memref<53248xi32, #tpu.memory_space<hbm>>, %arg3: memref<53248xi32, #tpu.memory_space<hbm>>, %arg4: memref<53248xf32, #tpu.memory_space<hbm>>, %arg5: memref<16xi32, #tpu.memory_space<hbm>>, %arg6: memref<8x65536xf32, #tpu.memory_space<hbm>>, %arg7: memref<3328xi32, #tpu.memory_space<vmem>>, %arg8: memref<3328xi32, #tpu.memory_space<vmem>>, %arg9: memref<3328xf32, #tpu.memory_space<vmem>>, %arg10: memref<16xi32, #tpu.memory_space<vmem>>, %arg11: memref<26x128xi32, #tpu.memory_space<vmem>>, %arg12: memref<26x128xf32, #tpu.memory_space<vmem>>, %arg13: memref<16512xf32, #tpu.memory_space<vmem>>, %arg14: memref<264192xf32, #tpu.memory_space<vmem_shared>>, %arg15: memref<!tpu.dma_semaphore, #tpu.memory_space<semaphore_mem>>) attributes {dimension_semantics = [#tpu.dimension_semantics<core_parallel>, #tpu.dimension_semantics<subcore_parallel>], iteration_bounds = array<i64: 2, 16>, scalar_prefetch = 0 : i64, scratch_operands = 9 : i64, tpu.core_type = #tpu.core_type<sc_vector_subcore>, window_params = [{transform_indices = #map}, {transform_indices = #map}, {transform_indices = #map}, {transform_indices = #map}, {transform_indices = #map1}]} {
    %broadcast_in_dim3A = arith.constant 0.000000e+00 : f32
    %broadcast_in_dim3A_0 = vector.broadcast %broadcast_in_dim3A : f32 to vector<16xf32>
    %scan3A = arith.constant 0 : i32
    %scan3A_1 = arith.constant 0 : i32
    %scan3A_2 = arith.constant 1032 : i32
    %scan3A_3 = arith.addi %scan3A_1, %scan3A_2 : i32
    %scan3A_4 = arith.constant 1 : i32
    scf.for %scan3A_34 = %scan3A_1 to %scan3A_3 step %scan3A_4  : i32 {
      %mul3A_35 = arith.constant 16 : i32
      %mul3A_36 = arith.muli %scan3A_34, %mul3A_35 : i32
      %swap3A = arith.index_cast %mul3A_36 : i32 to index
      %swap3A_37 = tpu.vector_load %arg13[%swap3A] {strides = array<i32>} : memref<16512xf32, #tpu.memory_space<vmem>>, vector<16xf32>,
      tpu.vector_store %arg13[%swap3A], %broadcast_in_dim3A_0 {strides = array<i32>} : memref<16512xf32, #tpu.memory_space<vmem>>, vector<16xf32>,
    }
    %scan3A_5 = arith.constant 1032 : i32
    %mul3A = arith.constant 16512 : i32
    %mul3A_6 = arith.muli %arg1, %mul3A : i32
    "tpu.region"() ({
      %run_scoped3A = tpu.sem_alloc : memref<!tpu.dma_semaphore, #tpu.memory_space<semaphore_mem>>
      %dma_start3A = tpu.memref_slice %arg14[%mul3A_6] : memref<264192xf32, #tpu.memory_space<vmem_shared>> -> memref<16512xf32, #tpu.memory_space<vmem_shared>>
      %dma_start3A_34 = tpu.memref_slice %arg14[%mul3A_6] : memref<264192xf32, #tpu.memory_space<vmem_shared>> -> memref<16512xf32, #tpu.memory_space<vmem_shared>>
      tpu.enqueue_dma source(%arg13 : memref<16512xf32, #tpu.memory_space<vmem>>) target(%dma_start3A_34 : memref<16512xf32, #tpu.memory_space<vmem_shared>>) target_semaphore(%run_scoped3A : memref<!tpu.dma_semaphore, #tpu.memory_space<semaphore_mem>>)
      %dma_wait3A = tpu.memref_slice %arg14[%mul3A_6] : memref<264192xf32, #tpu.memory_space<vmem_shared>> -> memref<16512xf32, #tpu.memory_space<vmem_shared>>
      %dma_wait3A_35 = tpu.memref_slice %arg14[%mul3A_6] : memref<264192xf32, #tpu.memory_space<vmem_shared>> -> memref<16512xf32, #tpu.memory_space<vmem_shared>>
      tpu.wait_dma2 semaphore(%run_scoped3A : memref<!tpu.dma_semaphore, #tpu.memory_space<semaphore_mem>>) src(%arg13 : memref<16512xf32, #tpu.memory_space<vmem>>) dst(%dma_wait3A_35 : memref<16512xf32, #tpu.memory_space<vmem_shared>>)
      tpu.yield
    }) : () -> ()
    %barrier3A = arith.constant 0 : index
    tpu.barrier barrier_id(%barrier3A)
    %mul3A_7 = arith.constant 3328 : i32
    %mul3A_8 = arith.muli %arg1, %mul3A_7 : i32
    "tpu.region"() ({
      %run_scoped3A = tpu.sem_alloc : memref<!tpu.dma_semaphore, #tpu.memory_space<semaphore_mem>>
      %dma_start3A = tpu.memref_slice %arg2[%mul3A_8] : memref<53248xi32, #tpu.memory_space<hbm>> -> memref<3328xi32, #tpu.memory_space<hbm>>
      %dma_start3A_34 = tpu.memref_slice %arg2[%mul3A_8] : memref<53248xi32, #tpu.memory_space<hbm>> -> memref<3328xi32, #tpu.memory_space<hbm>>
      tpu.enqueue_dma source(%dma_start3A_34 : memref<3328xi32, #tpu.memory_space<hbm>>) target(%arg7 : memref<3328xi32, #tpu.memory_space<vmem>>) target_semaphore(%run_scoped3A : memref<!tpu.dma_semaphore, #tpu.memory_space<semaphore_mem>>)
      %dma_wait3A = tpu.memref_slice %arg2[%mul3A_8] : memref<53248xi32, #tpu.memory_space<hbm>> -> memref<3328xi32, #tpu.memory_space<hbm>>
      %dma_wait3A_35 = tpu.memref_slice %arg2[%mul3A_8] : memref<53248xi32, #tpu.memory_space<hbm>> -> memref<3328xi32, #tpu.memory_space<hbm>>
      tpu.wait_dma2 semaphore(%run_scoped3A : memref<!tpu.dma_semaphore, #tpu.memory_space<semaphore_mem>>) src(%dma_wait3A_35 : memref<3328xi32, #tpu.memory_space<hbm>>) dst(%arg7 : memref<3328xi32, #tpu.memory_space<vmem>>)
      tpu.yield
    }) : () -> ()
    "tpu.region"() ({
      %run_scoped3A = tpu.sem_alloc : memref<!tpu.dma_semaphore, #tpu.memory_space<semaphore_mem>>
      %dma_start3A = tpu.memref_slice %arg3[%mul3A_8] : memref<53248xi32, #tpu.memory_space<hbm>> -> memref<3328xi32, #tpu.memory_space<hbm>>
      %dma_start3A_34 = tpu.memref_slice %arg3[%mul3A_8] : memref<53248xi32, #tpu.memory_space<hbm>> -> memref<3328xi32, #tpu.memory_space<hbm>>
      tpu.enqueue_dma source(%dma_start3A_34 : memref<3328xi32, #tpu.memory_space<hbm>>) target(%arg8 : memref<3328xi32, #tpu.memory_space<vmem>>) target_semaphore(%run_scoped3A : memref<!tpu.dma_semaphore, #tpu.memory_space<semaphore_mem>>)
      %dma_wait3A = tpu.memref_slice %arg3[%mul3A_8] : memref<53248xi32, #tpu.memory_space<hbm>> -> memref<3328xi32, #tpu.memory_space<hbm>>
      %dma_wait3A_35 = tpu.memref_slice %arg3[%mul3A_8] : memref<53248xi32, #tpu.memory_space<hbm>> -> memref<3328xi32, #tpu.memory_space<hbm>>
      tpu.wait_dma2 semaphore(%run_scoped3A : memref<!tpu.dma_semaphore, #tpu.memory_space<semaphore_mem>>) src(%dma_wait3A_35 : memref<3328xi32, #tpu.memory_space<hbm>>) dst(%arg8 : memref<3328xi32, #tpu.memory_space<vmem>>)
      tpu.yield
    }) : () -> ()
    "tpu.region"() ({
      %run_scoped3A = tpu.sem_alloc : memref<!tpu.dma_semaphore, #tpu.memory_space<semaphore_mem>>
      %dma_start3A = tpu.memref_slice %arg4[%mul3A_8] : memref<53248xf32, #tpu.memory_space<hbm>> -> memref<3328xf32, #tpu.memory_space<hbm>>
      %dma_start3A_34 = tpu.memref_slice %arg4[%mul3A_8] : memref<53248xf32, #tpu.memory_space<hbm>> -> memref<3328xf32, #tpu.memory_space<hbm>>
      tpu.enqueue_dma source(%dma_start3A_34 : memref<3328xf32, #tpu.memory_space<hbm>>) target(%arg9 : memref<3328xf32, #tpu.memory_space<vmem>>) target_semaphore(%run_scoped3A : memref<!tpu.dma_semaphore, #tpu.memory_space<semaphore_mem>>)
      %dma_wait3A = tpu.memref_slice %arg4[%mul3A_8] : memref<53248xf32, #tpu.memory_space<hbm>> -> memref<3328xf32, #tpu.memory_space<hbm>>
      %dma_wait3A_35 = tpu.memref_slice %arg4[%mul3A_8] : memref<53248xf32, #tpu.memory_space<hbm>> -> memref<3328xf32, #tpu.memory_space<hbm>>
      tpu.wait_dma2 semaphore(%run_scoped3A : memref<!tpu.dma_semaphore, #tpu.memory_space<semaphore_mem>>) src(%dma_wait3A_35 : memref<3328xf32, #tpu.memory_space<hbm>>) dst(%arg9 : memref<3328xf32, #tpu.memory_space<vmem>>)
      tpu.yield
    }) : () -> ()
    "tpu.region"() ({
      %run_scoped3A = tpu.sem_alloc : memref<!tpu.dma_semaphore, #tpu.memory_space<semaphore_mem>>
      tpu.enqueue_dma source(%arg5 : memref<16xi32, #tpu.memory_space<hbm>>) target(%arg10 : memref<16xi32, #tpu.memory_space<vmem>>) target_semaphore(%run_scoped3A : memref<!tpu.dma_semaphore, #tpu.memory_space<semaphore_mem>>)
      tpu.wait_dma2 semaphore(%run_scoped3A : memref<!tpu.dma_semaphore, #tpu.memory_space<semaphore_mem>>) src(%arg5 : memref<16xi32, #tpu.memory_space<hbm>>) dst(%arg10 : memref<16xi32, #tpu.memory_space<vmem>>)
      tpu.yield
    }) : () -> ()
    %mul3A_9 = arith.constant 64 : i32
    %mul3A_10 = arith.muli %arg0, %mul3A_9 : i32
    %get3A = arith.constant 0 : index
    %get3A_11 = tpu.vector_load %arg10[%get3A] {strides = array<i32>} : memref<16xi32, #tpu.memory_space<vmem>>, vector<16xi32>,
    %iota3A = tpu.iota {dimensions = array<i32: 0>} : vector<16xi32>
    %mul3A_12 = arith.constant 16 : i32
    %mul3A_13 = vector.broadcast %mul3A_12 : i32 to vector<16xi32>
    %mul3A_14 = arith.muli %iota3A, %mul3A_13 : vector<16xi32>
    %add3A = arith.constant 262144 : i32
    %add3A_15 = vector.broadcast %add3A : i32 to vector<16xi32>
    %add3A_16 = arith.addi %add3A_15, %mul3A_14 : vector<16xi32>
    %add3A_17 = vector.broadcast %arg1 : i32 to vector<16xi32>
    %add3A_18 = arith.addi %add3A_16, %add3A_17 : vector<16xi32>
    %scan3A_19 = arith.constant 0 : i32
    %scan3A_20 = arith.constant 0 : i32
    %scan3A_21 = arith.constant 26 : i32
    %scan3A_22 = arith.addi %scan3A_20, %scan3A_21 : i32
    %scan3A_23 = arith.constant 1 : i32
    scf.for %scan3A_34 = %scan3A_20 to %scan3A_22 step %scan3A_23  : i32 {
      %mul3A_35 = arith.constant 128 : i32
      %mul3A_36 = arith.muli %scan3A_34, %mul3A_35 : i32
      %add3A_37 = arith.constant 0 : i32
      %add3A_38 = arith.addi %mul3A_36, %add3A_37 : i32
      %get3A_39 = arith.index_cast %add3A_38 : i32 to index
      %get3A_40 = tpu.vector_load %arg7[%get3A_39] {strides = array<i32>} : memref<3328xi32, #tpu.memory_space<vmem>>, vector<16xi32>,
      %get3A_41 = arith.index_cast %add3A_38 : i32 to index
      %get3A_42 = tpu.vector_load %arg8[%get3A_41] {strides = array<i32>} : memref<3328xi32, #tpu.memory_space<vmem>>, vector<16xi32>,
      %get3A_43 = arith.index_cast %add3A_38 : i32 to index
      %get3A_44 = tpu.vector_load %arg9[%get3A_43] {strides = array<i32>} : memref<3328xf32, #tpu.memory_space<vmem>>, vector<16xf32>,
      %sub3A = vector.broadcast %mul3A_10 : i32 to vector<16xi32>
      %sub3A_45 = arith.subi %get3A_40, %sub3A : vector<16xi32>
      %ge3A = vector.broadcast %mul3A_10 : i32 to vector<16xi32>
      %ge3A_46 = arith.cmpi sge, %get3A_40, %ge3A : vector<16xi32>
      %add3A_47 = arith.constant 64 : i32
      %add3A_48 = arith.addi %mul3A_10, %add3A_47 : i32
      %lt3A_49 = vector.broadcast %add3A_48 : i32 to vector<16xi32>
      %lt3A_50 = arith.cmpi slt, %get3A_40, %lt3A_49 : vector<16xi32>
      %and3A = arith.andi %ge3A_46, %lt3A_50 : vector<16xi1>
      %lt3A_51 = arith.cmpi slt, %get3A_40, %get3A_11 : vector<16xi32>
      %and3A_52 = arith.andi %and3A, %lt3A_51 : vector<16xi1>
      %shift_right_arithmetic3A = arith.constant 4 : i32
      %shift_right_arithmetic3A_53 = vector.broadcast %shift_right_arithmetic3A : i32 to vector<16xi32>
      %shift_right_arithmetic3A_54 = arith.shrsi %sub3A_45, %shift_right_arithmetic3A_53 : vector<16xi32>
      %mul3A_55 = arith.constant 65536 : i32
      %mul3A_56 = vector.broadcast %mul3A_55 : i32 to vector<16xi32>
      %mul3A_57 = arith.muli %shift_right_arithmetic3A_54, %mul3A_56 : vector<16xi32>
      %mul3A_58 = arith.constant 16 : i32
      %mul3A_59 = vector.broadcast %mul3A_58 : i32 to vector<16xi32>
      %mul3A_60 = arith.muli %get3A_42, %mul3A_59 : vector<16xi32>
      %add3A_61 = arith.addi %mul3A_57, %mul3A_60 : vector<16xi32>
      %and3A_62 = arith.constant 15 : i32
      %and3A_63 = vector.broadcast %and3A_62 : i32 to vector<16xi32>
      %and3A_64 = arith.andi %sub3A_45, %and3A_63 : vector<16xi32>
      %add3A_65 = arith.addi %add3A_61, %and3A_64 : vector<16xi32>
      %select_n3A = arith.select %and3A_52, %add3A_65, %add3A_18 : vector<16xi1>, vector<16xi32>
      %swap3A = arith.index_cast %scan3A_34 : i32 to index
      %swap3A_66 = arith.constant 0 : index
      %swap3A_67 = tpu.vector_load %arg11[%swap3A, %swap3A_66] {strides = array<i32>} : memref<26x128xi32, #tpu.memory_space<vmem>>, vector<16xi32>,
      tpu.vector_store %arg11[%swap3A, %swap3A_66], %select_n3A {strides = array<i32>} : memref<26x128xi32, #tpu.memory_space<vmem>>, vector<16xi32>,
      %jit3A = arith.constant 0.000000e+00 : f32
      %broadcast_in_dim3A_68 = vector.broadcast %jit3A : f32 to vector<16xf32>
      %select_n3A_69 = arith.select %and3A_52, %get3A_44, %broadcast_in_dim3A_68 : vector<16xi1>, vector<16xf32>
      %swap3A_70 = arith.index_cast %scan3A_34 : i32 to index
      %swap3A_71 = arith.constant 0 : index
      %swap3A_72 = tpu.vector_load %arg12[%swap3A_70, %swap3A_71] {strides = array<i32>} : memref<26x128xf32, #tpu.memory_space<vmem>>, vector<16xf32>,
      tpu.vector_store %arg12[%swap3A_70, %swap3A_71], %select_n3A_69 {strides = array<i32>} : memref<26x128xf32, #tpu.memory_space<vmem>>, vector<16xf32>,
      %mul3A_73 = arith.constant 128 : i32
      %mul3A_74 = arith.muli %scan3A_34, %mul3A_73 : i32
      %add3A_75 = arith.constant 16 : i32
      %add3A_76 = arith.addi %mul3A_74, %add3A_75 : i32
      %get3A_77 = arith.index_cast %add3A_76 : i32 to index
      %get3A_78 = tpu.vector_load %arg7[%get3A_77] {strides = array<i32>} : memref<3328xi32, #tpu.memory_space<vmem>>, vector<16xi32>,
      %get3A_79 = arith.index_cast %add3A_76 : i32 to index
      %get3A_80 = tpu.vector_load %arg8[%get3A_79] {strides = array<i32>} : memref<3328xi32, #tpu.memory_space<vmem>>, vector<16xi32>,
      %get3A_81 = arith.index_cast %add3A_76 : i32 to index
      %get3A_82 = tpu.vector_load %arg9[%get3A_81] {strides = array<i32>} : memref<3328xf32, #tpu.memory_space<vmem>>, vector<16xf32>,
      %sub3A_83 = vector.broadcast %mul3A_10 : i32 to vector<16xi32>
      %sub3A_84 = arith.subi %get3A_78, %sub3A_83 : vector<16xi32>
      %ge3A_85 = vector.broadcast %mul3A_10 : i32 to vector<16xi32>
      %ge3A_86 = arith.cmpi sge, %get3A_78, %ge3A_85 : vector<16xi32>
      %add3A_87 = arith.constant 64 : i32
      %add3A_88 = arith.addi %mul3A_10, %add3A_87 : i32
      %lt3A_89 = vector.broadcast %add3A_88 : i32 to vector<16xi32>
      %lt3A_90 = arith.cmpi slt, %get3A_78, %lt3A_89 : vector<16xi32>
      %and3A_91 = arith.andi %ge3A_86, %lt3A_90 : vector<16xi1>
      %lt3A_92 = arith.cmpi slt, %get3A_78, %get3A_11 : vector<16xi32>
      %and3A_93 = arith.andi %and3A_91, %lt3A_92 : vector<16xi1>
      %shift_right_arithmetic3A_94 = arith.constant 4 : i32
      %shift_right_arithmetic3A_95 = vector.broadcast %shift_right_arithmetic3A_94 : i32 to vector<16xi32>
      %shift_right_arithmetic3A_96 = arith.shrsi %sub3A_84, %shift_right_arithmetic3A_95 : vector<16xi32>
      %mul3A_97 = arith.constant 65536 : i32
      %mul3A_98 = vector.broadcast %mul3A_97 : i32 to vector<16xi32>
      %mul3A_99 = arith.muli %shift_right_arithmetic3A_96, %mul3A_98 : vector<16xi32>
      %mul3A_100 = arith.constant 16 : i32
      %mul3A_101 = vector.broadcast %mul3A_100 : i32 to vector<16xi32>
      %mul3A_102 = arith.muli %get3A_80, %mul3A_101 : vector<16xi32>
      %add3A_103 = arith.addi %mul3A_99, %mul3A_102 : vector<16xi32>
      %and3A_104 = arith.constant 15 : i32
      %and3A_105 = vector.broadcast %and3A_104 : i32 to vector<16xi32>
      %and3A_106 = arith.andi %sub3A_84, %and3A_105 : vector<16xi32>
      %add3A_107 = arith.addi %add3A_103, %and3A_106 : vector<16xi32>
      %select_n3A_108 = arith.select %and3A_93, %add3A_107, %add3A_18 : vector<16xi1>, vector<16xi32>
      %swap3A_109 = arith.index_cast %scan3A_34 : i32 to index
      %swap3A_110 = arith.constant 16 : index
      %swap3A_111 = tpu.vector_load %arg11[%swap3A_109, %swap3A_110] {strides = array<i32>} : memref<26x128xi32, #tpu.memory_space<vmem>>, vector<16xi32>,
      tpu.vector_store %arg11[%swap3A_109, %swap3A_110], %select_n3A_108 {strides = array<i32>} : memref<26x128xi32, #tpu.memory_space<vmem>>, vector<16xi32>,
      %jit3A_112 = arith.constant 0.000000e+00 : f32
      %broadcast_in_dim3A_113 = vector.broadcast %jit3A_112 : f32 to vector<16xf32>
      %select_n3A_114 = arith.select %and3A_93, %get3A_82, %broadcast_in_dim3A_113 : vector<16xi1>, vector<16xf32>
      %swap3A_115 = arith.index_cast %scan3A_34 : i32 to index
      %swap3A_116 = arith.constant 16 : index
      %swap3A_117 = tpu.vector_load %arg12[%swap3A_115, %swap3A_116] {strides = array<i32>} : memref<26x128xf32, #tpu.memory_space<vmem>>, vector<16xf32>,
      tpu.vector_store %arg12[%swap3A_115, %swap3A_116], %select_n3A_114 {strides = array<i32>} : memref<26x128xf32, #tpu.memory_space<vmem>>, vector<16xf32>,
      %mul3A_118 = arith.constant 128 : i32
      %mul3A_119 = arith.muli %scan3A_34, %mul3A_118 : i32
      %add3A_120 = arith.constant 32 : i32
      %add3A_121 = arith.addi %mul3A_119, %add3A_120 : i32
      %get3A_122 = arith.index_cast %add3A_121 : i32 to index
      %get3A_123 = tpu.vector_load %arg7[%get3A_122] {strides = array<i32>} : memref<3328xi32, #tpu.memory_space<vmem>>, vector<16xi32>,
      %get3A_124 = arith.index_cast %add3A_121 : i32 to index
      %get3A_125 = tpu.vector_load %arg8[%get3A_124] {strides = array<i32>} : memref<3328xi32, #tpu.memory_space<vmem>>, vector<16xi32>,
      %get3A_126 = arith.index_cast %add3A_121 : i32 to index
      %get3A_127 = tpu.vector_load %arg9[%get3A_126] {strides = array<i32>} : memref<3328xf32, #tpu.memory_space<vmem>>, vector<16xf32>,
      %sub3A_128 = vector.broadcast %mul3A_10 : i32 to vector<16xi32>
      %sub3A_129 = arith.subi %get3A_123, %sub3A_128 : vector<16xi32>
      %ge3A_130 = vector.broadcast %mul3A_10 : i32 to vector<16xi32>
      %ge3A_131 = arith.cmpi sge, %get3A_123, %ge3A_130 : vector<16xi32>
      %add3A_132 = arith.constant 64 : i32
      %add3A_133 = arith.addi %mul3A_10, %add3A_132 : i32
      %lt3A_134 = vector.broadcast %add3A_133 : i32 to vector<16xi32>
      %lt3A_135 = arith.cmpi slt, %get3A_123, %lt3A_134 : vector<16xi32>
      %and3A_136 = arith.andi %ge3A_131, %lt3A_135 : vector<16xi1>
      %lt3A_137 = arith.cmpi slt, %get3A_123, %get3A_11 : vector<16xi32>
      %and3A_138 = arith.andi %and3A_136, %lt3A_137 : vector<16xi1>
      %shift_right_arithmetic3A_139 = arith.constant 4 : i32
      %shift_right_arithmetic3A_140 = vector.broadcast %shift_right_arithmetic3A_139 : i32 to vector<16xi32>
      %shift_right_arithmetic3A_141 = arith.shrsi %sub3A_129, %shift_right_arithmetic3A_140 : vector<16xi32>
      %mul3A_142 = arith.constant 65536 : i32
      %mul3A_143 = vector.broadcast %mul3A_142 : i32 to vector<16xi32>
      %mul3A_144 = arith.muli %shift_right_arithmetic3A_141, %mul3A_143 : vector<16xi32>
      %mul3A_145 = arith.constant 16 : i32
      %mul3A_146 = vector.broadcast %mul3A_145 : i32 to vector<16xi32>
      %mul3A_147 = arith.muli %get3A_125, %mul3A_146 : vector<16xi32>
      %add3A_148 = arith.addi %mul3A_144, %mul3A_147 : vector<16xi32>
      %and3A_149 = arith.constant 15 : i32
      %and3A_150 = vector.broadcast %and3A_149 : i32 to vector<16xi32>
      %and3A_151 = arith.andi %sub3A_129, %and3A_150 : vector<16xi32>
      %add3A_152 = arith.addi %add3A_148, %and3A_151 : vector<16xi32>
      %select_n3A_153 = arith.select %and3A_138, %add3A_152, %add3A_18 : vector<16xi1>, vector<16xi32>
      %swap3A_154 = arith.index_cast %scan3A_34 : i32 to index
      %swap3A_155 = arith.constant 32 : index
      %swap3A_156 = tpu.vector_load %arg11[%swap3A_154, %swap3A_155] {strides = array<i32>} : memref<26x128xi32, #tpu.memory_space<vmem>>, vector<16xi32>,
      tpu.vector_store %arg11[%swap3A_154, %swap3A_155], %select_n3A_153 {strides = array<i32>} : memref<26x128xi32, #tpu.memory_space<vmem>>, vector<16xi32>,
      %jit3A_157 = arith.constant 0.000000e+00 : f32
      %broadcast_in_dim3A_158 = vector.broadcast %jit3A_157 : f32 to vector<16xf32>
      %select_n3A_159 = arith.select %and3A_138, %get3A_127, %broadcast_in_dim3A_158 : vector<16xi1>, vector<16xf32>
      %swap3A_160 = arith.index_cast %scan3A_34 : i32 to index
      %swap3A_161 = arith.constant 32 : index
      %swap3A_162 = tpu.vector_load %arg12[%swap3A_160, %swap3A_161] {strides = array<i32>} : memref<26x128xf32, #tpu.memory_space<vmem>>, vector<16xf32>,
      tpu.vector_store %arg12[%swap3A_160, %swap3A_161], %select_n3A_159 {strides = array<i32>} : memref<26x128xf32, #tpu.memory_space<vmem>>, vector<16xf32>,
      %mul3A_163 = arith.constant 128 : i32
      %mul3A_164 = arith.muli %scan3A_34, %mul3A_163 : i32
      %add3A_165 = arith.constant 48 : i32
      %add3A_166 = arith.addi %mul3A_164, %add3A_165 : i32
      %get3A_167 = arith.index_cast %add3A_166 : i32 to index
      %get3A_168 = tpu.vector_load %arg7[%get3A_167] {strides = array<i32>} : memref<3328xi32, #tpu.memory_space<vmem>>, vector<16xi32>,
      %get3A_169 = arith.index_cast %add3A_166 : i32 to index
      %get3A_170 = tpu.vector_load %arg8[%get3A_169] {strides = array<i32>} : memref<3328xi32, #tpu.memory_space<vmem>>, vector<16xi32>,
      %get3A_171 = arith.index_cast %add3A_166 : i32 to index
      %get3A_172 = tpu.vector_load %arg9[%get3A_171] {strides = array<i32>} : memref<3328xf32, #tpu.memory_space<vmem>>, vector<16xf32>,
      %sub3A_173 = vector.broadcast %mul3A_10 : i32 to vector<16xi32>
      %sub3A_174 = arith.subi %get3A_168, %sub3A_173 : vector<16xi32>
      %ge3A_175 = vector.broadcast %mul3A_10 : i32 to vector<16xi32>
      %ge3A_176 = arith.cmpi sge, %get3A_168, %ge3A_175 : vector<16xi32>
      %add3A_177 = arith.constant 64 : i32
      %add3A_178 = arith.addi %mul3A_10, %add3A_177 : i32
      %lt3A_179 = vector.broadcast %add3A_178 : i32 to vector<16xi32>
      %lt3A_180 = arith.cmpi slt, %get3A_168, %lt3A_179 : vector<16xi32>
      %and3A_181 = arith.andi %ge3A_176, %lt3A_180 : vector<16xi1>
      %lt3A_182 = arith.cmpi slt, %get3A_168, %get3A_11 : vector<16xi32>
      %and3A_183 = arith.andi %and3A_181, %lt3A_182 : vector<16xi1>
      %shift_right_arithmetic3A_184 = arith.constant 4 : i32
      %shift_right_arithmetic3A_185 = vector.broadcast %shift_right_arithmetic3A_184 : i32 to vector<16xi32>
      %shift_right_arithmetic3A_186 = arith.shrsi %sub3A_174, %shift_right_arithmetic3A_185 : vector<16xi32>
      %mul3A_187 = arith.constant 65536 : i32
      %mul3A_188 = vector.broadcast %mul3A_187 : i32 to vector<16xi32>
      %mul3A_189 = arith.muli %shift_right_arithmetic3A_186, %mul3A_188 : vector<16xi32>
      %mul3A_190 = arith.constant 16 : i32
      %mul3A_191 = vector.broadcast %mul3A_190 : i32 to vector<16xi32>
      %mul3A_192 = arith.muli %get3A_170, %mul3A_191 : vector<16xi32>
      %add3A_193 = arith.addi %mul3A_189, %mul3A_192 : vector<16xi32>
      %and3A_194 = arith.constant 15 : i32
      %and3A_195 = vector.broadcast %and3A_194 : i32 to vector<16xi32>
      %and3A_196 = arith.andi %sub3A_174, %and3A_195 : vector<16xi32>
      %add3A_197 = arith.addi %add3A_193, %and3A_196 : vector<16xi32>
      %select_n3A_198 = arith.select %and3A_183, %add3A_197, %add3A_18 : vector<16xi1>, vector<16xi32>
      %swap3A_199 = arith.index_cast %scan3A_34 : i32 to index
      %swap3A_200 = arith.constant 48 : index
      %swap3A_201 = tpu.vector_load %arg11[%swap3A_199, %swap3A_200] {strides = array<i32>} : memref<26x128xi32, #tpu.memory_space<vmem>>, vector<16xi32>,
      tpu.vector_store %arg11[%swap3A_199, %swap3A_200], %select_n3A_198 {strides = array<i32>} : memref<26x128xi32, #tpu.memory_space<vmem>>, vector<16xi32>,
      %jit3A_202 = arith.constant 0.000000e+00 : f32
      %broadcast_in_dim3A_203 = vector.broadcast %jit3A_202 : f32 to vector<16xf32>
      %select_n3A_204 = arith.select %and3A_183, %get3A_172, %broadcast_in_dim3A_203 : vector<16xi1>, vector<16xf32>
      %swap3A_205 = arith.index_cast %scan3A_34 : i32 to index
      %swap3A_206 = arith.constant 48 : index
      %swap3A_207 = tpu.vector_load %arg12[%swap3A_205, %swap3A_206] {strides = array<i32>} : memref<26x128xf32, #tpu.memory_space<vmem>>, vector<16xf32>,
      tpu.vector_store %arg12[%swap3A_205, %swap3A_206], %select_n3A_204 {strides = array<i32>} : memref<26x128xf32, #tpu.memory_space<vmem>>, vector<16xf32>,
      %mul3A_208 = arith.constant 128 : i32
      %mul3A_209 = arith.muli %scan3A_34, %mul3A_208 : i32
      %add3A_210 = arith.constant 64 : i32
      %add3A_211 = arith.addi %mul3A_209, %add3A_210 : i32
      %get3A_212 = arith.index_cast %add3A_211 : i32 to index
      %get3A_213 = tpu.vector_load %arg7[%get3A_212] {strides = array<i32>} : memref<3328xi32, #tpu.memory_space<vmem>>, vector<16xi32>,
      %get3A_214 = arith.index_cast %add3A_211 : i32 to index
      %get3A_215 = tpu.vector_load %arg8[%get3A_214] {strides = array<i32>} : memref<3328xi32, #tpu.memory_space<vmem>>, vector<16xi32>,
      %get3A_216 = arith.index_cast %add3A_211 : i32 to index
      %get3A_217 = tpu.vector_load %arg9[%get3A_216] {strides = array<i32>} : memref<3328xf32, #tpu.memory_space<vmem>>, vector<16xf32>,
      %sub3A_218 = vector.broadcast %mul3A_10 : i32 to vector<16xi32>
      %sub3A_219 = arith.subi %get3A_213, %sub3A_218 : vector<16xi32>
      %ge3A_220 = vector.broadcast %mul3A_10 : i32 to vector<16xi32>
      %ge3A_221 = arith.cmpi sge, %get3A_213, %ge3A_220 : vector<16xi32>
      %add3A_222 = arith.constant 64 : i32
      %add3A_223 = arith.addi %mul3A_10, %add3A_222 : i32
      %lt3A_224 = vector.broadcast %add3A_223 : i32 to vector<16xi32>
      %lt3A_225 = arith.cmpi slt, %get3A_213, %lt3A_224 : vector<16xi32>
      %and3A_226 = arith.andi %ge3A_221, %lt3A_225 : vector<16xi1>
      %lt3A_227 = arith.cmpi slt, %get3A_213, %get3A_11 : vector<16xi32>
      %and3A_228 = arith.andi %and3A_226, %lt3A_227 : vector<16xi1>
      %shift_right_arithmetic3A_229 = arith.constant 4 : i32
      %shift_right_arithmetic3A_230 = vector.broadcast %shift_right_arithmetic3A_229 : i32 to vector<16xi32>
      %shift_right_arithmetic3A_231 = arith.shrsi %sub3A_219, %shift_right_arithmetic3A_230 : vector<16xi32>
      %mul3A_232 = arith.constant 65536 : i32
      %mul3A_233 = vector.broadcast %mul3A_232 : i32 to vector<16xi32>
      %mul3A_234 = arith.muli %shift_right_arithmetic3A_231, %mul3A_233 : vector<16xi32>
      %mul3A_235 = arith.constant 16 : i32
      %mul3A_236 = vector.broadcast %mul3A_235 : i32 to vector<16xi32>
      %mul3A_237 = arith.muli %get3A_215, %mul3A_236 : vector<16xi32>
      %add3A_238 = arith.addi %mul3A_234, %mul3A_237 : vector<16xi32>
      %and3A_239 = arith.constant 15 : i32
      %and3A_240 = vector.broadcast %and3A_239 : i32 to vector<16xi32>
      %and3A_241 = arith.andi %sub3A_219, %and3A_240 : vector<16xi32>
      %add3A_242 = arith.addi %add3A_238, %and3A_241 : vector<16xi32>
      %select_n3A_243 = arith.select %and3A_228, %add3A_242, %add3A_18 : vector<16xi1>, vector<16xi32>
      %swap3A_244 = arith.index_cast %scan3A_34 : i32 to index
      %swap3A_245 = arith.constant 64 : index
      %swap3A_246 = tpu.vector_load %arg11[%swap3A_244, %swap3A_245] {strides = array<i32>} : memref<26x128xi32, #tpu.memory_space<vmem>>, vector<16xi32>,
      tpu.vector_store %arg11[%swap3A_244, %swap3A_245], %select_n3A_243 {strides = array<i32>} : memref<26x128xi32, #tpu.memory_space<vmem>>, vector<16xi32>,
      %jit3A_247 = arith.constant 0.000000e+00 : f32
      %broadcast_in_dim3A_248 = vector.broadcast %jit3A_247 : f32 to vector<16xf32>
      %select_n3A_249 = arith.select %and3A_228, %get3A_217, %broadcast_in_dim3A_248 : vector<16xi1>, vector<16xf32>
      %swap3A_250 = arith.index_cast %scan3A_34 : i32 to index
      %swap3A_251 = arith.constant 64 : index
      %swap3A_252 = tpu.vector_load %arg12[%swap3A_250, %swap3A_251] {strides = array<i32>} : memref<26x128xf32, #tpu.memory_space<vmem>>, vector<16xf32>,
      tpu.vector_store %arg12[%swap3A_250, %swap3A_251], %select_n3A_249 {strides = array<i32>} : memref<26x128xf32, #tpu.memory_space<vmem>>, vector<16xf32>,
      %mul3A_253 = arith.constant 128 : i32
      %mul3A_254 = arith.muli %scan3A_34, %mul3A_253 : i32
      %add3A_255 = arith.constant 80 : i32
      %add3A_256 = arith.addi %mul3A_254, %add3A_255 : i32
      %get3A_257 = arith.index_cast %add3A_256 : i32 to index
      %get3A_258 = tpu.vector_load %arg7[%get3A_257] {strides = array<i32>} : memref<3328xi32, #tpu.memory_space<vmem>>, vector<16xi32>,
      %get3A_259 = arith.index_cast %add3A_256 : i32 to index
      %get3A_260 = tpu.vector_load %arg8[%get3A_259] {strides = array<i32>} : memref<3328xi32, #tpu.memory_space<vmem>>, vector<16xi32>,
      %get3A_261 = arith.index_cast %add3A_256 : i32 to index
      %get3A_262 = tpu.vector_load %arg9[%get3A_261] {strides = array<i32>} : memref<3328xf32, #tpu.memory_space<vmem>>, vector<16xf32>,
      %sub3A_263 = vector.broadcast %mul3A_10 : i32 to vector<16xi32>
      %sub3A_264 = arith.subi %get3A_258, %sub3A_263 : vector<16xi32>
      %ge3A_265 = vector.broadcast %mul3A_10 : i32 to vector<16xi32>
      %ge3A_266 = arith.cmpi sge, %get3A_258, %ge3A_265 : vector<16xi32>
      %add3A_267 = arith.constant 64 : i32
      %add3A_268 = arith.addi %mul3A_10, %add3A_267 : i32
      %lt3A_269 = vector.broadcast %add3A_268 : i32 to vector<16xi32>
      %lt3A_270 = arith.cmpi slt, %get3A_258, %lt3A_269 : vector<16xi32>
      %and3A_271 = arith.andi %ge3A_266, %lt3A_270 : vector<16xi1>
      %lt3A_272 = arith.cmpi slt, %get3A_258, %get3A_11 : vector<16xi32>
      %and3A_273 = arith.andi %and3A_271, %lt3A_272 : vector<16xi1>
      %shift_right_arithmetic3A_274 = arith.constant 4 : i32
      %shift_right_arithmetic3A_275 = vector.broadcast %shift_right_arithmetic3A_274 : i32 to vector<16xi32>
      %shift_right_arithmetic3A_276 = arith.shrsi %sub3A_264, %shift_right_arithmetic3A_275 : vector<16xi32>
      %mul3A_277 = arith.constant 65536 : i32
      %mul3A_278 = vector.broadcast %mul3A_277 : i32 to vector<16xi32>
      %mul3A_279 = arith.muli %shift_right_arithmetic3A_276, %mul3A_278 : vector<16xi32>
      %mul3A_280 = arith.constant 16 : i32
      %mul3A_281 = vector.broadcast %mul3A_280 : i32 to vector<16xi32>
      %mul3A_282 = arith.muli %get3A_260, %mul3A_281 : vector<16xi32>
      %add3A_283 = arith.addi %mul3A_279, %mul3A_282 : vector<16xi32>
      %and3A_284 = arith.constant 15 : i32
      %and3A_285 = vector.broadcast %and3A_284 : i32 to vector<16xi32>
      %and3A_286 = arith.andi %sub3A_264, %and3A_285 : vector<16xi32>
      %add3A_287 = arith.addi %add3A_283, %and3A_286 : vector<16xi32>
      %select_n3A_288 = arith.select %and3A_273, %add3A_287, %add3A_18 : vector<16xi1>, vector<16xi32>
      %swap3A_289 = arith.index_cast %scan3A_34 : i32 to index
      %swap3A_290 = arith.constant 80 : index
      %swap3A_291 = tpu.vector_load %arg11[%swap3A_289, %swap3A_290] {strides = array<i32>} : memref<26x128xi32, #tpu.memory_space<vmem>>, vector<16xi32>,
      tpu.vector_store %arg11[%swap3A_289, %swap3A_290], %select_n3A_288 {strides = array<i32>} : memref<26x128xi32, #tpu.memory_space<vmem>>, vector<16xi32>,
      %jit3A_292 = arith.constant 0.000000e+00 : f32
      %broadcast_in_dim3A_293 = vector.broadcast %jit3A_292 : f32 to vector<16xf32>
      %select_n3A_294 = arith.select %and3A_273, %get3A_262, %broadcast_in_dim3A_293 : vector<16xi1>, vector<16xf32>
      %swap3A_295 = arith.index_cast %scan3A_34 : i32 to index
      %swap3A_296 = arith.constant 80 : index
      %swap3A_297 = tpu.vector_load %arg12[%swap3A_295, %swap3A_296] {strides = array<i32>} : memref<26x128xf32, #tpu.memory_space<vmem>>, vector<16xf32>,
      tpu.vector_store %arg12[%swap3A_295, %swap3A_296], %select_n3A_294 {strides = array<i32>} : memref<26x128xf32, #tpu.memory_space<vmem>>, vector<16xf32>,
      %mul3A_298 = arith.constant 128 : i32
      %mul3A_299 = arith.muli %scan3A_34, %mul3A_298 : i32
      %add3A_300 = arith.constant 96 : i32
      %add3A_301 = arith.addi %mul3A_299, %add3A_300 : i32
      %get3A_302 = arith.index_cast %add3A_301 : i32 to index
      %get3A_303 = tpu.vector_load %arg7[%get3A_302] {strides = array<i32>} : memref<3328xi32, #tpu.memory_space<vmem>>, vector<16xi32>,
      %get3A_304 = arith.index_cast %add3A_301 : i32 to index
      %get3A_305 = tpu.vector_load %arg8[%get3A_304] {strides = array<i32>} : memref<3328xi32, #tpu.memory_space<vmem>>, vector<16xi32>,
      %get3A_306 = arith.index_cast %add3A_301 : i32 to index
      %get3A_307 = tpu.vector_load %arg9[%get3A_306] {strides = array<i32>} : memref<3328xf32, #tpu.memory_space<vmem>>, vector<16xf32>,
      %sub3A_308 = vector.broadcast %mul3A_10 : i32 to vector<16xi32>
      %sub3A_309 = arith.subi %get3A_303, %sub3A_308 : vector<16xi32>
      %ge3A_310 = vector.broadcast %mul3A_10 : i32 to vector<16xi32>
      %ge3A_311 = arith.cmpi sge, %get3A_303, %ge3A_310 : vector<16xi32>
      %add3A_312 = arith.constant 64 : i32
      %add3A_313 = arith.addi %mul3A_10, %add3A_312 : i32
      %lt3A_314 = vector.broadcast %add3A_313 : i32 to vector<16xi32>
      %lt3A_315 = arith.cmpi slt, %get3A_303, %lt3A_314 : vector<16xi32>
      %and3A_316 = arith.andi %ge3A_311, %lt3A_315 : vector<16xi1>
      %lt3A_317 = arith.cmpi slt, %get3A_303, %get3A_11 : vector<16xi32>
      %and3A_318 = arith.andi %and3A_316, %lt3A_317 : vector<16xi1>
      %shift_right_arithmetic3A_319 = arith.constant 4 : i32
      %shift_right_arithmetic3A_320 = vector.broadcast %shift_right_arithmetic3A_319 : i32 to vector<16xi32>
      %shift_right_arithmetic3A_321 = arith.shrsi %sub3A_309, %shift_right_arithmetic3A_320 : vector<16xi32>
      %mul3A_322 = arith.constant 65536 : i32
      %mul3A_323 = vector.broadcast %mul3A_322 : i32 to vector<16xi32>
      %mul3A_324 = arith.muli %shift_right_arithmetic3A_321, %mul3A_323 : vector<16xi32>
      %mul3A_325 = arith.constant 16 : i32
      %mul3A_326 = vector.broadcast %mul3A_325 : i32 to vector<16xi32>
      %mul3A_327 = arith.muli %get3A_305, %mul3A_326 : vector<16xi32>
      %add3A_328 = arith.addi %mul3A_324, %mul3A_327 : vector<16xi32>
      %and3A_329 = arith.constant 15 : i32
      %and3A_330 = vector.broadcast %and3A_329 : i32 to vector<16xi32>
      %and3A_331 = arith.andi %sub3A_309, %and3A_330 : vector<16xi32>
      %add3A_332 = arith.addi %add3A_328, %and3A_331 : vector<16xi32>
      %select_n3A_333 = arith.select %and3A_318, %add3A_332, %add3A_18 : vector<16xi1>, vector<16xi32>
      %swap3A_334 = arith.index_cast %scan3A_34 : i32 to index
      %swap3A_335 = arith.constant 96 : index
      %swap3A_336 = tpu.vector_load %arg11[%swap3A_334, %swap3A_335] {strides = array<i32>} : memref<26x128xi32, #tpu.memory_space<vmem>>, vector<16xi32>,
      tpu.vector_store %arg11[%swap3A_334, %swap3A_335], %select_n3A_333 {strides = array<i32>} : memref<26x128xi32, #tpu.memory_space<vmem>>, vector<16xi32>,
      %jit3A_337 = arith.constant 0.000000e+00 : f32
      %broadcast_in_dim3A_338 = vector.broadcast %jit3A_337 : f32 to vector<16xf32>
      %select_n3A_339 = arith.select %and3A_318, %get3A_307, %broadcast_in_dim3A_338 : vector<16xi1>, vector<16xf32>
      %swap3A_340 = arith.index_cast %scan3A_34 : i32 to index
      %swap3A_341 = arith.constant 96 : index
      %swap3A_342 = tpu.vector_load %arg12[%swap3A_340, %swap3A_341] {strides = array<i32>} : memref<26x128xf32, #tpu.memory_space<vmem>>, vector<16xf32>,
      tpu.vector_store %arg12[%swap3A_340, %swap3A_341], %select_n3A_339 {strides = array<i32>} : memref<26x128xf32, #tpu.memory_space<vmem>>, vector<16xf32>,
      %mul3A_343 = arith.constant 128 : i32
      %mul3A_344 = arith.muli %scan3A_34, %mul3A_343 : i32
      %add3A_345 = arith.constant 112 : i32
      %add3A_346 = arith.addi %mul3A_344, %add3A_345 : i32
      %get3A_347 = arith.index_cast %add3A_346 : i32 to index
      %get3A_348 = tpu.vector_load %arg7[%get3A_347] {strides = array<i32>} : memref<3328xi32, #tpu.memory_space<vmem>>, vector<16xi32>,
      %get3A_349 = arith.index_cast %add3A_346 : i32 to index
      %get3A_350 = tpu.vector_load %arg8[%get3A_349] {strides = array<i32>} : memref<3328xi32, #tpu.memory_space<vmem>>, vector<16xi32>,
      %get3A_351 = arith.index_cast %add3A_346 : i32 to index
      %get3A_352 = tpu.vector_load %arg9[%get3A_351] {strides = array<i32>} : memref<3328xf32, #tpu.memory_space<vmem>>, vector<16xf32>,
      %sub3A_353 = vector.broadcast %mul3A_10 : i32 to vector<16xi32>
      %sub3A_354 = arith.subi %get3A_348, %sub3A_353 : vector<16xi32>
      %ge3A_355 = vector.broadcast %mul3A_10 : i32 to vector<16xi32>
      %ge3A_356 = arith.cmpi sge, %get3A_348, %ge3A_355 : vector<16xi32>
      %add3A_357 = arith.constant 64 : i32
      %add3A_358 = arith.addi %mul3A_10, %add3A_357 : i32
      %lt3A_359 = vector.broadcast %add3A_358 : i32 to vector<16xi32>
      %lt3A_360 = arith.cmpi slt, %get3A_348, %lt3A_359 : vector<16xi32>
      %and3A_361 = arith.andi %ge3A_356, %lt3A_360 : vector<16xi1>
      %lt3A_362 = arith.cmpi slt, %get3A_348, %get3A_11 : vector<16xi32>
      %and3A_363 = arith.andi %and3A_361, %lt3A_362 : vector<16xi1>
      %shift_right_arithmetic3A_364 = arith.constant 4 : i32
      %shift_right_arithmetic3A_365 = vector.broadcast %shift_right_arithmetic3A_364 : i32 to vector<16xi32>
      %shift_right_arithmetic3A_366 = arith.shrsi %sub3A_354, %shift_right_arithmetic3A_365 : vector<16xi32>
      %mul3A_367 = arith.constant 65536 : i32
      %mul3A_368 = vector.broadcast %mul3A_367 : i32 to vector<16xi32>
      %mul3A_369 = arith.muli %shift_right_arithmetic3A_366, %mul3A_368 : vector<16xi32>
      %mul3A_370 = arith.constant 16 : i32
      %mul3A_371 = vector.broadcast %mul3A_370 : i32 to vector<16xi32>
      %mul3A_372 = arith.muli %get3A_350, %mul3A_371 : vector<16xi32>
      %add3A_373 = arith.addi %mul3A_369, %mul3A_372 : vector<16xi32>
      %and3A_374 = arith.constant 15 : i32
      %and3A_375 = vector.broadcast %and3A_374 : i32 to vector<16xi32>
      %and3A_376 = arith.andi %sub3A_354, %and3A_375 : vector<16xi32>
      %add3A_377 = arith.addi %add3A_373, %and3A_376 : vector<16xi32>
      %select_n3A_378 = arith.select %and3A_363, %add3A_377, %add3A_18 : vector<16xi1>, vector<16xi32>
      %swap3A_379 = arith.index_cast %scan3A_34 : i32 to index
      %swap3A_380 = arith.constant 112 : index
      %swap3A_381 = tpu.vector_load %arg11[%swap3A_379, %swap3A_380] {strides = array<i32>} : memref<26x128xi32, #tpu.memory_space<vmem>>, vector<16xi32>,
      tpu.vector_store %arg11[%swap3A_379, %swap3A_380], %select_n3A_378 {strides = array<i32>} : memref<26x128xi32, #tpu.memory_space<vmem>>, vector<16xi32>,
      %jit3A_382 = arith.constant 0.000000e+00 : f32
      %broadcast_in_dim3A_383 = vector.broadcast %jit3A_382 : f32 to vector<16xf32>
      %select_n3A_384 = arith.select %and3A_363, %get3A_352, %broadcast_in_dim3A_383 : vector<16xi1>, vector<16xf32>
      %swap3A_385 = arith.index_cast %scan3A_34 : i32 to index
      %swap3A_386 = arith.constant 112 : index
      %swap3A_387 = tpu.vector_load %arg12[%swap3A_385, %swap3A_386] {strides = array<i32>} : memref<26x128xf32, #tpu.memory_space<vmem>>, vector<16xf32>,
      tpu.vector_store %arg12[%swap3A_385, %swap3A_386], %select_n3A_384 {strides = array<i32>} : memref<26x128xf32, #tpu.memory_space<vmem>>, vector<16xf32>,
      %dma_start3A = arith.constant 0 : i32
      %dma_start3A_388 = tpu.memref_slice %arg12[%scan3A_34, %dma_start3A] : memref<26x128xf32, #tpu.memory_space<vmem>> -> memref<1x128xf32, #tpu.memory_space<vmem>>
      %dma_start3A_389 = tpu.memref_squeeze %dma_start3A_388 : memref<1x128xf32, #tpu.memory_space<vmem>> -> memref<128xf32, #tpu.memory_space<vmem>>
      %dma_start3A_390 = arith.constant 0 : i32
      %dma_start3A_391 = tpu.memref_slice %arg11[%scan3A_34, %dma_start3A_390] : memref<26x128xi32, #tpu.memory_space<vmem>> -> memref<1x128xi32, #tpu.memory_space<vmem>>
      %dma_start3A_392 = tpu.memref_squeeze %dma_start3A_391 : memref<1x128xi32, #tpu.memory_space<vmem>> -> memref<128xi32, #tpu.memory_space<vmem>>
      %dma_start3A_393 = arith.constant 0 : i32
      %dma_start3A_394 = tpu.memref_slice %arg14[%dma_start3A_393] : memref<264192xf32, #tpu.memory_space<vmem_shared>> -> memref<264192xf32, #tpu.memory_space<vmem_shared>>
      tpu.enqueue_indirect_dma source(%dma_start3A_389 : memref<128xf32, #tpu.memory_space<vmem>>) target(%dma_start3A_394 : memref<264192xf32, #tpu.memory_space<vmem_shared>>) offsets(%dma_start3A_392 : memref<128xi32, #tpu.memory_space<vmem>>) semaphore(%arg15 : memref<!tpu.dma_semaphore, #tpu.memory_space<semaphore_mem>>) {add = true}
    }
    %scan3A_24 = arith.constant 26 : i32
    %scan3A_25 = arith.constant 0 : i32
    %scan3A_26 = arith.constant 0 : i32
    %scan3A_27 = arith.constant 26 : i32
    %scan3A_28 = arith.addi %scan3A_26, %scan3A_27 : i32
    %scan3A_29 = arith.constant 1 : i32
    scf.for %scan3A_34 = %scan3A_26 to %scan3A_28 step %scan3A_29  : i32 {
      %dma_wait3A = arith.constant 0 : i32
      %dma_wait3A_35 = tpu.memref_slice %arg12[%scan3A_34, %dma_wait3A] : memref<26x128xf32, #tpu.memory_space<vmem>> -> memref<1x128xf32, #tpu.memory_space<vmem>>
      %dma_wait3A_36 = tpu.memref_squeeze %dma_wait3A_35 : memref<1x128xf32, #tpu.memory_space<vmem>> -> memref<128xf32, #tpu.memory_space<vmem>>
      %dma_wait3A_37 = arith.constant 0 : i32
      %dma_wait3A_38 = tpu.memref_slice %arg11[%scan3A_34, %dma_wait3A_37] : memref<26x128xi32, #tpu.memory_space<vmem>> -> memref<1x128xi32, #tpu.memory_space<vmem>>
      %dma_wait3A_39 = tpu.memref_squeeze %dma_wait3A_38 : memref<1x128xi32, #tpu.memory_space<vmem>> -> memref<128xi32, #tpu.memory_space<vmem>>
      %dma_wait3A_40 = arith.constant 0 : i32
      %dma_wait3A_41 = tpu.memref_slice %arg14[%dma_wait3A_40] : memref<264192xf32, #tpu.memory_space<vmem_shared>> -> memref<264192xf32, #tpu.memory_space<vmem_shared>>
      tpu.wait_indirect_dma semaphore(%arg15 : memref<!tpu.dma_semaphore, #tpu.memory_space<semaphore_mem>>) src(%dma_wait3A_36 : memref<128xf32, #tpu.memory_space<vmem>>) dst(%dma_wait3A_41 : memref<264192xf32, #tpu.memory_space<vmem_shared>>)
    }
    %scan3A_30 = arith.constant 26 : i32
    %barrier3A_31 = arith.constant 0 : index
    tpu.barrier barrier_id(%barrier3A_31)
    %lt3A = arith.constant 4 : i32
    %lt3A_32 = arith.cmpi slt, %arg1, %lt3A : i32
    %convert_element_type3A = arith.extui %lt3A_32 : i1 to i32
    %cond3A = arith.constant 0 : i32
    %cond3A_33 = arith.cmpi ne, %convert_element_type3A, %cond3A : i32
    scf.if %cond3A_33 {
      %mul3A_34 = arith.constant 65536 : i32
      %mul3A_35 = arith.muli %arg1, %mul3A_34 : i32
      %mul3A_36 = arith.constant 4 : i32
      %mul3A_37 = arith.muli %arg0, %mul3A_36 : i32
      %add3A_38 = arith.addi %mul3A_37, %arg1 : i32
      "tpu.region"() ({
        %run_scoped3A = tpu.sem_alloc : memref<!tpu.dma_semaphore, #tpu.memory_space<semaphore_mem>>
        %dma_start3A = arith.constant 0 : i32
        %dma_start3A_39 = tpu.memref_slice %arg6[%add3A_38, %dma_start3A] : memref<8x65536xf32, #tpu.memory_space<hbm>> -> memref<1x65536xf32, #tpu.memory_space<hbm>>
        %dma_start3A_40 = tpu.memref_squeeze %dma_start3A_39 : memref<1x65536xf32, #tpu.memory_space<hbm>> -> memref<65536xf32, #tpu.memory_space<hbm>>
        %dma_start3A_41 = tpu.memref_slice %arg14[%mul3A_35] : memref<264192xf32, #tpu.memory_space<vmem_shared>> -> memref<65536xf32, #tpu.memory_space<vmem_shared>>
        tpu.enqueue_dma source(%dma_start3A_41 : memref<65536xf32, #tpu.memory_space<vmem_shared>>) target(%dma_start3A_40 : memref<65536xf32, #tpu.memory_space<hbm>>) target_semaphore(%run_scoped3A : memref<!tpu.dma_semaphore, #tpu.memory_space<semaphore_mem>>)
        %dma_wait3A = arith.constant 0 : i32
        %dma_wait3A_42 = tpu.memref_slice %arg6[%add3A_38, %dma_wait3A] : memref<8x65536xf32, #tpu.memory_space<hbm>> -> memref<1x65536xf32, #tpu.memory_space<hbm>>
        %dma_wait3A_43 = tpu.memref_squeeze %dma_wait3A_42 : memref<1x65536xf32, #tpu.memory_space<hbm>> -> memref<65536xf32, #tpu.memory_space<hbm>>
        %dma_wait3A_44 = tpu.memref_slice %arg14[%mul3A_35] : memref<264192xf32, #tpu.memory_space<vmem_shared>> -> memref<65536xf32, #tpu.memory_space<vmem_shared>>
        tpu.wait_dma2 semaphore(%run_scoped3A : memref<!tpu.dma_semaphore, #tpu.memory_space<semaphore_mem>>) src(%dma_wait3A_44 : memref<65536xf32, #tpu.memory_space<vmem_shared>>) dst(%dma_wait3A_43 : memref<65536xf32, #tpu.memory_space<hbm>>)
        tpu.yield
      }) : () -> ()
    } else {
    }
    return
  }
}

module attributes {stable_mosaic.version = 14 : i64} {
  func.func @_norm_body(%arg0: i32, %arg1: memref<512x2048xf32, #tpu.memory_space<vmem>>, %arg2: memref<512x1xf32, #tpu.memory_space<vmem>>) attributes {dimension_semantics = [#tpu.dimension_semantics<arbitrary>], iteration_bounds = array<i64: 8>, scalar_prefetch = 0 : i64, scratch_operands = 0 : i64, tpu.core_type = #tpu.core_type<tc>, window_params = [{transform_indices = @transform_0, window_bounds = array<i64: 512, 2048>}, {transform_indices = @transform_1, window_bounds = array<i64: 512, 1>}]} {
    %get3A = arith.constant 0 : index
    %get3A_0 = arith.constant 0 : index
    %get3A_1 = vector.load %arg1[%get3A, %get3A_0] : memref<512x2048xf32, #tpu.memory_space<vmem>>, vector<512x2048xf32>
    %mul3A = arith.mulf %get3A_1, %get3A_1 : vector<512x2048xf32>
    %reduce_sum3A = arith.constant dense<0.000000e+00> : vector<512xf32>
    %reduce_sum3A_2 = vector.multi_reduction <add>, %mul3A, %reduce_sum3A [1] : vector<512x2048xf32> to vector<512xf32>
    %broadcast_in_dim3A = vector.shape_cast %reduce_sum3A_2 : vector<512xf32> to vector<512x1xf32>
    %sqrt3A = math.sqrt %broadcast_in_dim3A : vector<512x1xf32>
    %mul3A_3 = arith.constant 0.00999999977 : f32
    %mul3A_4 = vector.broadcast %mul3A_3 : f32 to vector<512x1xf32>
    %mul3A_5 = arith.mulf %mul3A_4, %sqrt3A : vector<512x1xf32>
    %swap3A = arith.constant 0 : index
    %swap3A_6 = arith.constant 0 : index
    %swap3A_7 = vector.load %arg2[%swap3A, %swap3A_6] : memref<512x1xf32, #tpu.memory_space<vmem>>, vector<512x1xf32>
    tpu.vector_store %arg2[%swap3A, %swap3A_6], %mul3A_5 {strides = array<i32>} : memref<512x1xf32, #tpu.memory_space<vmem>>, vector<512x1xf32>,
    return
  }
  func.func @transform_0(%arg0: i32) -> (i32, i32) {
    %c0_i32 = arith.constant 0 : i32
    %c0_i32_0 = arith.constant 0 : i32
    return %arg0, %c0_i32 : i32, i32
  }
  func.func @transform_1(%arg0: i32) -> (i32, i32) {
    %c0_i32 = arith.constant 0 : i32
    %c0_i32_0 = arith.constant 0 : i32
    return %arg0, %c0_i32 : i32, i32
  }
}

</mosaic_0001>

<sc_bundles>
// kernel: kernel.5.cloned.1.call-start
scs
__scs_entry_jumppad:
0x0: {  	(pc) =	sbr.rel $0x88, $3  }
0x1: {  	(tag) =	ssettag $0x0;
	lr =	simm.s32 $0x1  }
0x2: {  	[smem:$0x3F9A] =	sst lr;
	_ =	strace $0xD0000000  }
0x3: {  	_ = 	snop  }
0x4: {  	_ = 	snop  }
0x5: {  	_ = 	snop  }
0x6: {  	_ = 	snop  }
0x7: {  	_ = 	snop  }
__scs_overlays_trampoline_lowered:
0x8: {  	[smem:$0x3FA9] =	sst s0  }
0x9: {  	[smem:$0x3FAA] =	sst s1  }
0xa: {  	[smem:$0x3FAB] =	sst s2  }
0xb: {  	[smem:$0x3FAC] =	sst s3  }
0xc: {  	[smem:$0x3FAD] =	sst s4  }
0xd: {  	[smem:$0x3FAE] =	sst s5  }
0xe: {  	[smem:$0x3FAF] =	sst s6  }
0xf: {  	[smem:$0x3FB0] =	sst s7  }
0x10: {  	[smem:$0x3FB1] =	sst s8  }
0x11: {  	[smem:$0x3FB2] =	sst s9;
	s0 =	simm.s32 @!p0 $0x0  }
0x12: {  	s1 =	sld [smem:$0x3F98];
	s0 =	simm.s32 @p0 $0x1  }
0x13: {  	[smem:$0x3FB3] =	sst s0;
	s0 =	simm.s32 @!p1 $0x0  }
0x14: {  	s2 =	sld [smem:$0x3F97];
	s0 =	simm.s32 @p1 $0x1  }
0x15: {  	[smem:$0x3FB4] =	sst s0;
	s0 =	simm.s32 @!p2 $0x0  }
0x16: {  	s3 =	sld [smem:$0x3FDB];
	s0 =	simm.s32 @p2 $0x1  }
0x17: {  	s4 =	simm.s32 $0x1BF5;
	[smem:$0x3FB6] =	sst s0  }
0x18: {  	s0 =	sld [smem:$0x3F99];
	_ =	swait.ge [sflag:s4], $0x0  }
0x19: {  	s7 =	sld [smem:$0x3F9A]  }
0x1a: {  	s8 =	sadd.s32 $0xFFFFE003, lr  }
0x1b: {  	s9 =	sadd.s32 $0xFFFFFEF7, lr;
	s5 =	simm.s32 $0xFFFFFFFF;
	p2 =	slt.u32 s8, $0xFFFFF086  }
0x1c: {  	p1 =	slt.u32 s9, $0xF7A;
	s5 =	simm.s32 @!p2 $0x0  }
0x1d: {  	s5 =	simm.s32 @p1 $0x1;
	p0 =	seq.s32 s7, s2  }
0x1e: {  	s7 =	smul.u32 @!p0 $0xF7A, s2;
	p2 =	seq.s32 @!p0 s5, $0x0  }
0x1f: {  	s9 =	smul.u32 $0xF7A, s1;
	s8 =	simm.s32 @!p0 $0x1BF5;
	p2 =	por !p2, p0  }
0x20: {  	[sflag:s8] =	ssyncset.s32 @!p0 $0xFFFFF086;
	s6 =	sadd.s32 @!p0 s3, s7;
	s7 =	simm.s32 @!p0 $0x108  }
0x21: {  	s3 =	sadd.s32 s3, s9;
	s6 =	sadd.s32 @!p0 $0x88, s6;
	s7 =	simm.s32 @p2 $0x1082  }
0x22: {  	[simem:s7], [sflag:s8] =	dma.local @!p0 [hbm:s6], $0xF7A  }
0x23: {  	s9 =	sor.u32 $0xD0000000, s2;
	s6 =	simm.s32 $0x108;
	_ =	swait.ge @!p0 [sflag:s8], $0x0  }
0x24: {  	s3 =	sadd.s32 $0x88, s3;
	s6 =	simm.s32 @!p1 $0x1082;
	[sflag:s4] =	ssyncset.s32 $0xFFFFF086  }
0x25: {  	[simem:s6], [sflag:s4] =	dma.local [hbm:s3], $0xF7A  }
0x26: {  	[smem:$0x3F9A] =	sst s1;
	(tag) =	ssettag s2;
	_ =	strace s9  }
0x27: {  	s1 =	sld [smem:$0x3FAA]  }
0x28: {  	s2 =	sld [smem:$0x3FAB]  }
0x29: {  	s4 =	sld [smem:$0x3FAD]  }
0x2a: {  	p0 =	seq.s32 s5, $0x0;
	s5 =	sld [smem:$0x3FAE]  }
0x2b: {  	s6 =	sld [smem:$0x3FAF]  }
0x2c: {  	s7 =	sld [smem:$0x3FB0]  }
0x2d: {  	s3 =	simm.s32 $0x108;
	s8 =	sld [smem:$0x3FB1]  }
0x2e: {  	s3 =	simm.s32 @!p0 $0x1082;
	s9 =	sld [smem:$0x3FB2]  }
0x2f: {  	lr =	sadd.s32 s0, s3;
	s0 =	sld [smem:$0x3FA9]  }
0x30: {  	s3 =	sld [smem:$0x3FAC]  }
0x31: {  	[smem:$0x3FB5] =	sst s10  }
0x32: {  	s10 =	sld [smem:$0x3FB3];
	_ =	sdelay $0x3  }
0x33: {  	p0 =	seq.s32 s10, $0x1;
	s10 =	sld [smem:$0x3FB5];
	_ =	sdelay $0x3  }
0x34: {  	[smem:$0x3FB5] =	sst s10  }
0x35: {  	s10 =	sld [smem:$0x3FB4];
	_ =	sdelay $0x3  }
0x36: {  	p1 =	seq.s32 s10, $0x1;
	s10 =	sld [smem:$0x3FB5];
	_ =	sdelay $0x3  }
0x37: {  	[smem:$0x3FB5] =	sst s10  }
0x38: {  	s10 =	sld [smem:$0x3FB6]  }
0x39: {  	_ = 	snop;
	(pc) =	sbr.ind lr, $3  }
0x3a: {  	_ = 	snop  }
0x3b: {  	_ = 	snop  }
0x3c: {  	p2 =	seq.s32 s10, $0x1;
	s10 =	sld [smem:$0x3FB5]  }
0x3d: {  	_ =	shalt  }
0x3e: {  	_ =	shalt  }
0x3f: {  	_ =	shalt  }
0x40: {  	_ =	shalt  }
0x41: {  	_ =	shalt  }
0x42: {  	_ =	shalt  }
0x43: {  	_ =	shalt  }
0x44: {  	_ =	shalt  }
0x45: {  	_ =	shalt  }
0x46: {  	_ =	shalt  }
0x47: {  	_ =	shalt  }
0x48: {  	_ =	shalt  }
0x49: {  	_ =	shalt  }
0x4a: {  	_ =	shalt  }
0x4b: {  	_ =	shalt  }
0x4c: {  	_ =	shalt  }
0x4d: {  	_ =	shalt  }
0x4e: {  	_ =	shalt  }
0x4f: {  	_ =	shalt  }
0x50: {  	_ =	shalt  }
0x51: {  	_ =	shalt  }
0x52: {  	_ =	shalt  }
0x53: {  	_ =	shalt  }
0x54: {  	_ =	shalt  }
0x55: {  	_ =	shalt  }
0x56: {  	_ =	shalt  }
0x57: {  	_ =	shalt  }
0x58: {  	_ =	shalt  }
0x59: {  	_ =	shalt  }
0x5a: {  	_ =	shalt  }
0x5b: {  	_ =	shalt  }
0x5c: {  	_ =	shalt  }
0x5d: {  	_ =	shalt  }
0x5e: {  	_ =	shalt  }
0x5f: {  	_ =	shalt  }
0x60: {  	_ =	shalt  }
0x61: {  	_ =	shalt  }
0x62: {  	_ =	shalt  }
0x63: {  	_ =	shalt  }
0x64: {  	_ =	shalt  }
0x65: {  	_ =	shalt  }
0x66: {  	_ =	shalt  }
0x67: {  	_ =	shalt  }
0x68: {  	_ =	shalt  }
0x69: {  	_ =	shalt  }
0x6a: {  	_ =	shalt  }
0x6b: {  	_ =	shalt  }
0x6c: {  	_ =	shalt  }
0x6d: {  	_ =	shalt  }
0x6e: {  	_ =	shalt  }
0x6f: {  	_ =	shalt  }
0x70: {  	_ =	shalt  }
0x71: {  	_ =	shalt  }
0x72: {  	_ =	shalt  }
0x73: {  	_ =	shalt  }
0x74: {  	_ =	shalt  }
0x75: {  	_ =	shalt  }
0x76: {  	_ =	shalt  }
0x77: {  	_ =	shalt  }
0x78: {  	_ =	shalt  }
0x79: {  	_ =	shalt  }
0x7a: {  	_ =	shalt  }
0x7b: {  	_ =	shalt  }
0x7c: {  	_ =	shalt  }
0x7d: {  	_ =	shalt  }
0x7e: {  	_ =	shalt  }
0x7f: {  	_ =	shalt  }
0x80: {  	_ =	shalt  }
0x81: {  	_ =	shalt  }
0x82: {  	_ =	shalt  }
0x83: {  	_ =	shalt  }
0x84: {  	_ =	shalt  }
0x85: {  	_ =	shalt  }
0x86: {  	_ =	shalt  }
0x87: {  	_ =	shalt  }
.Lfunc_end0:
.L_simem_size_0:
called_computation_lowered:
.L_overlay_start_0:
0x88: {  	s2 =	sld [smem:$0x3FD9]  }
0x89: {  	s3 =	sld [smem:$0x3FFE];
	_ =	sdelay $0x1  }
0x8a: {  	s1 =	srdreg.scid  }
0x8b: {  	s0 =	sand.u32 $0x1, s1  }
0x8c: {  	s16 =	sshll.u32 s0, $0xA;
	s2 =	sadd.s32 s3, s2  }
0x8d: {  	s2 =	sadd.s32 s2, s16  }
0x8e: {  	[smem:$0x3FC1] =	sst s2  }
0x8f: {  	_ = 	snop  }
0x90: {  	(tm) =	ssettm $0x1  }
0x91: {  	s17 =	sld [smem:$0x3FFB];
	_ =	sdelay $0x3  }
0x92: {  	_ =	strace s17  }
0x93: {  	s2 =	sld [smem:$0x3FFC];
	_ =	sdelay $0x3  }
0x94: {  	_ =	strace s2  }
0x95: {  	s2 =	sld [smem:$0x3FFD];
	_ =	sdelay $0x3  }
0x96: {  	_ =	strace s2  }
0x97: {  	_ =	strace $0x8FFFFFFF  }
0x98: {  	s18 =	sld [smem:$0x3FDB];
	_ =	sdelay $0x1  }
0x99: {  	s19 =	simm.s32 $_scs_section_size  }
0x9a: {  	s4 =	simm.s32 $_size__tile_overlayer_lowered;
	s5 =	simm.s32 $_tile_overlayer_lowered  }
0x9b: {  	s22 =	simm.s32 $0x1BFF;
	s21 =	sshll.u32 s5, $0x1;
	s2 =	sadd.s32 s19, s18  }
0x9c: {  	s6 =	simm.s32 $0x0;
	s20 =	sshll.u32 s4, $0x1;
	s4 =	sadd.s32 s21, s2  }
0x9d: {  	[timem:s6], [sflag:s22] =	dma.local [hbm:s4], s20  }
0x9e: {  	_ =	swait.ge [sflag:s22], s20  }
0x9f: {  	s3 =	ssub.s32 $0x0, s20;
	[sflag:s22] =	ssyncset.done $0x0  }
0xa0: {  	[sflag:s22] =	ssyncadd.s32 s3;
	_ =	sdelay $0x1  }
0xa1: {  	s23 =	simm.s32 $0x1B8B  }
0xa2: {  	_ =	swait.ge [sflag:s23], $0x1  }
0xa3: {  	[sflag:s23] =	ssyncset.done $0x0  }
0xa4: {  	s25 =	simm.s32 $0x1B8E;
	s24 =	sld [smem:$0x3FFE];
	[sflag:s23] =	ssyncadd.s32 $0xFFFFFFFF  }
0xa5: {  	s26 =	simm.s32 $execute0_lowered;
	[smem:$0x3FD2] =	sst s25  }
0xa6: {  	s4 =	sshll.u32 s26, $0x1;
	_ =	strace $0x80000046;
	[dreg:$0x1] =	wrdreg $0xFFFFFFFF  }
0xa7: {  	s28 =	simm.s32 $_size_execute0_lowered;
	s2 =	sadd.s32 s2, s4;
	[dreg:$0x0] =	wrdreg $0x0  }
0xa8: {  	s4 =	sshll.u32 s28, $0x1;
	[dreg:$0x2] =	wrdreg s2  }
0xa9: {  	[dreg:$0x3] =	wrdreg s4  }
0xaa: {  	[dreg:$0x4] =	wrdreg $0xC0  }
0xab: {  	_ =	task [dreg:s6], $0x5FFFF  }
0xac: {  	[dreg:$0x1] =	wrdreg $0xFFFFFFFF  }
0xad: {  	[dreg:$0x0] =	wrdreg $0x60  }
0xae: {  	[dreg:$0x2] =	wrdreg s24  }
0xaf: {  	[dreg:$0x3] =	wrdreg $0x88000  }
0xb0: {  	[dreg:$0x4] =	wrdreg $0x9  }
0xb1: {  	_ =	task.clear_ibuf [dreg:s6], $0x5FFFF;
	_ =	strace $0x90000046  }
0xb2: {  	s29 =	simm.s32 $0x9;
	_ =	strace $0x80000048  }
0xb3: {  	_ =	swait.ge [sflag:s29], $0x1  }
0xb4: {  	[sflag:s29] =	ssyncadd.s32 $0xFFFFFFFF  }
0xb5: {  	_ =	strace $0x90000048  }
0xb6: {  	_ =	sfence  }
0xb7: {  	s30 =	sld [smem:$0x0];
	_ =	sdelay $0x2  }
0xb8: {  	s31 =	sshll.u32 s1, $0xD;
	s1 =	sshrl.u32 s1, $0x2  }
0xb9: {  	s3 =	sand.u32 $0x4000, s31;
	s1 =	sadd.s32 s1, s30  }
0xba: {  	s0 =	sor.u32 s3, s0;
	s1 =	sshll.u32 s1, $0x11  }
0xbb: {  	s0 =	sor.u32 s1, s0  }
0xbc: {  	s0 =	sadd.s32 $0x8F2B, s0  }
0xbd: {  	[sflag:s0] =	ssyncadd.remote.s32 $0x1  }
0xbe: {  	_ =	sfence.sel $0xFFFF  }
0xbf: {  	[dreg:$0x0] =	wrdreg $0xFFFFFFFF;
	(pc) =	sbr.abs _section_cstart, $3  }
0xc0: {  	[dreg:$0x1] =	wrdreg $0xFFFFFFFF  }
0xc1: {  	_ =	task.clear_ibuf [dreg:s6], $0x2FFFF;
	_ =	strace $0x9FFFFFFF  }
0xc2: {  	(tm) =	ssettm $0x7FFFFFFF  }
0xc3: {  	_ =	shalt  }
tec
execute0_lowered:
.L_overlay_start_1:
0x0: {  	(tag) =	ssettag $0x1  }
0x1: {  	s5 =	rddreg [dreg:$0x0]  }
0x2: {  	s2 =	rddreg [dreg:$0x1]  }
0x3: {  	s0 =	rddreg [dreg:$0x2];
	s3 =	simm.s32 $0x0;
	s1 =	stileid.u32  }
0x4: {  	s6 =	srdreg.scid;
	s12 =	simm.s32 $0x2;
	s13 =	simm.s32 $0xD00  }
0x5: {  	s14 =	simm.s32 $0x1A00;
	s16 =	simm.s32 $0x80;
	s4 =	smul.u32 $0x1A0, s1  }
0x6: {  	[smem:$0x7FF] =	sst s3;
	s8 =	sand.u32 $0x1, s6;
	s29 =	smul.u32 $0x10200, s1  }
0x7: {  	s10 =	sshll.u32 s1, $0x4;
	s31 =	sshll.u32 s1, $0x10;
	p0 =	sgt.u32 s1, $0x3  }
0x8: {  	_ =	strace $0x80000047;
	s7 =	ssub.s32 $0x2, s8;
	s10 =	sadd.s32 s10, s5  }
0x9: {  	v0 =	vlaneseq.u32;
	s15 =	sshll.u32 s8, $0x6;
	s19 =	sadd.s32 s31, s2;
	s18 =	sshll.u32 @!p0 s1, $0x6  }
0xa: {  	v0 =	vmul.u32 $0x10, v0;
	s9 =	sadd.s32 s4, s5;
	s4 =	sadd.s32 $0x5600, s5;
	s11 =	sshrl.u32 s7, $0x1  }
0xb: {  	s6 =	sshrl.u32 s29, $0x2;
	s30 =	sadd.s32 s15, s10;
	s17 =	sadd.s32 $0x40, s15  }
0xc: {  	v1 =	vor.u32 $0x40000, v0;
	v0 =	vmov s15;
	s15 =	simm.s32 $0x2700;
	s18 =	sor.u32 @!p0 $0x1C02, s18;
	s19 =	sshrl.u32 @!p0 s19, $0x3  }
0xd: {  	s11 =	ssub.s32 s7, s11;
	s5 =	sadd.s32 s6, s2;
	s6 =	sadd.s32 $0x800, s9  }
0xe: {  	s7 =	sadd.s32 $0x2200, s9;
	s8 =	sadd.s32 $0x3C00, s9;
	s9 =	sadd.s32 $0x5800, s30  }
0xf: {  	v3 =	vimm.f32 $0.0e+00;
	v1 =	vor.u32 s1, v1;
	v2 =	vmov s17;
	s17 =	simm.s32 $0x1;
	s10 =	smax.u32 s11, $0x1;
	s11 =	simm.s32 $0x4780  }
.LBB2_1:
0x10: {  	s20 =	simm.s32 $0x40;
	s21 =	simm.s32 $0x0  }
.LBB2_2:
0x11: {  	p1 =	sne.s32 s20, $0x101C0;
	[tilespmem:s21+$0x4780] =	vst v3;
	s21 =	smov.u32 s20;
	s20 =	sadd.s32 $0x40, s20  }
.Ltmp0:
0x12: {  	(pc) =	sbr.rel @p1 .LBB2_2-.Ltmp0, $2  }
0x13: {  	_ =	sdelay $0x2  }
0x14: {  	s21 =	sshra.s32 s21, $0x2  }
0x15: {  	[tilespmem:s21+$0x4780] =	vst v3  }
0x16: {  	[spmem:s5] =	stream.linear.scatter [tilespmem:s11], [sflag:$0x2], $0x4080, $0x38;
	[tilespmem:$0xC880] =	vst v63  }
0x17: {  	_ =	swait.ge [sflag:s12], $0x4080  }
0x18: {  	[sflag:s12] =	ssyncset.done $0x0  }
0x19: {  	[sflag:s12] =	ssyncadd.s32 $0xFFFFBF80  }
0x1a: {  	s20 =	simm.s32 $0x0;
	[bflag:$0x0] =	sbarrier.arrive $0xFFFF  }
0x1b: {  	[tilespmem:s20], [sflag:$0x2] =	stream.linear.gather [hbm4b:s6+s20], $0xD00, $0x38;
	[tilespmem:$0xC880] =	vst v63  }
0x1c: {  	_ =	swait.ge [sflag:s12], $0xD00  }
0x1d: {  	[sflag:s12] =	ssyncset.done $0x0  }
0x1e: {  	[sflag:s12] =	ssyncadd.s32 $0xFFFFF300  }
0x1f: {  	[tilespmem:s13], [sflag:$0x2] =	stream.linear.gather [hbm4b:s7+s20], $0xD00, $0x38;
	[tilespmem:$0xC880] =	vst v63  }
0x20: {  	_ =	swait.ge [sflag:s12], $0xD00  }
0x21: {  	[sflag:s12] =	ssyncset.done $0x0  }
0x22: {  	[sflag:s12] =	ssyncadd.s32 $0xFFFFF300  }
0x23: {  	[tilespmem:s14], [sflag:$0x2] =	stream.linear.gather [hbm4b:s8+s20], $0xD00, $0x38;
	[tilespmem:$0xC880] =	vst v63  }
0x24: {  	_ =	swait.ge [sflag:s12], $0xD00  }
0x25: {  	[sflag:s12] =	ssyncset.done $0x0  }
0x26: {  	[sflag:s12] =	ssyncadd.s32 $0xFFFFF300  }
0x27: {  	[tilespmem:s15], [sflag:$0x2] =	stream.linear.gather [hbm4b:s4+s20], $0x80, $0x38;
	[tilespmem:$0xC880] =	vst v63  }
0x28: {  	_ =	swait.ge [sflag:s12], $0x80  }
0x29: {  	[sflag:s12] =	ssyncset.done $0x0  }
0x2a: {  	[sflag:s12] =	ssyncadd.s32 $0xFFFFFF80  }
0x2b: {  	s20 =	simm.s32 $0x0;
	v4 =	vld [tilespmem:$0x2700]  }
0x2c: {  	v9 =	vld [tilespmem:s20+$0xD00]  }
0x2d: {  	v5 =	vld [tilespmem:s20+$0xD70]  }
0x2e: {  	v10 =	vld [tilespmem:s20+$0x70]  }
0x2f: {  	v7 =	vld [tilespmem:s20+$0x60]  }
0x30: {  	v8 =	vld [tilespmem:s20+$0x20]  }
0x31: {  	v12 =	vld [tilespmem:s20+$0x10]  }
0x32: {  	v11 =	vld [tilespmem:s20+$0xD20];
	v6 =	vshll.u32 v5, $0x4  }
0x33: {  	v16 =	vsub.s32 v10, v0;
	vm0 =	vlt.s32 v10, v2;
	v5 =	vand.u32 $0xF, v10  }
0x34: {  	v15 =	vld [tilespmem:s20+$0xD10];
	v13 =	vsub.s32 v7, v0;
	vm3 =	vlt.s32 v7, v2;
	vm1 =	vge.s32 v10, v0  }
0x35: {  	v9 =	vshll.u32 v9, $0x4;
	vm2 =	vlt.s32 v10, v4;
	v18 =	vsub.s32 v8, v0  }
0x36: {  	v10 =	vld [tilespmem:s20+$0xD60];
	v14 =	vshll.u32 v13, $0xC;
	v13 =	vsub.s32 v12, v0;
	vm0 =	vmand vm0, vm2  }
0x37: {  	s21 =	simm.s32 $0x200;
	v17 =	vshll.u32 v13, $0xC;
	v13 =	vshll.u32 v11, $0x4;
	v11 =	vld [tilespmem:s20+$0x40];
	vm0 =	vmand vm0, vm1  }
.LBB2_4:
0x38: {  	p1 =	sne.s32 s21, $0x3200;
	vm5 =	vlt.s32 v8, v2;
	v18 =	vshll.u32 v18, $0xC;
	v19 =	vld [tilespmem:s20+$0x30];
	v16 =	vshll.u32 v16, $0xC;
	s22 =	smov.u32 s21;
	s21 =	sadd.s32 $0x200, s21  }
0x39: {  	vm2 =	vge.s32 v12, v0;
	v17 =	vand.u32 $0xFFFF0000, v17;
	v15 =	vshll.u32 v15, $0x4;
	v20 =	vld [tilespmem:s20+$0x0]  }
0x3a: {  	vm4 =	vlt.s32 v7, v4;
	v15 =	vadd.s32 v15, v17;
	v17 =	vand.u32 $0xF, v12  }
0x3b: {  	v14 =	vand.u32 $0xFFFF0000, v14;
	v15 =	vor.u32 v17, v15;
	v17 =	vand.u32 $0xFFFF0000, v18;
	v21 =	vld [tilespmem:s20+$0x1A10]  }
0x3c: {  	vm9 =	vlt.s32 v12, v4;
	vm1 =	vge.s32 v8, v0;
	vm8 =	vlt.s32 v11, v4  }
0x3d: {  	vm10 =	vlt.s32 v12, v2;
	vm6 =	vmand vm3, vm4;
	vm7 =	vge.s32 v11, v0  }
0x3e: {  	vm4 =	vmand vm10, vm9;
	v12 =	vand.u32 $0xF, v7;
	vm9 =	vlt.s32 v11, v2  }
0x3f: {  	v10 =	vshll.u32 v10, $0x4;
	v13 =	vadd.s32 v13, v17;
	v17 =	vsub.s32 v11, v0  }
0x40: {  	v18 =	vand.u32 $0xF, v8;
	v10 =	vadd.s32 v10, v14;
	vm10 =	vlt.s32 v19, v4  }
0x41: {  	v11 =	vand.u32 $0xF, v11;
	v14 =	vsub.s32 v19, v0;
	v17 =	vshll.u32 v17, $0xC  }
0x42: {  	vm3 =	vlt.s32 v8, v4;
	vm11 =	vlt.s32 v19, v2;
	v22 =	vand.u32 $0xF, v20;
	v8 =	vld [tilespmem:s20+$0x1A60]  }
0x43: {  	vm3 =	vmand vm5, vm3;
	v23 =	vsub.s32 v20, v0;
	vm12 =	vlt.s32 v20, v4;
	v24 =	vld [tilespmem:s20+$0xD30]  }
0x44: {  	vm5 =	vmand vm9, vm8;
	v14 =	vshll.u32 v14, $0xC;
	v23 =	vshll.u32 v23, $0xC;
	v25 =	vld [tilespmem:s20+$0x1A40]  }
0x45: {  	vm9 =	vge.s32 v7, v0;
	vm8 =	vmand vm11, vm10;
	v23 =	vand.u32 $0xFFFF0000, v23;
	v26 =	vld [tilespmem:s20+$0x1A30]  }
0x46: {  	v10 =	vor.u32 v12, v10;
	vm10 =	vlt.s32 v20, v2;
	v9 =	vadd.s32 v9, v23;
	v7 =	vld [tilespmem:s20+$0x1A00]  }
0x47: {  	v12 =	vand.u32 $0xF, v19;
	vm7 =	vmand vm5, vm7;
	v9 =	vor.u32 v22, v9;
	v22 =	vld [tilespmem:s20+$0xD40]  }
0x48: {  	vm5 =	vge.s32 v19, v0;
	vm6 =	vmand vm6, vm9;
	v14 =	vand.u32 $0xFFFF0000, v14  }
0x49: {  	vm9 =	vge.s32 v20, v0;
	vm10 =	vmand vm10, vm12;
	vm5 =	vmand vm8, vm5  }
0x4a: {  	vm8 =	vmand vm10, vm9;
	v19 =	vshll.u32 v24, $0x4;
	v20 =	vnsel vm5, $0x0, v26  }
0x4b: {  	v17 =	vand.u32 $0xFFFF0000, v17;
	v9 =	vsel vm8, v9, v1;
	v7 =	vnsel vm8, $0x0, v7;
	[tilespmem:s20+$0x37B0] =	vst v20  }
0x4c: {  	[tilespmem:s20+$0x2780] =	vst v9;
	v9 =	vor.u32 v18, v13;
	v13 =	vshll.u32 v22, $0x4;
	v18 =	vnsel vm7, $0x0, v25  }
0x4d: {  	vm2 =	vmand vm4, vm2;
	v14 =	vadd.s32 v19, v14;
	v13 =	vadd.s32 v13, v17;
	[tilespmem:s20+$0x37C0] =	vst v18;
	v17 =	vld [tilespmem:s20+$0x50]  }
0x4e: {  	v10 =	vsel vm6, v10, v1;
	[tilespmem:s20+$0x3780] =	vst v7;
	v7 =	vsel vm2, v15, v1;
	v15 =	vld [tilespmem:s20+$0x1A20];
	v11 =	vor.u32 v11, v13  }
0x4f: {  	v8 =	vnsel vm6, $0x0, v8;
	[tilespmem:s20+$0x2790] =	vst v7;
	v7 =	vsel vm7, v11, v1;
	v11 =	vand.u32 $0xFFFF0000, v16  }
0x50: {  	v12 =	vor.u32 v12, v14;
	v13 =	vld [tilespmem:s20+$0xD50];
	[tilespmem:s20+$0x37E0] =	vst v8;
	v6 =	vadd.s32 v6, v11  }
0x51: {  	v8 =	vnsel vm2, $0x0, v21;
	v11 =	vsel vm5, v12, v1;
	[tilespmem:s20+$0x27E0] =	vst v10;
	v10 =	vld [tilespmem:s20+$0x1A70];
	v5 =	vor.u32 v5, v6  }
0x52: {  	vm1 =	vmand vm3, vm1;
	[tilespmem:s20+$0x27B0] =	vst v11;
	v6 =	vld [tilespmem:s20+$0x1A50];
	vm2 =	vlt.s32 v17, v4;
	v5 =	vsel vm0, v5, v1  }
0x53: {  	v9 =	vsel vm1, v9, v1;
	v11 =	vnsel vm1, $0x0, v15;
	[tilespmem:s20+$0x27C0] =	vst v7;
	v7 =	vsub.s32 v17, v0  }
0x54: {  	vm1 =	vlt.s32 v17, v2;
	[tilespmem:s20+$0x3790] =	vst v8;
	v7 =	vshll.u32 v7, $0xC;
	v8 =	vand.u32 $0xF, v17  }
0x55: {  	vm3 =	vge.s32 v17, v0;
	vm1 =	vmand vm1, vm2;
	[tilespmem:s20+$0x37A0] =	vst v11;
	v7 =	vand.u32 $0xFFFF0000, v7  }
0x56: {  	vm1 =	vmand vm1, vm3;
	v11 =	vshll.u32 v13, $0x4;
	[tilespmem:s20+$0x27F0] =	vst v5;
	v5 =	vnsel vm0, $0x0, v10  }
0x57: {  	v7 =	vadd.s32 v11, v7;
	v6 =	vnsel vm1, $0x0, v6;
	[tilespmem:s20+$0x37F0] =	vst v5  }
0x58: {  	v5 =	vor.u32 v8, v7;
	[tilespmem:s20+$0x37D0] =	vst v6  }
0x59: {  	v5 =	vsel vm1, v5, v1;
	[tilespmem:s20+$0x27A0] =	vst v9  }
0x5a: {  	s23 =	sadd.s32 $0x2780, s20;
	s24 =	sadd.s32 $0x3780, s20;
	[tilespmem:s20+$0x27D0] =	vst v5;
	s20 =	sshra.s32 s22, $0x2  }
0x5b: {  	[spmem:s2] =	stream.indirect.scatter.add.f32 [tilespmem:s24], [sflag:$0x1], $0x1, s23, s16, $0xb8;
	[tilespmem:$0xC880] =	vst v63  }
0x5c: {  	v9 =	vld [tilespmem:s20+$0xD00]  }
0x5d: {  	v5 =	vld [tilespmem:s20+$0xD70]  }
0x5e: {  	v11 =	vld [tilespmem:s20+$0x70]  }
0x5f: {  	v7 =	vld [tilespmem:s20+$0x60]  }
0x60: {  	v8 =	vld [tilespmem:s20+$0x20]  }
0x61: {  	v12 =	vld [tilespmem:s20+$0x10]  }
0x62: {  	v13 =	vld [tilespmem:s20+$0xD20];
	v6 =	vshll.u32 v5, $0x4  }
.Ltmp1:
0x63: {  	v15 =	vld [tilespmem:s20+$0xD10];
	v16 =	vsub.s32 v11, v0;
	vm0 =	vlt.s32 v11, v2;
	v5 =	vand.u32 $0xF, v11;
	(pc) =	sbr.rel @p1 .LBB2_4-.Ltmp1, $4  }
0x64: {  	vm1 =	vge.s32 v11, v0;
	v10 =	vld [tilespmem:s20+$0xD60];
	v14 =	vsub.s32 v7, v0;
	vm3 =	vlt.s32 v7, v2  }
0x65: {  	v9 =	vshll.u32 v9, $0x4;
	vm2 =	vlt.s32 v11, v4;
	v14 =	vshll.u32 v14, $0xC  }
0x66: {  	vm0 =	vmand vm0, vm2;
	v18 =	vsub.s32 v8, v0;
	v11 =	vsub.s32 v12, v0  }
0x67: {  	vm0 =	vmand vm0, vm1;
	v17 =	vshll.u32 v11, $0xC;
	v13 =	vshll.u32 v13, $0x4;
	v11 =	vld [tilespmem:s20+$0x40]  }
0x68: {  	vm1 =	vlt.s32 v8, v2;
	v18 =	vshll.u32 v18, $0xC;
	v16 =	vshll.u32 v16, $0xC  }
0x69: {  	vm4 =	vge.s32 v12, v0;
	v17 =	vand.u32 $0xFFFF0000, v17;
	v15 =	vshll.u32 v15, $0x4  }
0x6a: {  	v31 =	vand.u32 $0xF, v12;
	vm5 =	vlt.s32 v7, v4;
	v14 =	vand.u32 $0xFFFF0000, v14  }
0x6b: {  	vm6 =	vlt.s32 v12, v4;
	vm2 =	vge.s32 v8, v0;
	vm8 =	vlt.s32 v12, v2  }
0x6c: {  	v34 =	vand.u32 $0xF, v7;
	v40 =	vand.u32 $0xF, v8;
	vm15 =	vlt.s32 v8, v4  }
0x6d: {  	v15 =	vadd.s32 v15, v17;
	v32 =	vand.u32 $0xFFFF0000, v18;
	vm3 =	vmand vm3, vm5  }
0x6e: {  	v19 =	vld [tilespmem:s20+$0x30];
	vm6 =	vmand vm8, vm6;
	v10 =	vshll.u32 v10, $0x4;
	vm1 =	vmand vm1, vm15  }
0x6f: {  	v20 =	vld [tilespmem:s20+$0x0];
	v56 =	vand.u32 $0xFFFF0000, v16;
	v15 =	vor.u32 v31, v15;
	v13 =	vadd.s32 v13, v32  }
0x70: {  	v33 =	vld [tilespmem:s20+$0x1A10];
	v10 =	vadd.s32 v10, v14;
	vm4 =	vmand vm6, vm4;
	v6 =	vadd.s32 v6, v56  }
0x71: {  	v26 =	vld [tilespmem:s20+$0xD30];
	vm1 =	vmand vm1, vm2;
	v47 =	vor.u32 v34, v10;
	v48 =	vsel vm4, v15, v1  }
0x72: {  	v36 =	vld [tilespmem:s20+$0xD40];
	v58 =	vor.u32 v40, v13;
	v5 =	vor.u32 v5, v6;
	vm7 =	vlt.s32 v11, v4  }
0x73: {  	v45 =	vld [tilespmem:s20+$0x50];
	vm9 =	vge.s32 v11, v0;
	vm13 =	vlt.s32 v11, v2;
	v38 =	vsub.s32 v11, v0  }
0x74: {  	v49 =	vld [tilespmem:s20+$0x1A20];
	v43 =	vand.u32 $0xF, v11;
	vm14 =	vlt.s32 v19, v4;
	v21 =	vand.u32 $0xF, v20  }
0x75: {  	v53 =	vld [tilespmem:s20+$0xD50];
	v22 =	vsub.s32 v20, v0;
	vm10 =	vlt.s32 v19, v2;
	vm11 =	vlt.s32 v20, v4  }
0x76: {  	vm7 =	vmand vm13, vm7;
	vm8 =	vlt.s32 v20, v2;
	vm12 =	vge.s32 v20, v0  }
0x77: {  	v41 =	vsub.s32 v19, v0;
	v42 =	vshll.u32 v38, $0xC;
	v50 =	vand.u32 $0xF, v19  }
0x78: {  	v57 =	vld [tilespmem:s20+$0x1A70];
	v51 =	vshll.u32 v26, $0x4;
	v54 =	vshll.u32 v36, $0x4;
	v59 =	vnsel vm4, $0x0, v33  }
0x79: {  	v25 =	vld [tilespmem:s20+$0x1A40];
	vm13 =	vlt.s32 v45, v4;
	v4 =	vsel vm0, v5, v1;
	v5 =	vsub.s32 v45, v0  }
0x7a: {  	[tilespmem:s20+$0x2790] =	vst v48;
	v61 =	vnsel vm1, $0x0, v49;
	vm15 =	vge.s32 v45, v0;
	v62 =	vshll.u32 v53, $0x4  }
0x7b: {  	v23 =	vld [tilespmem:s20+$0x1A30];
	v63 =	vand.u32 $0xF, v45;
	v22 =	vshll.u32 v22, $0xC;
	vm5 =	vmand vm10, vm14;
	[tilespmem:s20+$0x3790] =	vst v59  }
0x7c: {  	v35 =	vld [tilespmem:s20+$0x1A00];
	vm10 =	vge.s32 v19, v0;
	vm8 =	vmand vm8, vm11;
	vm7 =	vmand vm7, vm9;
	[tilespmem:s20+$0x37A0] =	vst v61  }
0x7d: {  	v24 =	vld [tilespmem:s20+$0x1A60];
	v46 =	vshll.u32 v41, $0xC;
	vm14 =	vlt.s32 v45, v2;
	[tilespmem:s20+$0x27F0] =	vst v4;
	v4 =	vnsel vm0, $0x0, v57  }
0x7e: {  	v5 =	vshll.u32 v5, $0xC;
	v22 =	vand.u32 $0xFFFF0000, v22;
	v39 =	vnsel vm7, $0x0, v25;
	[tilespmem:s20+$0x37F0] =	vst v4  }
0x7f: {  	vm5 =	vmand vm5, vm10;
	vm8 =	vmand vm8, vm12;
	v4 =	vsel vm1, v58, v1;
	[tilespmem:s20+$0x37C0] =	vst v39  }
0x80: {  	v60 =	vld [tilespmem:s20+$0x1A50];
	vm12 =	vge.s32 v7, v0;
	v8 =	vand.u32 $0xFFFF0000, v46;
	v37 =	vnsel vm5, $0x0, v23;
	[tilespmem:s20+$0x27A0] =	vst v4  }
0x81: {  	vm2 =	vmand vm14, vm13;
	v44 =	vnsel vm8, $0x0, v35;
	vm3 =	vmand vm3, vm12;
	[tilespmem:s20+$0x37B0] =	vst v37  }
0x82: {  	v5 =	vand.u32 $0xFFFF0000, v5;
	v9 =	vadd.s32 v9, v22;
	[tilespmem:s20+$0x3780] =	vst v44;
	v52 =	vnsel vm3, $0x0, v24  }
0x83: {  	v8 =	vadd.s32 v51, v8;
	v9 =	vor.u32 v21, v9;
	v7 =	vsel vm3, v47, v1;
	[tilespmem:s20+$0x37E0] =	vst v52  }
0x84: {  	vm2 =	vmand vm2, vm15;
	v5 =	vadd.s32 v62, v5;
	v9 =	vsel vm8, v9, v1;
	[tilespmem:s20+$0x27E0] =	vst v7  }
0x85: {  	v8 =	vor.u32 v50, v8;
	v6 =	vnsel vm2, $0x0, v60;
	[tilespmem:s20+$0x2780] =	vst v9;
	v9 =	vand.u32 $0xFFFF0000, v42  }
0x86: {  	v5 =	vor.u32 v63, v5;
	v8 =	vsel vm5, v8, v1;
	[tilespmem:s20+$0x37D0] =	vst v6;
	v9 =	vadd.s32 v54, v9  }
0x87: {  	v4 =	vsel vm2, v5, v1;
	[tilespmem:s20+$0x27B0] =	vst v8;
	v55 =	vor.u32 v43, v9  }
0x88: {  	[tilespmem:s20+$0x27D0] =	vst v4;
	v7 =	vsel vm7, v55, v1  }
0x89: {  	s21 =	sadd.s32 $0x2780, s20;
	s22 =	sadd.s32 $0x3780, s20;
	[tilespmem:s20+$0x27C0] =	vst v7  }
0x8a: {  	[spmem:s2] =	stream.indirect.scatter.add.f32 [tilespmem:s22], [sflag:$0x1], $0x1, s21, s16, $0xb8;
	[tilespmem:$0xC880] =	vst v63  }
0x8b: {  	_ =	swait.ge [sflag:s17], $0x80  }
0x8c: {  	[sflag:s17] =	ssyncset.done $0x0  }
0x8d: {  	[sflag:s17] =	ssyncadd.s32 $0xFFFFFF80  }
0x8e: {  	_ =	swait.ge [sflag:s17], $0x80  }
0x8f: {  	[sflag:s17] =	ssyncset.done $0x0  }
0x90: {  	[sflag:s17] =	ssyncadd.s32 $0xFFFFFF80  }
0x91: {  	_ =	swait.ge [sflag:s17], $0x80  }
0x92: {  	[sflag:s17] =	ssyncset.done $0x0  }
0x93: {  	[sflag:s17] =	ssyncadd.s32 $0xFFFFFF80  }
0x94: {  	_ =	swait.ge [sflag:s17], $0x80  }
0x95: {  	[sflag:s17] =	ssyncset.done $0x0  }
0x96: {  	[sflag:s17] =	ssyncadd.s32 $0xFFFFFF80  }
0x97: {  	_ =	swait.ge [sflag:s17], $0x80  }
0x98: {  	[sflag:s17] =	ssyncset.done $0x0  }
0x99: {  	[sflag:s17] =	ssyncadd.s32 $0xFFFFFF80  }
0x9a: {  	_ =	swait.ge [sflag:s17], $0x80  }
0x9b: {  	[sflag:s17] =	ssyncset.done $0x0  }
0x9c: {  	[sflag:s17] =	ssyncadd.s32 $0xFFFFFF80  }
0x9d: {  	_ =	swait.ge [sflag:s17], $0x80  }
0x9e: {  	[sflag:s17] =	ssyncset.done $0x0  }
0x9f: {  	[sflag:s17] =	ssyncadd.s32 $0xFFFFFF80  }
0xa0: {  	_ =	swait.ge [sflag:s17], $0x80  }
0xa1: {  	[sflag:s17] =	ssyncset.done $0x0  }
0xa2: {  	[sflag:s17] =	ssyncadd.s32 $0xFFFFFF80  }
0xa3: {  	_ =	swait.ge [sflag:s17], $0x80  }
0xa4: {  	[sflag:s17] =	ssyncset.done $0x0  }
0xa5: {  	[sflag:s17] =	ssyncadd.s32 $0xFFFFFF80  }
0xa6: {  	_ =	swait.ge [sflag:s17], $0x80  }
0xa7: {  	[sflag:s17] =	ssyncset.done $0x0  }
0xa8: {  	[sflag:s17] =	ssyncadd.s32 $0xFFFFFF80  }
0xa9: {  	_ =	swait.ge [sflag:s17], $0x80  }
0xaa: {  	[sflag:s17] =	ssyncset.done $0x0  }
0xab: {  	[sflag:s17] =	ssyncadd.s32 $0xFFFFFF80  }
0xac: {  	_ =	swait.ge [sflag:s17], $0x80  }
0xad: {  	[sflag:s17] =	ssyncset.done $0x0  }
0xae: {  	[sflag:s17] =	ssyncadd.s32 $0xFFFFFF80  }
0xaf: {  	_ =	swait.ge [sflag:s17], $0x80  }
0xb0: {  	[sflag:s17] =	ssyncset.done $0x0  }
0xb1: {  	[sflag:s17] =	ssyncadd.s32 $0xFFFFFF80  }
0xb2: {  	_ =	swait.ge [sflag:s17], $0x80  }
0xb3: {  	[sflag:s17] =	ssyncset.done $0x0  }
0xb4: {  	[sflag:s17] =	ssyncadd.s32 $0xFFFFFF80  }
0xb5: {  	_ =	swait.ge [sflag:s17], $0x80  }
0xb6: {  	[sflag:s17] =	ssyncset.done $0x0  }
0xb7: {  	[sflag:s17] =	ssyncadd.s32 $0xFFFFFF80  }
0xb8: {  	_ =	swait.ge [sflag:s17], $0x80  }
0xb9: {  	[sflag:s17] =	ssyncset.done $0x0  }
0xba: {  	[sflag:s17] =	ssyncadd.s32 $0xFFFFFF80  }
0xbb: {  	_ =	swait.ge [sflag:s17], $0x80  }
0xbc: {  	[sflag:s17] =	ssyncset.done $0x0  }
0xbd: {  	[sflag:s17] =	ssyncadd.s32 $0xFFFFFF80  }
0xbe: {  	_ =	swait.ge [sflag:s17], $0x80  }
0xbf: {  	[sflag:s17] =	ssyncset.done $0x0  }
0xc0: {  	[sflag:s17] =	ssyncadd.s32 $0xFFFFFF80  }
0xc1: {  	_ =	swait.ge [sflag:s17], $0x80  }
0xc2: {  	[sflag:s17] =	ssyncset.done $0x0  }
0xc3: {  	[sflag:s17] =	ssyncadd.s32 $0xFFFFFF80  }
0xc4: {  	_ =	swait.ge [sflag:s17], $0x80  }
0xc5: {  	[sflag:s17] =	ssyncset.done $0x0  }
0xc6: {  	[sflag:s17] =	ssyncadd.s32 $0xFFFFFF80  }
0xc7: {  	_ =	swait.ge [sflag:s17], $0x80  }
0xc8: {  	[sflag:s17] =	ssyncset.done $0x0  }
0xc9: {  	[sflag:s17] =	ssyncadd.s32 $0xFFFFFF80  }
0xca: {  	_ =	swait.ge [sflag:s17], $0x80  }
0xcb: {  	[sflag:s17] =	ssyncset.done $0x0  }
0xcc: {  	[sflag:s17] =	ssyncadd.s32 $0xFFFFFF80  }
0xcd: {  	_ =	swait.ge [sflag:s17], $0x80  }
0xce: {  	[sflag:s17] =	ssyncset.done $0x0  }
0xcf: {  	[sflag:s17] =	ssyncadd.s32 $0xFFFFFF80  }
0xd0: {  	_ =	swait.ge [sflag:s17], $0x80  }
0xd1: {  	[sflag:s17] =	ssyncset.done $0x0  }
0xd2: {  	[sflag:s17] =	ssyncadd.s32 $0xFFFFFF80  }
0xd3: {  	_ =	swait.ge [sflag:s17], $0x80  }
0xd4: {  	[sflag:s17] =	ssyncset.done $0x0  }
0xd5: {  	[sflag:s17] =	ssyncadd.s32 $0xFFFFFF80  }
0xd6: {  	_ =	swait.ge [sflag:s17], $0x80  }
0xd7: {  	s3 =	sadd.s32 $0x1, s3;
	[sflag:s17] =	ssyncset.done $0x0  }
0xd8: {  	p1 =	sne.s32 s3, s10;
	s20 =	simm.s32 @!p0 $0x1;
	[sflag:s17] =	ssyncadd.s32 $0xFFFFFF80  }
0xd9: {  	s21 =	simm.s32 @!p0 $0x80;
	s22 =	simm.s32 @!p0 $0x10;
	[bflag:$0x0] =	sbarrier.arrive $0xFFFF  }
0xda: {  	[hbm:s9@s21], [sflag:s18] =	dma.strided @!p0 [spmem:s19@s22], $0x2000, s20, $0x10   }
.Ltmp2:
0xdb: {  	_ = 	snop;
	(pc) =	sbr.rel @p1 .LBB2_1-.Ltmp2, $4  }
0xdc: {  	s20 =	simm.s32 @!p0 $0x2  }
0xdd: {  	_ =	swait.ge @!p0 [sflag:s20], $0x2000  }
0xde: {  	[sflag:s20] =	ssyncset.done @!p0 $0x0  }
0xdf: {  	[sflag:s20] =	ssyncadd.s32 @!p0 $0xFFFFE000  }
0xe0: {  	_ =	sfence.sel $0x180000  }
0xe1: {  	[bflag:$0x0] =	sbarrier.arrive $0xFFFF  }
0xe2: {  	p0 =	sne.s32 s1, $0x0;
	_ =	strace $0x90000047  }
0xe3: {  	s0 =	sadd.s32 @!p0 $0x100000, s0;
	[bflag:$0x2] =	sbarrier.arrive $0xFFFF  }
0xe4: {  	[sflag:s0] =	ssyncadd.tile.s32 @!p0 $0x1;
	_ =	shalt  }
.Lfunc_end2:
_tile_overlayer_lowered:
.L_overlay_start_2:
0xe5: {  	(tag) =	ssettag $0x2  }
0xe6: {  	s0 =	rddreg [dreg:$0x0];
	s2 =	stileid.u32  }
0xe7: {  	s1 =	rddreg [dreg:$0x1];
	p0 =	sne.s32 s2, $0x0  }
0xe8: {  	s3 =	rddreg [dreg:$0x2];
	[bflag:$0x3] =	sbarrier.arrive $0xFFFF;
	s2 =	simm.s32 @!p0 $0x1C02  }
0xe9: {  	[timem:s3], [sflag:s2] =	dma.local @!p0 [hbm:s0], s1  }
0xea: {  	s0 =	simm.s32 @!p0 $0x2  }
0xeb: {  	_ =	swait.ge @!p0 [sflag:s0], s1  }
0xec: {  	s1 =	ssub.s32 @!p0 $0x0, s1;
	[sflag:s0] =	ssyncset.done @!p0 $0x0  }
0xed: {  	[sflag:s0] =	ssyncadd.s32 @!p0 s1  }
0xee: {  	[bflag:$0x3] =	sbarrier.arrive $0xFFFF  }
0xef: {  	_ =	shalt  }

// kernel: kernel.8.cloned.1.call-start
scs
__scs_entry_jumppad:
0x0: {  	(pc) =	sbr.rel $0x88, $3  }
0x1: {  	(tag) =	ssettag $0x0;
	lr =	simm.s32 $0x1  }
0x2: {  	[smem:$0x3F9A] =	sst lr;
	_ =	strace $0xD0000000  }
0x3: {  	_ = 	snop  }
0x4: {  	_ = 	snop  }
0x5: {  	_ = 	snop  }
0x6: {  	_ = 	snop  }
0x7: {  	_ = 	snop  }
__scs_overlays_trampoline_lowered:
0x8: {  	[smem:$0x3FA9] =	sst s0  }
0x9: {  	[smem:$0x3FAA] =	sst s1  }
0xa: {  	[smem:$0x3FAB] =	sst s2  }
0xb: {  	[smem:$0x3FAC] =	sst s3  }
0xc: {  	[smem:$0x3FAD] =	sst s4  }
0xd: {  	[smem:$0x3FAE] =	sst s5  }
0xe: {  	[smem:$0x3FAF] =	sst s6  }
0xf: {  	[smem:$0x3FB0] =	sst s7  }
0x10: {  	[smem:$0x3FB1] =	sst s8  }
0x11: {  	[smem:$0x3FB2] =	sst s9;
	s0 =	simm.s32 @!p0 $0x0  }
0x12: {  	s1 =	sld [smem:$0x3F98];
	s0 =	simm.s32 @p0 $0x1  }
0x13: {  	[smem:$0x3FB3] =	sst s0;
	s0 =	simm.s32 @!p1 $0x0  }
0x14: {  	s2 =	sld [smem:$0x3F97];
	s0 =	simm.s32 @p1 $0x1  }
0x15: {  	[smem:$0x3FB4] =	sst s0;
	s0 =	simm.s32 @!p2 $0x0  }
0x16: {  	s3 =	sld [smem:$0x3FDB];
	s0 =	simm.s32 @p2 $0x1  }
0x17: {  	s4 =	simm.s32 $0x1BF5;
	[smem:$0x3FB6] =	sst s0  }
0x18: {  	s0 =	sld [smem:$0x3F99];
	_ =	swait.ge [sflag:s4], $0x0  }
0x19: {  	s7 =	sld [smem:$0x3F9A]  }
0x1a: {  	s8 =	sadd.s32 $0xFFFFE003, lr  }
0x1b: {  	s9 =	sadd.s32 $0xFFFFFEF7, lr;
	s5 =	simm.s32 $0xFFFFFFFF;
	p2 =	slt.u32 s8, $0xFFFFF086  }
0x1c: {  	p1 =	slt.u32 s9, $0xF7A;
	s5 =	simm.s32 @!p2 $0x0  }
0x1d: {  	s5 =	simm.s32 @p1 $0x1;
	p0 =	seq.s32 s7, s2  }
0x1e: {  	s7 =	smul.u32 @!p0 $0xF7A, s2;
	p2 =	seq.s32 @!p0 s5, $0x0  }
0x1f: {  	s9 =	smul.u32 $0xF7A, s1;
	s8 =	simm.s32 @!p0 $0x1BF5;
	p2 =	por !p2, p0  }
0x20: {  	[sflag:s8] =	ssyncset.s32 @!p0 $0xFFFFF086;
	s6 =	sadd.s32 @!p0 s3, s7;
	s7 =	simm.s32 @!p0 $0x108  }
0x21: {  	s3 =	sadd.s32 s3, s9;
	s6 =	sadd.s32 @!p0 $0x88, s6;
	s7 =	simm.s32 @p2 $0x1082  }
0x22: {  	[simem:s7], [sflag:s8] =	dma.local @!p0 [hbm:s6], $0xF7A  }
0x23: {  	s9 =	sor.u32 $0xD0000000, s2;
	s6 =	simm.s32 $0x108;
	_ =	swait.ge @!p0 [sflag:s8], $0x0  }
0x24: {  	s3 =	sadd.s32 $0x88, s3;
	s6 =	simm.s32 @!p1 $0x1082;
	[sflag:s4] =	ssyncset.s32 $0xFFFFF086  }
0x25: {  	[simem:s6], [sflag:s4] =	dma.local [hbm:s3], $0xF7A  }
0x26: {  	[smem:$0x3F9A] =	sst s1;
	(tag) =	ssettag s2;
	_ =	strace s9  }
0x27: {  	s1 =	sld [smem:$0x3FAA]  }
0x28: {  	s2 =	sld [smem:$0x3FAB]  }
0x29: {  	s4 =	sld [smem:$0x3FAD]  }
0x2a: {  	p0 =	seq.s32 s5, $0x0;
	s5 =	sld [smem:$0x3FAE]  }
0x2b: {  	s6 =	sld [smem:$0x3FAF]  }
0x2c: {  	s7 =	sld [smem:$0x3FB0]  }
0x2d: {  	s3 =	simm.s32 $0x108;
	s8 =	sld [smem:$0x3FB1]  }
0x2e: {  	s3 =	simm.s32 @!p0 $0x1082;
	s9 =	sld [smem:$0x3FB2]  }
0x2f: {  	lr =	sadd.s32 s0, s3;
	s0 =	sld [smem:$0x3FA9]  }
0x30: {  	s3 =	sld [smem:$0x3FAC]  }
0x31: {  	[smem:$0x3FB5] =	sst s10  }
0x32: {  	s10 =	sld [smem:$0x3FB3];
	_ =	sdelay $0x3  }
0x33: {  	p0 =	seq.s32 s10, $0x1;
	s10 =	sld [smem:$0x3FB5];
	_ =	sdelay $0x3  }
0x34: {  	[smem:$0x3FB5] =	sst s10  }
0x35: {  	s10 =	sld [smem:$0x3FB4];
	_ =	sdelay $0x3  }
0x36: {  	p1 =	seq.s32 s10, $0x1;
	s10 =	sld [smem:$0x3FB5];
	_ =	sdelay $0x3  }
0x37: {  	[smem:$0x3FB5] =	sst s10  }
0x38: {  	s10 =	sld [smem:$0x3FB6]  }
0x39: {  	_ = 	snop;
	(pc) =	sbr.ind lr, $3  }
0x3a: {  	_ = 	snop  }
0x3b: {  	_ = 	snop  }
0x3c: {  	p2 =	seq.s32 s10, $0x1;
	s10 =	sld [smem:$0x3FB5]  }
0x3d: {  	_ =	shalt  }
0x3e: {  	_ =	shalt  }
0x3f: {  	_ =	shalt  }
0x40: {  	_ =	shalt  }
0x41: {  	_ =	shalt  }
0x42: {  	_ =	shalt  }
0x43: {  	_ =	shalt  }
0x44: {  	_ =	shalt  }
0x45: {  	_ =	shalt  }
0x46: {  	_ =	shalt  }
0x47: {  	_ =	shalt  }
0x48: {  	_ =	shalt  }
0x49: {  	_ =	shalt  }
0x4a: {  	_ =	shalt  }
0x4b: {  	_ =	shalt  }
0x4c: {  	_ =	shalt  }
0x4d: {  	_ =	shalt  }
0x4e: {  	_ =	shalt  }
0x4f: {  	_ =	shalt  }
0x50: {  	_ =	shalt  }
0x51: {  	_ =	shalt  }
0x52: {  	_ =	shalt  }
0x53: {  	_ =	shalt  }
0x54: {  	_ =	shalt  }
0x55: {  	_ =	shalt  }
0x56: {  	_ =	shalt  }
0x57: {  	_ =	shalt  }
0x58: {  	_ =	shalt  }
0x59: {  	_ =	shalt  }
0x5a: {  	_ =	shalt  }
0x5b: {  	_ =	shalt  }
0x5c: {  	_ =	shalt  }
0x5d: {  	_ =	shalt  }
0x5e: {  	_ =	shalt  }
0x5f: {  	_ =	shalt  }
0x60: {  	_ =	shalt  }
0x61: {  	_ =	shalt  }
0x62: {  	_ =	shalt  }
0x63: {  	_ =	shalt  }
0x64: {  	_ =	shalt  }
0x65: {  	_ =	shalt  }
0x66: {  	_ =	shalt  }
0x67: {  	_ =	shalt  }
0x68: {  	_ =	shalt  }
0x69: {  	_ =	shalt  }
0x6a: {  	_ =	shalt  }
0x6b: {  	_ =	shalt  }
0x6c: {  	_ =	shalt  }
0x6d: {  	_ =	shalt  }
0x6e: {  	_ =	shalt  }
0x6f: {  	_ =	shalt  }
0x70: {  	_ =	shalt  }
0x71: {  	_ =	shalt  }
0x72: {  	_ =	shalt  }
0x73: {  	_ =	shalt  }
0x74: {  	_ =	shalt  }
0x75: {  	_ =	shalt  }
0x76: {  	_ =	shalt  }
0x77: {  	_ =	shalt  }
0x78: {  	_ =	shalt  }
0x79: {  	_ =	shalt  }
0x7a: {  	_ =	shalt  }
0x7b: {  	_ =	shalt  }
0x7c: {  	_ =	shalt  }
0x7d: {  	_ =	shalt  }
0x7e: {  	_ =	shalt  }
0x7f: {  	_ =	shalt  }
0x80: {  	_ =	shalt  }
0x81: {  	_ =	shalt  }
0x82: {  	_ =	shalt  }
0x83: {  	_ =	shalt  }
0x84: {  	_ =	shalt  }
0x85: {  	_ =	shalt  }
0x86: {  	_ =	shalt  }
0x87: {  	_ =	shalt  }
.Lfunc_end0:
.L_simem_size_0:
called_computation.1_lowered:
.L_overlay_start_0:
0x88: {  	s2 =	sld [smem:$0x3FD9]  }
0x89: {  	s3 =	sld [smem:$0x3FFE];
	_ =	sdelay $0x1  }
0x8a: {  	s1 =	srdreg.scid  }
0x8b: {  	s0 =	sand.u32 $0x1, s1  }
0x8c: {  	s17 =	sshll.u32 s0, $0xA;
	s2 =	sadd.s32 s3, s2  }
0x8d: {  	s2 =	sadd.s32 s2, s17  }
0x8e: {  	[smem:$0x3FC1] =	sst s2  }
0x8f: {  	_ = 	snop  }
0x90: {  	s2 =	sld [smem:$0x3FD0];
	(tm) =	ssettm $0x1  }
0x91: {  	s18 =	sld [smem:$0x3FFB];
	_ =	sdelay $0x3  }
0x92: {  	_ =	strace s18  }
0x93: {  	s3 =	sld [smem:$0x3FFC];
	_ =	sdelay $0x3  }
0x94: {  	_ =	strace s3  }
0x95: {  	s3 =	sld [smem:$0x3FFD];
	_ =	sdelay $0x3  }
0x96: {  	_ =	strace s3  }
0x97: {  	_ =	strace $0x8FFFFFFF  }
0x98: {  	s19 =	sld [smem:$0x3FDB];
	_ =	sdelay $0x1  }
0x99: {  	s4 =	simm.s32 $_scs_section_size  }
0x9a: {  	s5 =	simm.s32 $_size__tile_overlayer_lowered;
	s6 =	simm.s32 $_tile_overlayer_lowered  }
0x9b: {  	s22 =	simm.s32 $0x1BFF;
	s21 =	sshll.u32 s6, $0x1;
	s3 =	sadd.s32 s4, s19  }
0x9c: {  	s7 =	simm.s32 $0x0;
	s20 =	sshll.u32 s5, $0x1;
	s5 =	sadd.s32 s21, s3  }
0x9d: {  	[timem:s7], [sflag:s22] =	dma.local [hbm:s5], s20  }
0x9e: {  	_ =	swait.ge [sflag:s22], s20  }
0x9f: {  	s4 =	ssub.s32 $0x0, s20;
	[sflag:s22] =	ssyncset.done $0x0  }
0xa0: {  	[sflag:s22] =	ssyncadd.s32 s4;
	_ =	sdelay $0x1  }
0xa1: {  	s23 =	simm.s32 $0x1B8B  }
0xa2: {  	_ =	swait.ge [sflag:s23], $0x1  }
0xa3: {  	[sflag:s23] =	ssyncset.done $0x0  }
0xa4: {  	s25 =	simm.s32 $0x1B8E;
	s24 =	sld [smem:$0x3FFE];
	[sflag:s23] =	ssyncadd.s32 $0xFFFFFFFF  }
0xa5: {  	s26 =	simm.s32 $execute0_lowered;
	[smem:$0x3FD2] =	sst s25  }
0xa6: {  	s5 =	sshll.u32 s26, $0x1;
	_ =	strace $0x80000049;
	[dreg:$0x1] =	wrdreg $0xFFFFFFFF  }
0xa7: {  	s28 =	simm.s32 $_size_execute0_lowered;
	s3 =	sadd.s32 s3, s5;
	[dreg:$0x0] =	wrdreg $0x0  }
0xa8: {  	s5 =	sshll.u32 s28, $0x1;
	[dreg:$0x2] =	wrdreg s3  }
0xa9: {  	[dreg:$0x3] =	wrdreg s5  }
0xaa: {  	[dreg:$0x4] =	wrdreg $0xC0  }
0xab: {  	_ =	task [dreg:s7], $0x5FFFF  }
0xac: {  	[dreg:$0x1] =	wrdreg $0xFFFFFFFF  }
0xad: {  	[dreg:$0x0] =	wrdreg $0x60  }
0xae: {  	[dreg:$0x2] =	wrdreg s24  }
0xaf: {  	[dreg:$0x3] =	wrdreg s2  }
0xb0: {  	[dreg:$0x4] =	wrdreg $0x9  }
0xb1: {  	_ =	task.clear_ibuf [dreg:s7], $0x5FFFF;
	_ =	strace $0x90000049  }
0xb2: {  	s29 =	simm.s32 $0x9;
	_ =	strace $0x8000004B  }
0xb3: {  	_ =	swait.ge [sflag:s29], $0x1  }
0xb4: {  	[sflag:s29] =	ssyncadd.s32 $0xFFFFFFFF  }
0xb5: {  	_ =	strace $0x9000004B  }
0xb6: {  	_ =	sfence  }
0xb7: {  	s30 =	sld [smem:$0x0];
	_ =	sdelay $0x2  }
0xb8: {  	s31 =	sshll.u32 s1, $0xD;
	s1 =	sshrl.u32 s1, $0x2  }
0xb9: {  	s3 =	sand.u32 $0x4000, s31;
	s1 =	sadd.s32 s1, s30  }
0xba: {  	s0 =	sor.u32 s3, s0;
	s1 =	sshll.u32 s1, $0x11  }
0xbb: {  	s0 =	sor.u32 s1, s0  }
0xbc: {  	s0 =	sadd.s32 $0x8F2B, s0  }
0xbd: {  	[sflag:s0] =	ssyncadd.remote.s32 $0x1  }
0xbe: {  	_ =	sfence.sel $0xFFFF  }
0xbf: {  	[dreg:$0x0] =	wrdreg $0xFFFFFFFF;
	(pc) =	sbr.abs _section_cstart, $3  }
0xc0: {  	[dreg:$0x1] =	wrdreg $0xFFFFFFFF  }
0xc1: {  	_ =	task.clear_ibuf [dreg:s7], $0x2FFFF;
	_ =	strace $0x9FFFFFFF  }
0xc2: {  	(tm) =	ssettm $0x7FFFFFFF  }
0xc3: {  	_ =	shalt  }
tec
execute0_lowered:
.L_overlay_start_1:
0x0: {  	(tag) =	ssettag $0x1  }
0x1: {  	s0 =	stileid.u32  }
0x2: {  	s4 =	rddreg [dreg:$0x0];
	s1 =	srdreg.scid  }
0x3: {  	s2 =	rddreg [dreg:$0x1];
	s8 =	simm.s32 $0x80;
	s9 =	simm.s32 $0x400  }
0x4: {  	s10 =	simm.s32 $0x1;
	s11 =	simm.s32 $0x10000;
	s3 =	sshll.u32 s0, $0x1  }
0x5: {  	s12 =	simm.s32 $0x18000;
	s5 =	sand.u32 $0x1, s1;
	s3 =	sand.u32 $0x6, s3  }
0x6: {  	s13 =	simm.s32 $0x0;
	s1 =	rddreg [dreg:$0x2];
	s6 =	sor.u32 s5, s3  }
0x7: {  	s3 =	simm.s32 $0x0;
	s5 =	ssub.s32 $0x2, s5;
	s6 =	sshll.u32 s6, $0x4  }
0x8: {  	[smem:$0x7FF] =	sst s3;
	s31 =	sshrl.u32 s5, $0x1;
	s6 =	sadd.s32 s6, s4  }
0x9: {  	_ =	strace $0x8000004A;
	s7 =	ssub.s32 s5, s31;
	s5 =	sand.u32 $0xC, s0  }
0xa: {  	s4 =	sadd.s32 $0x5800, s6;
	s6 =	sadd.s32 $0x15800, s6;
	s7 =	smax.u32 s7, $0x1  }
.LBB2_1:
0xb: {  	[tilespmem:s3], [sflag:$0x1] =	stream.strided.gather [hbm4b:s4+s8], $0x10000, s9, s8, $0x38;
	[tilespmem:$0x19000] =	vst v63  }
0xc: {  	_ =	swait.ge [sflag:s10], $0x10000  }
0xd: {  	[sflag:s10] =	ssyncset.done $0x0  }
0xe: {  	s14 =	simm.s32 $0x0;
	[sflag:s10] =	ssyncadd.s32 $0xFFFF0000  }
.LBB2_2:
0xf: {  	s15 =	sor.u32 s5, s14  }
0x10: {  	s15 =	sshll.u32 s15, $0xC  }
0x11: {  	s16 =	simm.s32 $0x0;
	s17 =	sadd.s32 s2, s15  }
0x12: {  	[tilespmem:s11], [sflag:$0x1] =	stream.linear.gather [hbm4b:s17+s16], $0x8000, $0x38;
	[tilespmem:$0x19000] =	vst v63  }
0x13: {  	_ =	swait.ge [sflag:s10], $0x8000  }
0x14: {  	[sflag:s10] =	ssyncset.done $0x0  }
0x15: {  	s17 =	simm.s32 $0x10080;
	[sflag:s10] =	ssyncadd.s32 $0xFFFF8000  }
.LBB2_3:
0x16: {  	v2 =	vld [tilespmem:s17+$0xFFFFFF80]  }
0x17: {  	v0 =	vld [tilespmem:s17+$0x0];
	_ =	sdelay $0x3  }
0x18: {  	(v2sf) =	vpush v2, $0x0  }
0x19: {  	(v2sf) =	vpush v0, $0x0  }
0x1a: {  	(v2sf) =	vpush v2, $0x1  }
0x1b: {  	(v2sf) =	vpush v0, $0x1  }
0x1c: {  	(v2sf) =	vpush v2, $0x2  }
0x1d: {  	(v2sf) =	vpush v0, $0x2;
	_ =	sdelay $0x2  }
0x1e: {  	(v2sf) =	vpush v2, $0x3  }
0x1f: {  	(v2sf) =	vpush v0, $0x3  }
0x20: {  	(v2sf) =	vpush v2, $0x4;
	_ =	sdelay $0x1  }
0x21: {  	(v2sf) =	vpush v0, $0x4  }
0x22: {  	(v2sf) =	vpush v2, $0x5;
	_ =	sdelay $0x1  }
0x23: {  	(v2sf) =	vpush v0, $0x5;
	s18 =	spop (v2sf)  }
0x24: {  	s19 =	spop (v2sf);
	s20 =	sshll.u32 s18, $0x4;
	s18 =	sand.u32 $0xFFFFF000, s18  }
0x25: {  	s20 =	sand.u32 $0xFFF0, s20;
	s21 =	sshll.u32 s19, $0x4;
	s25 =	spop (v2sf)  }
0x26: {  	s19 =	sand.u32 $0xFFFFF000, s19;
	(v2sf) =	vpush v2, $0x6;
	v1 =	vld [tilespmem:s20+$0x0];
	s24 =	sand.u32 $0xFFF0, s21;
	s21 =	spop (v2sf)  }
0x27: {  	v4 =	vmov s18;
	s22 =	sshll.u32 s25, $0x4;
	(v2sf) =	vpush v0, $0x6;
	s20 =	sand.u32 $0xFFFFF000, s25;
	s29 =	spop (v2sf)  }
0x28: {  	v5 =	vmov s19;
	v4 =	vbroadcast v4, $0x0;
	v3 =	vld [tilespmem:s24+$0x0];
	s26 =	sand.u32 $0xFFF0, s22;
	s28 =	sshll.u32 s21, $0x4;
	(v2sf) =	vpush v2, $0x7;
	s31 =	spop (v2sf)  }
0x29: {  	v5 =	vbroadcast v5, $0x0;
	v18 =	vmov s20;
	v6 =	vld [tilespmem:s26+$0x0];
	s23 =	sshll.u32 s29, $0x4;
	s26 =	sand.u32 $0xFFFFF000, s21;
	s29 =	sand.u32 $0xFFFFF000, s29;
	(v2sf) =	vpush v0, $0x7  }
0x2a: {  	s30 =	sand.u32 $0xFFF0, s28;
	s25 =	sshll.u32 s31, $0x4;
	v8 =	vmov s26;
	s19 =	sand.u32 $0xFFFFF000, s31;
	v20 =	vmov s29;
	(v2sf) =	vpush v2, $0x8  }
0x2b: {  	v7 =	vld [tilespmem:s30+$0x0];
	s24 =	sand.u32 $0xFFF0, s23;
	s30 =	spop (v2sf);
	s28 =	sand.u32 $0xFFF0, s25;
	v8 =	vbroadcast v8, $0x0;
	v10 =	vmov s19;
	v1 =	vmul.f32 v1, v4  }
0x2c: {  	s31 =	spop (v2sf);
	s23 =	sshll.u32 s30, $0x4;
	(v2sf) =	vpush v0, $0x8;
	v4 =	vbroadcast v18, $0x0;
	v9 =	vld [tilespmem:s28+$0x0];
	v10 =	vbroadcast v10, $0x0;
	s28 =	sand.u32 $0xFFFFF000, s30  }
0x2d: {  	v19 =	vld [tilespmem:s24+$0x0];
	s25 =	sshll.u32 s31, $0x4;
	s19 =	spop (v2sf);
	s29 =	sand.u32 $0xFFFFF000, s31;
	(v2sf) =	vpush v2, $0x9;
	v3 =	vmul.f32 v3, v5;
	v23 =	vmov s28  }
0x2e: {  	s24 =	sand.u32 $0xFFF0, s23;
	s26 =	sand.u32 $0xFFF0, s25;
	s31 =	sshll.u32 s19, $0x4;
	v24 =	vmov s29;
	(v2sf) =	vpush v0, $0x9;
	v1 =	vadd.f32 $0.0e+00, v1  }
0x2f: {  	v11 =	vld [tilespmem:s24+$0x0];
	s30 =	spop (v2sf);
	s19 =	sand.u32 $0xFFFFF000, s19;
	v4 =	vmul.f32 v6, v4;
	v6 =	vbroadcast v20, $0x0;
	s23 =	sand.u32 $0xFFF0, s31;
	(v2sf) =	vpush v2, $0xA  }
0x30: {  	v21 =	vld [tilespmem:s26+$0x0];
	s24 =	sshll.u32 s30, $0x4;
	s25 =	spop (v2sf);
	s30 =	sand.u32 $0xFFFFF000, s30;
	v26 =	vmov s19;
	v3 =	vadd.f32 $0.0e+00, v3;
	v7 =	vmul.f32 v7, v8  }
0x31: {  	v12 =	vld [tilespmem:s23+$0x0];
	s26 =	sand.u32 $0xFFF0, s24;
	s28 =	sshll.u32 s25, $0x4;
	v14 =	vmov s30;
	s23 =	sand.u32 $0xFFFFF000, s25;
	(v2sf) =	vpush v0, $0xA;
	v4 =	vadd.f32 $0.0e+00, v4  }
0x32: {  	s31 =	spop (v2sf);
	v5 =	vmul.f32 v19, v6;
	v13 =	vld [tilespmem:s26+$0x0];
	s29 =	sand.u32 $0xFFF0, s28;
	v14 =	vbroadcast v14, $0x0;
	v15 =	vmov s23  }
0x33: {  	s20 =	sshll.u32 s31, $0x4;
	s25 =	sand.u32 $0xFFFFF000, s31;
	v22 =	vmul.f32 v9, v10;
	v7 =	vadd.f32 $0.0e+00, v7;
	v9 =	vbroadcast v23, $0x0;
	v25 =	vld [tilespmem:s29+$0x0]  }
0x34: {  	v10 =	vbroadcast v24, $0x0;
	s18 =	sand.u32 $0xFFF0, s20;
	v15 =	vbroadcast v15, $0x0;
	v29 =	vmov s25  }
0x35: {  	v5 =	vadd.f32 $0.0e+00, v5;
	v28 =	vld [tilespmem:s18+$0x0];
	v9 =	vmul.f32 v11, v9;
	v11 =	vbroadcast v26, $0x0  }
0x36: {  	v31 =	vbroadcast v29, $0x0;
	v6 =	vadd.f32 $0.0e+00, v22;
	v8 =	vmul.f32 v21, v10;
	s24 =	spop (v2sf)  }
0x37: {  	v9 =	vadd.f32 $0.0e+00, v9;
	v11 =	vmul.f32 v12, v11;
	v27 =	vmul.f32 v13, v14;
	s26 =	spop (v2sf);
	s28 =	sshll.u32 s24, $0x4;
	s24 =	sand.u32 $0xFFFFF000, s24  }
0x38: {  	v8 =	vadd.f32 $0.0e+00, v8;
	v10 =	vmul.f32 v25, v15;
	s29 =	sand.u32 $0xFFF0, s28;
	s30 =	sshll.u32 s26, $0x4;
	s31 =	spop (v2sf);
	(v2sf) =	vpush v2, $0xB  }
0x39: {  	v11 =	vadd.f32 v11, v1;
	v12 =	vadd.f32 v27, v3;
	v33 =	vmov s24;
	s26 =	sand.u32 $0xFFFFF000, s26;
	v30 =	vld [tilespmem:s29+$0x0];
	s20 =	sand.u32 $0xFFF0, s30;
	s22 =	sshll.u32 s31, $0x4  }
0x3a: {  	v13 =	vmul.f32 v28, v31;
	(v2sf) =	vpush v0, $0xB;
	s25 =	spop (v2sf);
	v4 =	vadd.f32 v10, v4;
	s30 =	sand.u32 $0xFFFFF000, s31;
	v32 =	vld [tilespmem:s20+$0x0];
	s20 =	sand.u32 $0xFFF0, s22  }
0x3b: {  	v10 =	vbroadcast v33, $0x0;
	v16 =	vmov s26;
	s28 =	sshll.u32 s25, $0x4;
	(v2sf) =	vpush v2, $0xC;
	s18 =	spop (v2sf);
	s19 =	sand.u32 $0xFFFFF000, s25  }
0x3c: {  	v16 =	vbroadcast v16, $0x0;
	v35 =	vmov s30;
	v34 =	vld [tilespmem:s20+$0x0];
	s29 =	sand.u32 $0xFFF0, s28;
	(v2sf) =	vpush v0, $0xC;
	s20 =	spop (v2sf);
	s31 =	sshll.u32 s18, $0x4  }
0x3d: {  	v1 =	vld [tilespmem:s17+$0xFFFFFF90];
	v7 =	vadd.f32 v13, v7;
	v36 =	vbroadcast v35, $0x0;
	v37 =	vmov s19;
	s18 =	sand.u32 $0xFFFFF000, s18;
	s22 =	sand.u32 $0xFFF0, s31;
	s23 =	sshll.u32 s20, $0x4  }
0x3e: {  	v17 =	vld [tilespmem:s29+$0x0];
	(v2sf) =	vpush v2, $0xD;
	s24 =	spop (v2sf);
	v38 =	vbroadcast v37, $0x0;
	s20 =	sand.u32 $0xFFFFF000, s20;
	v42 =	vmov s18;
	s25 =	sand.u32 $0xFFF0, s23  }
0x3f: {  	(v2sf) =	vpush v0, $0xD;
	v39 =	vld [tilespmem:s22+$0x0];
	s26 =	spop (v2sf);
	s28 =	sshll.u32 s24, $0x4;
	v43 =	vmov s20;
	s23 =	sand.u32 $0xFFFFF000, s24;
	v10 =	vmul.f32 v30, v10  }
0x40: {  	v40 =	vld [tilespmem:s25+$0x0];
	s29 =	sand.u32 $0xFFF0, s28;
	s30 =	sshll.u32 s26, $0x4;
	(v2sf) =	vpush v2, $0xE;
	v19 =	vmov s23;
	v3 =	vmul.f32 v32, v16  }
0x41: {  	s24 =	spop (v2sf);
	s25 =	sand.u32 $0xFFFFF000, s26;
	v41 =	vld [tilespmem:s29+$0x0];
	s31 =	sand.u32 $0xFFF0, s30;
	(v2sf) =	vpush v0, $0xE;
	v16 =	vbroadcast v42, $0x0;
	v19 =	vbroadcast v19, $0x0  }
0x42: {  	s26 =	spop (v2sf);
	s28 =	sshll.u32 s24, $0x4;
	v20 =	vmov s25;
	v14 =	vmul.f32 v34, v36;
	v5 =	vadd.f32 v10, v5;
	v18 =	vld [tilespmem:s31+$0x0]  }
0x43: {  	s21 =	sand.u32 $0xFFFFF000, s24;
	s29 =	sand.u32 $0xFFF0, s28;
	s30 =	sshll.u32 s26, $0x4;
	(v2sf) =	vpush v2, $0xF;
	v45 =	vbroadcast v20, $0x0;
	v6 =	vadd.f32 v3, v6;
	v3 =	vld [tilespmem:s17+$0x10]  }
0x44: {  	v52 =	vmov s21;
	s23 =	sand.u32 $0xFFFFF000, s26;
	v13 =	vmul.f32 v17, v38;
	v17 =	vbroadcast v43, $0x0;
	v46 =	vld [tilespmem:s29+$0x0];
	s31 =	sand.u32 $0xFFF0, s30  }
0x45: {  	(v2sf) =	vpush v0, $0xF;
	v15 =	vbroadcast v52, $0x0;
	v53 =	vmov s23;
	v50 =	vld [tilespmem:s31+$0x0]  }
0x46: {  	v9 =	vadd.f32 v14, v9;
	v44 =	vmul.f32 v39, v16;
	(v2sf) =	vpush v1, $0x0  }
0x47: {  	v54 =	vbroadcast v53, $0x0;
	v47 =	vadd.f32 v13, v8;
	v48 =	vmul.f32 v40, v17  }
0x48: {  	v49 =	vmul.f32 v41, v19;
	v2 =	vadd.f32 v44, v11;
	v51 =	vmul.f32 v18, v45;
	s22 =	spop (v2sf)  }
0x49: {  	v8 =	vadd.f32 v48, v12;
	(v2sf) =	vpush v3, $0x0;
	v56 =	vmul.f32 v46, v15;
	s24 =	spop (v2sf);
	s25 =	sshll.u32 s22, $0x4;
	s19 =	sand.u32 $0xFFFFF000, s22  }
0x4a: {  	v4 =	vadd.f32 v49, v4;
	v7 =	vadd.f32 v51, v7;
	v11 =	vmul.f32 v50, v54;
	s26 =	sand.u32 $0xFFF0, s25;
	s28 =	sshll.u32 s24, $0x4;
	s30 =	spop (v2sf)  }
0x4b: {  	(v2sf) =	vpush v1, $0x1;
	v5 =	vadd.f32 v56, v5;
	v58 =	vmov s19;
	s20 =	sand.u32 $0xFFFFF000, s24;
	v55 =	vld [tilespmem:s26+$0x0];
	s22 =	spop (v2sf);
	s31 =	sshll.u32 s30, $0x4  }
0x4c: {  	v6 =	vadd.f32 v11, v6;
	s29 =	sand.u32 $0xFFF0, s28;
	v59 =	vmov s20;
	(v2sf) =	vpush v3, $0x1;
	s24 =	sand.u32 $0xFFF0, s31;
	s25 =	sshll.u32 s22, $0x4  }
0x4d: {  	v14 =	vbroadcast v58, $0x0;
	v57 =	vld [tilespmem:s29+$0x0];
	s28 =	spop (v2sf);
	v61 =	vbroadcast v59, $0x0;
	s29 =	sand.u32 $0xFFFFF000, s30;
	s22 =	sand.u32 $0xFFFFF000, s22;
	(v2sf) =	vpush v1, $0x2  }
0x4e: {  	s30 =	spop (v2sf);
	s31 =	sshll.u32 s28, $0x4;
	v19 =	vmov s29;
	v20 =	vmov s22;
	(v2sf) =	vpush v3, $0x2;
	s28 =	sand.u32 $0xFFFFF000, s28  }
0x4f: {  	v60 =	vld [tilespmem:s24+$0x0];
	s26 =	sand.u32 $0xFFF0, s25;
	s25 =	sshll.u32 s30, $0x4;
	v22 =	vbroadcast v20, $0x0;
	v24 =	vmov s28;
	s30 =	sand.u32 $0xFFFFF000, s30;
	(v2sf) =	vpush v1, $0x3  }
0x50: {  	v63 =	vld [tilespmem:s26+$0x0];
	s24 =	sand.u32 $0xFFF0, s31;
	s29 =	spop (v2sf);
	v15 =	vbroadcast v24, $0x0;
	v25 =	vmov s30;
	v62 =	vmul.f32 v55, v14  }
0x51: {  	s26 =	sand.u32 $0xFFF0, s25;
	s31 =	spop (v2sf);
	(v2sf) =	vpush v3, $0x3;
	s19 =	sand.u32 $0xFFFFF000, s29;
	v14 =	vbroadcast v19, $0x0;
	v26 =	vbroadcast v25, $0x0  }
0x52: {  	v21 =	vld [tilespmem:s24+$0x0];
	s22 =	sshll.u32 s29, $0x4;
	s24 =	sshll.u32 s31, $0x4;
	(v2sf) =	vpush v1, $0x4;
	v31 =	vmov s19;
	s29 =	sand.u32 $0xFFFFF000, s31;
	v10 =	vmul.f32 v57, v61  }
0x53: {  	v23 =	vld [tilespmem:s26+$0x0];
	s23 =	sand.u32 $0xFFF0, s22;
	s26 =	spop (v2sf);
	s25 =	sand.u32 $0xFFF0, s24;
	v32 =	vbroadcast v31, $0x0;
	v33 =	vmov s29;
	(v2sf) =	vpush v3, $0x4  }
0x54: {  	v27 =	vld [tilespmem:s23+$0x0];
	s22 =	spop (v2sf);
	s28 =	sshll.u32 s26, $0x4;
	s24 =	sand.u32 $0xFFFFF000, s26;
	v9 =	vadd.f32 v62, v9;
	v14 =	vmul.f32 v60, v14;
	v35 =	vbroadcast v33, $0x0  }
0x55: {  	s30 =	sand.u32 $0xFFF0, s28;
	v37 =	vmov s24;
	s28 =	sand.u32 $0xFFFFF000, s22;
	(v2sf) =	vpush v1, $0x5;
	v11 =	vmul.f32 v63, v22  }
0x56: {  	v30 =	vld [tilespmem:s25+$0x0];
	s31 =	sshll.u32 s22, $0x4;
	s19 =	spop (v2sf);
	v0 =	vadd.f32 v10, v47;
	v38 =	vmov s28;
	(v2sf) =	vpush v3, $0x5  }
0x57: {  	v34 =	vld [tilespmem:s30+$0x0];
	s23 =	sand.u32 $0xFFF0, s31;
	s26 =	sshll.u32 s19, $0x4;
	v2 =	vadd.f32 v14, v2;
	v28 =	vmul.f32 v21, v15;
	v15 =	vbroadcast v37, $0x0  }
0x58: {  	v36 =	vld [tilespmem:s23+$0x0];
	s29 =	sand.u32 $0xFFF0, s26;
	v41 =	vbroadcast v38, $0x0;
	(v2sf) =	vpush v1, $0x6;
	v8 =	vadd.f32 v11, v8  }
0x59: {  	s19 =	sand.u32 $0xFFFFF000, s19;
	v29 =	vmul.f32 v23, v26;
	v39 =	vld [tilespmem:s29+$0x0];
	(v2sf) =	vpush v3, $0x6;
	v10 =	vmul.f32 v27, v32  }
0x5a: {  	v43 =	vmov s19;
	v4 =	vadd.f32 v28, v4;
	s25 =	spop (v2sf);
	(v2sf) =	vpush v1, $0x7  }
0x5b: {  	v7 =	vadd.f32 v29, v7;
	s30 =	sshll.u32 s25, $0x4;
	v40 =	vmul.f32 v30, v35;
	s22 =	sand.u32 $0xFFFFF000, s25;
	v5 =	vadd.f32 v10, v5  }
0x5c: {  	s31 =	sand.u32 $0xFFF0, s30;
	s20 =	spop (v2sf);
	v14 =	vmul.f32 v34, v15;
	v15 =	vbroadcast v43, $0x0;
	v44 =	vmov s22  }
0x5d: {  	(v2sf) =	vpush v3, $0x7;
	v42 =	vld [tilespmem:s31+$0x0];
	s24 =	sshll.u32 s20, $0x4;
	v6 =	vadd.f32 v40, v6;
	v11 =	vmul.f32 v36, v41;
	s23 =	spop (v2sf)  }
0x5e: {  	v45 =	vbroadcast v44, $0x0;
	s19 =	sand.u32 $0xFFFFF000, s20;
	s25 =	sand.u32 $0xFFF0, s24;
	v9 =	vadd.f32 v14, v9;
	v47 =	vmul.f32 v39, v15;
	s26 =	sshll.u32 s23, $0x4  }
0x5f: {  	v49 =	vmov s19;
	(v2sf) =	vpush v1, $0x8;
	v46 =	vld [tilespmem:s25+$0x0];
	s29 =	spop (v2sf);
	s19 =	sand.u32 $0xFFFFF000, s23;
	v0 =	vadd.f32 v11, v0;
	s28 =	sand.u32 $0xFFF0, s26  }
0x60: {  	v50 =	vbroadcast v49, $0x0;
	(v2sf) =	vpush v3, $0x8;
	s30 =	spop (v2sf);
	s31 =	sshll.u32 s29, $0x4;
	v51 =	vmov s19;
	s25 =	sand.u32 $0xFFFFF000, s29  }
0x61: {  	v2 =	vadd.f32 v47, v2;
	(v2sf) =	vpush v1, $0x9;
	v48 =	vld [tilespmem:s28+$0x0];
	s20 =	sand.u32 $0xFFF0, s31;
	s23 =	sshll.u32 s30, $0x4;
	v53 =	vbroadcast v51, $0x0;
	s26 =	sand.u32 $0xFFFFF000, s30  }
0x62: {  	v55 =	vmov s25;
	v10 =	vmul.f32 v42, v45;
	v52 =	vld [tilespmem:s20+$0x0];
	s24 =	sand.u32 $0xFFF0, s23;
	s20 =	spop (v2sf);
	v56 =	vmov s26  }
0x63: {  	(v2sf) =	vpush v3, $0x9;
	v14 =	vbroadcast v55, $0x0;
	s22 =	spop (v2sf);
	s28 =	sshll.u32 s20, $0x4;
	v58 =	vbroadcast v56, $0x0;
	s26 =	sand.u32 $0xFFFFF000, s20  }
0x64: {  	v54 =	vld [tilespmem:s24+$0x0];
	v8 =	vadd.f32 v10, v8;
	v11 =	vmul.f32 v46, v50;
	s29 =	sand.u32 $0xFFF0, s28;
	v60 =	vmov s26;
	s28 =	sand.u32 $0xFFFFF000, s22  }
0x65: {  	s30 =	sshll.u32 s22, $0x4;
	s31 =	spop (v2sf);
	(v2sf) =	vpush v1, $0xA;
	v15 =	vbroadcast v60, $0x0;
	v62 =	vmov s28  }
0x66: {  	v57 =	vld [tilespmem:s29+$0x0];
	s24 =	sand.u32 $0xFFF0, s30;
	s29 =	spop (v2sf);
	s30 =	sand.u32 $0xFFFFF000, s31;
	(v2sf) =	vpush v3, $0xA;
	v4 =	vadd.f32 v11, v4;
	v10 =	vmul.f32 v48, v53  }
0x67: {  	s25 =	sshll.u32 s31, $0x4;
	v18 =	vbroadcast v62, $0x0;
	v63 =	vmov s30;
	s21 =	spop (v2sf);
	s18 =	sand.u32 $0xFFFFF000, s29;
	(v2sf) =	vpush v1, $0xB  }
0x68: {  	v59 =	vld [tilespmem:s24+$0x0];
	s19 =	sand.u32 $0xFFF0, s25;
	s31 =	sshll.u32 s29, $0x4;
	v14 =	vmul.f32 v52, v14;
	v21 =	vbroadcast v63, $0x0;
	v26 =	vmov s18  }
0x69: {  	s20 =	sand.u32 $0xFFF0, s31;
	s23 =	spop (v2sf);
	s30 =	sand.u32 $0xFFFFF000, s21;
	(v2sf) =	vpush v3, $0xB;
	v7 =	vadd.f32 v10, v7;
	v20 =	vmul.f32 v54, v58  }
0x6a: {  	v61 =	vld [tilespmem:s19+$0x0];
	s24 =	sshll.u32 s21, $0x4;
	s29 =	spop (v2sf);
	v28 =	vmov s30;
	s21 =	sand.u32 $0xFFFFF000, s23;
	(v2sf) =	vpush v1, $0xC;
	v5 =	vadd.f32 v14, v5  }
0x6b: {  	s25 =	sand.u32 $0xFFF0, s24;
	s26 =	sshll.u32 s23, $0x4;
	s19 =	spop (v2sf);
	v13 =	vbroadcast v28, $0x0;
	v29 =	vmov s21;
	(v2sf) =	vpush v3, $0xC  }
0x6c: {  	v25 =	vld [tilespmem:s25+$0x0];
	s28 =	sand.u32 $0xFFF0, s26;
	s31 =	sshll.u32 s29, $0x4;
	s29 =	sand.u32 $0xFFFFF000, s29;
	v22 =	vmul.f32 v57, v15;
	v6 =	vadd.f32 v20, v6;
	v31 =	vbroadcast v29, $0x0  }
0x6d: {  	v27 =	vld [tilespmem:s28+$0x0];
	s28 =	spop (v2sf);
	v33 =	vmov s29;
	s21 =	sand.u32 $0xFFFFF000, s19;
	(v2sf) =	vpush v1, $0xD;
	v12 =	vmul.f32 v59, v18  }
0x6e: {  	v23 =	vld [tilespmem:s20+$0x0];
	s24 =	sand.u32 $0xFFF0, s31;
	s30 =	spop (v2sf);
	v15 =	vbroadcast v33, $0x0;
	v34 =	vmov s21;
	(v2sf) =	vpush v3, $0xD  }
0x6f: {  	s25 =	sshll.u32 s19, $0x4;
	v30 =	vld [tilespmem:s24+$0x0];
	s31 =	sshll.u32 s28, $0x4;
	s28 =	sand.u32 $0xFFFFF000, s28;
	v24 =	vmul.f32 v61, v21;
	v9 =	vadd.f32 v22, v9;
	v36 =	vbroadcast v34, $0x0  }
0x70: {  	s26 =	sand.u32 $0xFFF0, s25;
	s25 =	sshll.u32 s30, $0x4;
	v38 =	vmov s28;
	s30 =	sand.u32 $0xFFFFF000, s30;
	(v2sf) =	vpush v1, $0xE;
	v12 =	vadd.f32 v12, v0  }
0x71: {  	v32 =	vld [tilespmem:s26+$0x0];
	s24 =	sand.u32 $0xFFF0, s31;
	v0 =	vbroadcast v26, $0x0;
	s29 =	spop (v2sf);
	v16 =	vbroadcast v38, $0x0;
	v39 =	vmov s30  }
0x72: {  	v35 =	vld [tilespmem:s24+$0x0];
	s26 =	sand.u32 $0xFFF0, s25;
	v10 =	vadd.f32 v24, v2;
	v11 =	vmul.f32 v25, v13;
	s31 =	sshll.u32 s29, $0x4;
	v40 =	vbroadcast v39, $0x0  }
0x73: {  	v37 =	vld [tilespmem:s26+$0x0];
	s20 =	spop (v2sf);
	s19 =	sand.u32 $0xFFFFF000, s29;
	(v2sf) =	vpush v3, $0xE;
	v0 =	vmul.f32 v23, v0;
	v2 =	vmul.f32 v27, v31;
	s22 =	sand.u32 $0xFFF0, s31  }
0x74: {  	s23 =	sshll.u32 s20, $0x4;
	s25 =	spop (v2sf);
	v44 =	vmov s19;
	(v2sf) =	vpush v1, $0xF;
	v15 =	vmul.f32 v30, v15;
	v41 =	vld [tilespmem:s22+$0x0]  }
0x75: {  	s20 =	sand.u32 $0xFFFFF000, s20;
	v4 =	vadd.f32 v11, v4;
	s24 =	sand.u32 $0xFFF0, s23;
	v45 =	vbroadcast v44, $0x0;
	v8 =	vadd.f32 v0, v8;
	v0 =	vld [tilespmem:s17+$0xFFFFFFA0]  }
0x76: {  	s26 =	spop (v2sf);
	s28 =	sshll.u32 s25, $0x4;
	v47 =	vmov s20;
	s25 =	sand.u32 $0xFFFFF000, s25;
	(v2sf) =	vpush v3, $0xF;
	v7 =	vadd.f32 v2, v7;
	v2 =	vld [tilespmem:s17+$0x20]  }
0x77: {  	v13 =	vmul.f32 v32, v36;
	v43 =	vld [tilespmem:s24+$0x0];
	s29 =	sand.u32 $0xFFF0, s28;
	s30 =	sshll.u32 s26, $0x4;
	v49 =	vmov s25;
	s26 =	sand.u32 $0xFFFFF000, s26;
	v5 =	vadd.f32 v15, v5  }
0x78: {  	v42 =	vmul.f32 v35, v16;
	v46 =	vld [tilespmem:s29+$0x0];
	s19 =	sand.u32 $0xFFF0, s30;
	v51 =	vmov s26;
	v11 =	vmul.f32 v37, v40;
	s31 =	spop (v2sf)  }
0x79: {  	v17 =	vbroadcast v49, $0x0;
	v6 =	vadd.f32 v13, v6;
	v48 =	vld [tilespmem:s19+$0x0];
	v52 =	vbroadcast v51, $0x0;
	s30 =	sand.u32 $0xFFFFF000, s31  }
0x7a: {  	s24 =	sshll.u32 s31, $0x4;
	s28 =	spop (v2sf);
	v11 =	vadd.f32 v11, v12;
	v12 =	vbroadcast v47, $0x0;
	v53 =	vmov s30  }
0x7b: {  	v9 =	vadd.f32 v42, v9;
	s19 =	sand.u32 $0xFFF0, s24;
	v13 =	vmul.f32 v41, v45;
	s29 =	sshll.u32 s28, $0x4;
	s21 =	sand.u32 $0xFFFFF000, s28;
	v56 =	vbroadcast v53, $0x0  }
0x7c: {  	s31 =	spop (v2sf);
	v50 =	vld [tilespmem:s19+$0x0];
	s18 =	sand.u32 $0xFFF0, s29;
	(v2sf) =	vpush v0, $0x0;
	v58 =	vmov s21;
	v54 =	vmul.f32 v43, v12  }
0x7d: {  	s22 =	spop (v2sf);
	v55 =	vld [tilespmem:s18+$0x0];
	v10 =	vadd.f32 v13, v10;
	v57 =	vmul.f32 v46, v17;
	(v2sf) =	vpush v2, $0x0;
	s18 =	sand.u32 $0xFFFFF000, s31  }
0x7e: {  	s23 =	sshll.u32 s31, $0x4;
	s25 =	sshll.u32 s22, $0x4;
	v59 =	vbroadcast v58, $0x0;
	s20 =	sand.u32 $0xFFFFF000, s22;
	v1 =	vmul.f32 v48, v52;
	v62 =	vmov s18  }
0x7f: {  	s24 =	sand.u32 $0xFFF0, s23;
	s26 =	spop (v2sf);
	s28 =	sand.u32 $0xFFF0, s25;
	(v2sf) =	vpush v0, $0x1;
	v20 =	vmov s20;
	v3 =	vadd.f32 v54, v8  }
0x80: {  	s21 =	spop (v2sf);
	s29 =	sshll.u32 s26, $0x4;
	s26 =	sand.u32 $0xFFFFF000, s26;
	v4 =	vadd.f32 v57, v4;
	v12 =	vbroadcast v62, $0x0;
	(v2sf) =	vpush v2, $0x1  }
0x81: {  	v60 =	vld [tilespmem:s24+$0x0];
	s31 =	sshll.u32 s21, $0x4;
	s25 =	spop (v2sf);
	v22 =	vmov s26;
	s21 =	sand.u32 $0xFFFFF000, s21;
	v1 =	vadd.f32 v1, v7;
	(v2sf) =	vpush v0, $0x2  }
0x82: {  	v61 =	vld [tilespmem:s28+$0x0];
	s30 =	sand.u32 $0xFFF0, s29;
	s28 =	spop (v2sf);
	v23 =	vbroadcast v22, $0x0;
	v25 =	vmov s21;
	s23 =	sand.u32 $0xFFFFF000, s25;
	v15 =	vmul.f32 v50, v56  }
0x83: {  	v63 =	vld [tilespmem:s30+$0x0];
	s24 =	sand.u32 $0xFFF0, s31;
	s29 =	sshll.u32 s25, $0x4;
	(v2sf) =	vpush v2, $0x2;
	v13 =	vbroadcast v25, $0x0;
	s25 =	sand.u32 $0xFFFFF000, s28;
	v27 =	vmov s23  }
0x84: {  	v21 =	vld [tilespmem:s24+$0x0];
	s30 =	sand.u32 $0xFFF0, s29;
	s31 =	sshll.u32 s28, $0x4;
	v8 =	vmul.f32 v55, v59;
	(v2sf) =	vpush v0, $0x3;
	v28 =	vmov s25  }
0x85: {  	s24 =	spop (v2sf);
	v24 =	vld [tilespmem:s30+$0x0];
	s19 =	sand.u32 $0xFFF0, s31;
	v29 =	vbroadcast v27, $0x0;
	v5 =	vadd.f32 v15, v5;
	v15 =	vbroadcast v20, $0x0  }
0x86: {  	s28 =	sshll.u32 s24, $0x4;
	v12 =	vmul.f32 v60, v12;
	v26 =	vld [tilespmem:s19+$0x0];
	s26 =	spop (v2sf);
	(v2sf) =	vpush v2, $0x3;
	v30 =	vbroadcast v28, $0x0;
	s19 =	sand.u32 $0xFFFFF000, s24  }
0x87: {  	s29 =	sand.u32 $0xFFF0, s28;
	v6 =	vadd.f32 v8, v6;
	s30 =	sshll.u32 s26, $0x4;
	v35 =	vmov s19;
	(v2sf) =	vpush v0, $0x4  }
0x88: {  	v31 =	vld [tilespmem:s29+$0x0];
	s20 =	spop (v2sf);
	s21 =	sand.u32 $0xFFFFF000, s26;
	v7 =	vmul.f32 v61, v15;
	v8 =	vmul.f32 v63, v23;
	v9 =	vadd.f32 v12, v9;
	s31 =	sand.u32 $0xFFF0, s30  }
0x89: {  	s22 =	spop (v2sf);
	s23 =	sshll.u32 s20, $0x4;
	v14 =	vbroadcast v35, $0x0;
	v36 =	vmov s21;
	(v2sf) =	vpush v2, $0x4;
	s30 =	sand.u32 $0xFFFFF000, s20  }
0x8a: {  	v32 =	vmul.f32 v21, v13;
	v33 =	vld [tilespmem:s31+$0x0];
	s24 =	sand.u32 $0xFFF0, s23;
	s25 =	sshll.u32 s22, $0x4;
	v37 =	vbroadcast v36, $0x0;
	v41 =	vmov s30  }
0x8b: {  	s20 =	sand.u32 $0xFFFFF000, s22;
	v7 =	vadd.f32 v7, v11;
	v8 =	vadd.f32 v8, v10;
	v12 =	vmul.f32 v24, v29;
	v38 =	vld [tilespmem:s24+$0x0];
	s28 =	sand.u32 $0xFFF0, s25  }
0x8c: {  	v11 =	vbroadcast v41, $0x0;
	v43 =	vmov s20;
	v34 =	vmul.f32 v26, v30;
	v40 =	vld [tilespmem:s28+$0x0];
	s26 =	spop (v2sf)  }
0x8d: {  	v3 =	vadd.f32 v32, v3;
	v4 =	vadd.f32 v12, v4;
	v39 =	vmul.f32 v31, v14;
	s29 =	sshll.u32 s26, $0x4  }
0x8e: {  	v16 =	vbroadcast v43, $0x0;
	v1 =	vadd.f32 v34, v1;
	(v2sf) =	vpush v0, $0x5;
	s31 =	spop (v2sf);
	s24 =	sand.u32 $0xFFFFF000, s26;
	s21 =	sand.u32 $0xFFF0, s29  }
0x8f: {  	v10 =	vmul.f32 v33, v37;
	v5 =	vadd.f32 v39, v5;
	(v2sf) =	vpush v2, $0x5;
	s25 =	spop (v2sf);
	s19 =	sand.u32 $0xFFFFF000, s31;
	v42 =	vld [tilespmem:s21+$0x0];
	s21 =	sshll.u32 s31, $0x4  }
0x90: {  	v11 =	vmul.f32 v38, v11;
	v45 =	vmov s24;
	(v2sf) =	vpush v0, $0x6;
	s20 =	spop (v2sf);
	s26 =	sshll.u32 s25, $0x4;
	s18 =	sand.u32 $0xFFFFF000, s25  }
0x91: {  	v6 =	vadd.f32 v10, v6;
	v47 =	vmul.f32 v40, v16;
	v48 =	vmov s19;
	s23 =	sand.u32 $0xFFF0, s21;
	s28 =	sand.u32 $0xFFF0, s26;
	s22 =	spop (v2sf)  }
0x92: {  	v46 =	vbroadcast v45, $0x0;
	v9 =	vadd.f32 v11, v9;
	s29 =	sshll.u32 s20, $0x4;
	v13 =	vbroadcast v48, $0x0;
	s26 =	sand.u32 $0xFFFFF000, s20;
	v44 =	vld [tilespmem:s23+$0x0];
	s31 =	sshll.u32 s22, $0x4  }
0x93: {  	v7 =	vadd.f32 v47, v7;
	v52 =	vmov s18;
	v49 =	vld [tilespmem:s28+$0x0];
	s30 =	sand.u32 $0xFFF0, s29;
	s21 =	spop (v2sf);
	(v2sf) =	vpush v2, $0x6;
	s24 =	sand.u32 $0xFFF0, s31  }
0x94: {  	v12 =	vbroadcast v52, $0x0;
	v54 =	vmov s26;
	v50 =	vld [tilespmem:s30+$0x0];
	s25 =	sshll.u32 s21, $0x4;
	s29 =	spop (v2sf);
	s30 =	sand.u32 $0xFFFFF000, s22;
	(v2sf) =	vpush v0, $0x7  }
0x95: {  	v15 =	vbroadcast v54, $0x0;
	s21 =	sand.u32 $0xFFFFF000, s21;
	v53 =	vld [tilespmem:s24+$0x0];
	s31 =	spop (v2sf);
	s24 =	sshll.u32 s29, $0x4;
	v56 =	vmov s30;
	(v2sf) =	vpush v2, $0x7  }
0x96: {  	s28 =	sand.u32 $0xFFF0, s25;
	v59 =	vmov s21;
	s29 =	sand.u32 $0xFFFFF000, s29;
	v10 =	vmul.f32 v42, v46;
	s25 =	sand.u32 $0xFFF0, s24;
	v57 =	vbroadcast v56, $0x0  }
0x97: {  	v55 =	vld [tilespmem:s28+$0x0];
	s26 =	sshll.u32 s31, $0x4;
	(v2sf) =	vpush v0, $0x8;
	v14 =	vbroadcast v59, $0x0;
	s30 =	sand.u32 $0xFFFFF000, s31;
	s31 =	spop (v2sf);
	v61 =	vmov s29  }
0x98: {  	v58 =	vld [tilespmem:s25+$0x0];
	s28 =	sand.u32 $0xFFF0, s26;
	(v2sf) =	vpush v2, $0x8;
	v62 =	vmov s30;
	s22 =	spop (v2sf);
	v63 =	vbroadcast v61, $0x0  }
0x99: {  	v8 =	vadd.f32 v10, v8;
	v51 =	vmul.f32 v44, v13;
	v12 =	vmul.f32 v49, v12;
	v60 =	vld [tilespmem:s28+$0x0];
	s28 =	sshll.u32 s31, $0x4;
	s29 =	sshll.u32 s22, $0x4  }
0x9a: {  	(v2sf) =	vpush v0, $0x9;
	v19 =	vbroadcast v62, $0x0;
	s31 =	sand.u32 $0xFFFFF000, s31;
	s18 =	sand.u32 $0xFFFFF000, s22;
	v11 =	vmul.f32 v50, v15;
	s19 =	sand.u32 $0xFFF0, s28  }
0x9b: {  	s21 =	sand.u32 $0xFFF0, s29;
	(v2sf) =	vpush v2, $0x9;
	v25 =	vmov s31;
	v27 =	vmov s18;
	v23 =	vld [tilespmem:s19+$0x0]  }
0x9c: {  	v3 =	vadd.f32 v51, v3;
	v10 =	vmul.f32 v53, v57;
	v4 =	vadd.f32 v12, v4;
	v24 =	vld [tilespmem:s21+$0x0]  }
0x9d: {  	v1 =	vadd.f32 v11, v1;
	v20 =	vmul.f32 v55, v14;
	v11 =	vbroadcast v25, $0x0;
	s30 =	spop (v2sf)  }
0x9e: {  	v14 =	vbroadcast v27, $0x0;
	v5 =	vadd.f32 v10, v5;
	v21 =	vmul.f32 v58, v63;
	s20 =	spop (v2sf);
	s24 =	sshll.u32 s30, $0x4  }
0x9f: {  	v22 =	vmul.f32 v60, v19;
	v6 =	vadd.f32 v20, v6;
	(v2sf) =	vpush v0, $0xA;
	s30 =	sand.u32 $0xFFFFF000, s30;
	s25 =	sand.u32 $0xFFF0, s24;
	s26 =	sshll.u32 s20, $0x4  }
0xa0: {  	v9 =	vadd.f32 v21, v9;
	s24 =	spop (v2sf);
	(v2sf) =	vpush v2, $0xA;
	v29 =	vmov s30;
	s20 =	sand.u32 $0xFFFFF000, s20;
	v26 =	vld [tilespmem:s25+$0x0];
	s28 =	sand.u32 $0xFFF0, s26  }
0xa1: {  	v11 =	vmul.f32 v23, v11;
	v10 =	vmul.f32 v24, v14;
	s29 =	sshll.u32 s24, $0x4;
	v32 =	vmov s20;
	v28 =	vld [tilespmem:s28+$0x0]  }
0xa2: {  	v7 =	vadd.f32 v22, v7;
	v31 =	vbroadcast v29, $0x0;
	s23 =	sand.u32 $0xFFFFF000, s24;
	s31 =	sand.u32 $0xFFF0, s29;
	v16 =	vbroadcast v32, $0x0;
	s21 =	spop (v2sf)  }
0xa3: {  	v33 =	vmov s23;
	v8 =	vadd.f32 v11, v8;
	v30 =	vld [tilespmem:s31+$0x0];
	(v2sf) =	vpush v0, $0xB;
	s22 =	sshll.u32 s21, $0x4;
	s24 =	spop (v2sf)  }
0xa4: {  	v10 =	vadd.f32 v10, v3;
	v18 =	vbroadcast v33, $0x0;
	(v2sf) =	vpush v2, $0xB;
	s25 =	sand.u32 $0xFFFFF000, s21;
	s26 =	spop (v2sf);
	s28 =	sshll.u32 s24, $0x4  }
0xa5: {  	s18 =	sand.u32 $0xFFF0, s22;
	(v2sf) =	vpush v0, $0xC;
	v37 =	vmov s25;
	v35 =	vmul.f32 v26, v31;
	s29 =	sand.u32 $0xFFF0, s28;
	s30 =	sshll.u32 s26, $0x4  }
0xa6: {  	v34 =	vld [tilespmem:s18+$0x0];
	s31 =	spop (v2sf);
	v40 =	vbroadcast v37, $0x0;
	s18 =	sand.u32 $0xFFFFF000, s24;
	(v2sf) =	vpush v2, $0xC;
	s25 =	sand.u32 $0xFFFFF000, s26;
	v36 =	vmul.f32 v28, v16  }
0xa7: {  	v41 =	vld [tilespmem:s29+$0x0];
	s21 =	sand.u32 $0xFFF0, s30;
	s23 =	sshll.u32 s31, $0x4;
	v43 =	vmov s18;
	(v2sf) =	vpush v0, $0xD;
	v45 =	vmov s25  }
0xa8: {  	s24 =	spop (v2sf);
	s30 =	sand.u32 $0xFFFFF000, s31;
	v38 =	vmul.f32 v30, v18;
	v4 =	vadd.f32 v35, v4;
	v42 =	vld [tilespmem:s21+$0x0];
	s21 =	sand.u32 $0xFFF0, s23;
	v13 =	vbroadcast v43, $0x0  }
0xa9: {  	s26 =	sshll.u32 s24, $0x4;
	s28 =	spop (v2sf);
	(v2sf) =	vpush v2, $0xD;
	v46 =	vbroadcast v45, $0x0;
	v48 =	vmov s30;
	v44 =	vld [tilespmem:s21+$0x0]  }
0xaa: {  	s19 =	sand.u32 $0xFFFFF000, s24;
	v39 =	vadd.f32 v36, v1;
	s29 =	sand.u32 $0xFFF0, s26;
	s31 =	sshll.u32 s28, $0x4;
	v16 =	vbroadcast v48, $0x0;
	(v2sf) =	vpush v0, $0xE  }
0xab: {  	s23 =	spop (v2sf);
	v50 =	vmov s19;
	s25 =	sand.u32 $0xFFFFF000, s28;
	v5 =	vadd.f32 v38, v5;
	v47 =	vld [tilespmem:s29+$0x0];
	s22 =	sand.u32 $0xFFF0, s31;
	(v2sf) =	vpush v2, $0xE  }
0xac: {  	s24 =	sshll.u32 s23, $0x4;
	v18 =	vbroadcast v50, $0x0;
	v51 =	vmov s25;
	s20 =	sand.u32 $0xFFFFF000, s23;
	v1 =	vmul.f32 v34, v40;
	v49 =	vld [tilespmem:s22+$0x0]  }
0xad: {  	v3 =	vld [tilespmem:s17+$0xFFFFFFB0];
	s18 =	sand.u32 $0xFFF0, s24;
	v53 =	vbroadcast v51, $0x0;
	v56 =	vmov s20;
	v13 =	vmul.f32 v41, v13  }
0xae: {  	v52 =	vld [tilespmem:s18+$0x0];
	v6 =	vadd.f32 v1, v6;
	v12 =	vmul.f32 v42, v46;
	s26 =	spop (v2sf);
	v14 =	vmul.f32 v44, v16  }
0xaf: {  	v1 =	vld [tilespmem:s17+$0x30];
	v9 =	vadd.f32 v13, v9;
	(v2sf) =	vpush v0, $0xF;
	v0 =	vbroadcast v56, $0x0;
	s28 =	sshll.u32 s26, $0x4;
	s29 =	spop (v2sf)  }
0xb0: {  	v7 =	vadd.f32 v12, v7;
	v54 =	vmul.f32 v47, v18;
	s23 =	sand.u32 $0xFFFFF000, s26;
	(v2sf) =	vpush v2, $0xF;
	s19 =	sand.u32 $0xFFF0, s28;
	s30 =	sshll.u32 s29, $0x4  }
0xb1: {  	v8 =	vadd.f32 v14, v8;
	v13 =	vmul.f32 v49, v53;
	v59 =	vmov s23;
	v55 =	vld [tilespmem:s19+$0x0];
	s19 =	sand.u32 $0xFFF0, s30  }
0xb2: {  	s18 =	sand.u32 $0xFFFFF000, s29;
	(v2sf) =	vpush v3, $0x0;
	v57 =	vadd.f32 v54, v10;
	v60 =	vbroadcast v59, $0x0;
	s31 =	spop (v2sf);
	v58 =	vld [tilespmem:s19+$0x0]  }
0xb3: {  	v61 =	vmov s18;
	v0 =	vmul.f32 v52, v0;
	v4 =	vadd.f32 v13, v4;
	s24 =	sshll.u32 s31, $0x4;
	s25 =	spop (v2sf);
	s30 =	sand.u32 $0xFFFFF000, s31  }
0xb4: {  	v63 =	vbroadcast v61, $0x0;
	(v2sf) =	vpush v1, $0x0;
	s28 =	sshll.u32 s25, $0x4;
	s29 =	spop (v2sf);
	v21 =	vmov s30;
	s21 =	sand.u32 $0xFFFFF000, s25  }
0xb5: {  	v0 =	vadd.f32 v0, v39;
	s26 =	sand.u32 $0xFFF0, s24;
	s18 =	sand.u32 $0xFFF0, s28;
	s31 =	sshll.u32 s29, $0x4;
	v22 =	vbroadcast v21, $0x0;
	v23 =	vmov s21  }
0xb6: {  	(v2sf) =	vpush v3, $0x1;
	v62 =	vld [tilespmem:s26+$0x0];
	s24 =	spop (v2sf);
	s25 =	sand.u32 $0xFFFFF000, s29;
	v13 =	vmul.f32 v55, v60;
	s23 =	sand.u32 $0xFFF0, s31;
	v25 =	vbroadcast v23, $0x0  }
0xb7: {  	v20 =	vld [tilespmem:s18+$0x0];
	s26 =	sshll.u32 s24, $0x4;
	v26 =	vmov s25;
	s28 =	spop (v2sf);
	(v2sf) =	vpush v1, $0x1;
	s18 =	sand.u32 $0xFFFFF000, s24;
	v10 =	vmul.f32 v58, v63  }
0xb8: {  	v24 =	vld [tilespmem:s23+$0x0];
	s20 =	sand.u32 $0xFFF0, s26;
	v27 =	vbroadcast v26, $0x0;
	s21 =	spop (v2sf);
	(v2sf) =	vpush v3, $0x2;
	v30 =	vmov s18  }
0xb9: {  	s29 =	sshll.u32 s28, $0x4;
	s25 =	sand.u32 $0xFFFFF000, s28;
	v5 =	vadd.f32 v13, v5;
	s24 =	spop (v2sf);
	(v2sf) =	vpush v1, $0x2;
	v32 =	vbroadcast v30, $0x0  }
0xba: {  	v29 =	vld [tilespmem:s20+$0x0];
	s30 =	sand.u32 $0xFFF0, s29;
	s31 =	sshll.u32 s21, $0x4;
	v34 =	vmov s25;
	s29 =	sand.u32 $0xFFFFF000, s21;
	v6 =	vadd.f32 v10, v6;
	(v2sf) =	vpush v3, $0x3  }
0xbb: {  	v31 =	vld [tilespmem:s30+$0x0];
	s23 =	sand.u32 $0xFFF0, s31;
	s26 =	spop (v2sf);
	s28 =	sshll.u32 s24, $0x4;
	v35 =	vmov s29;
	v11 =	vmul.f32 v62, v22;
	(v2sf) =	vpush v1, $0x3  }
0xbc: {  	v33 =	vld [tilespmem:s23+$0x0];
	s30 =	sand.u32 $0xFFF0, s28;
	v37 =	vbroadcast v35, $0x0;
	s23 =	sand.u32 $0xFFFFF000, s24;
	s25 =	sand.u32 $0xFFFFF000, s26;
	v28 =	vmul.f32 v20, v25;
	(v2sf) =	vpush v3, $0x4  }
0xbd: {  	s31 =	sshll.u32 s26, $0x4;
	v36 =	vld [tilespmem:s30+$0x0];
	v39 =	vmov s23;
	v41 =	vmov s25;
	v10 =	vmul.f32 v24, v27  }
0xbe: {  	s22 =	sand.u32 $0xFFF0, s31;
	v9 =	vadd.f32 v11, v9;
	v40 =	vbroadcast v39, $0x0;
	v42 =	vbroadcast v41, $0x0  }
0xbf: {  	v38 =	vld [tilespmem:s22+$0x0];
	v7 =	vadd.f32 v28, v7;
	v11 =	vmul.f32 v29, v32;
	s24 =	spop (v2sf);
	(v2sf) =	vpush v1, $0x4  }
0xc0: {  	v8 =	vadd.f32 v10, v8;
	v10 =	vbroadcast v34, $0x0;
	s26 =	spop (v2sf);
	(v2sf) =	vpush v3, $0x5  }
0xc1: {  	s28 =	sshll.u32 s24, $0x4;
	s21 =	sand.u32 $0xFFFFF000, s24;
	v12 =	vmul.f32 v33, v37;
	v2 =	vadd.f32 v11, v57;
	(v2sf) =	vpush v1, $0x5  }
0xc2: {  	s29 =	sand.u32 $0xFFF0, s28;
	s30 =	sshll.u32 s26, $0x4;
	v46 =	vmov s21;
	s23 =	sand.u32 $0xFFFFF000, s26;
	v10 =	vmul.f32 v31, v10;
	v44 =	vmul.f32 v36, v40  }
0xc3: {  	s22 =	spop (v2sf);
	v43 =	vld [tilespmem:s29+$0x0];
	s31 =	sand.u32 $0xFFF0, s30;
	(v2sf) =	vpush v3, $0x6;
	v13 =	vbroadcast v46, $0x0;
	v47 =	vmov s23  }
0xc4: {  	s25 =	sshll.u32 s22, $0x4;
	s30 =	sand.u32 $0xFFFFF000, s22;
	v0 =	vadd.f32 v12, v0;
	v45 =	vld [tilespmem:s31+$0x0];
	v11 =	vmul.f32 v38, v42;
	(v2sf) =	vpush v1, $0x6  }
0xc5: {  	s24 =	spop (v2sf);
	s26 =	sand.u32 $0xFFF0, s25;
	v48 =	vbroadcast v47, $0x0;
	v52 =	vmov s30;
	v4 =	vadd.f32 v10, v4  }
0xc6: {  	s28 =	sshll.u32 s24, $0x4;
	v5 =	vadd.f32 v44, v5;
	v49 =	vld [tilespmem:s26+$0x0];
	(v2sf) =	vpush v3, $0x7;
	s22 =	sand.u32 $0xFFFFF000, s24;
	v12 =	vbroadcast v52, $0x0  }
0xc7: {  	s29 =	sand.u32 $0xFFF0, s28;
	v6 =	vadd.f32 v11, v6;
	s31 =	spop (v2sf);
	(v2sf) =	vpush v1, $0x7;
	v53 =	vmov s22  }
0xc8: {  	v51 =	vld [tilespmem:s29+$0x0];
	s23 =	sshll.u32 s31, $0x4;
	(v2sf) =	vpush v3, $0x8;
	v54 =	vbroadcast v53, $0x0;
	s30 =	sand.u32 $0xFFFFF000, s31;
	v50 =	vmul.f32 v43, v13;
	s19 =	spop (v2sf)  }
0xc9: {  	s24 =	sand.u32 $0xFFF0, s23;
	(v2sf) =	vpush v1, $0x8;
	v58 =	vmov s30;
	v10 =	vmul.f32 v45, v48;
	s22 =	spop (v2sf)  }
0xca: {  	s25 =	sshll.u32 s19, $0x4;
	v55 =	vld [tilespmem:s24+$0x0];
	(v2sf) =	vpush v3, $0x9;
	s24 =	sand.u32 $0xFFFFF000, s19;
	v13 =	vbroadcast v58, $0x0;
	v9 =	vadd.f32 v50, v9;
	s29 =	sshll.u32 s22, $0x4  }
0xcb: {  	s26 =	sand.u32 $0xFFF0, s25;
	s28 =	spop (v2sf);
	v56 =	vmul.f32 v49, v12;
	(v2sf) =	vpush v1, $0x9;
	v60 =	vmov s24;
	s31 =	sand.u32 $0xFFF0, s29  }
0xcc: {  	v7 =	vadd.f32 v10, v7;
	v57 =	vld [tilespmem:s26+$0x0];
	s23 =	spop (v2sf);
	(v2sf) =	vpush v3, $0xA;
	s25 =	sshll.u32 s28, $0x4;
	s26 =	sand.u32 $0xFFFFF000, s22;
	v16 =	vbroadcast v60, $0x0  }
0xcd: {  	s28 =	sand.u32 $0xFFFFF000, s28;
	v11 =	vmul.f32 v51, v54;
	s20 =	spop (v2sf);
	(v2sf) =	vpush v1, $0xA;
	s18 =	sand.u32 $0xFFF0, s25;
	v61 =	vmov s26  }
0xce: {  	v59 =	vld [tilespmem:s31+$0x0];
	v8 =	vadd.f32 v56, v8;
	s29 =	sshll.u32 s23, $0x4;
	s22 =	spop (v2sf);
	(v2sf) =	vpush v3, $0xB;
	v17 =	vbroadcast v61, $0x0;
	s25 =	sshll.u32 s20, $0x4  }
0xcf: {  	v62 =	vld [tilespmem:s18+$0x0];
	s30 =	sand.u32 $0xFFF0, s29;
	s29 =	sand.u32 $0xFFFFF000, s23;
	s20 =	sand.u32 $0xFFFFF000, s20;
	(v2sf) =	vpush v1, $0xB;
	v2 =	vadd.f32 v11, v2;
	v63 =	vmul.f32 v55, v13  }
0xd0: {  	v20 =	vld [tilespmem:s30+$0x0];
	s30 =	sshll.u32 s22, $0x4;
	v22 =	vmov s29;
	s21 =	sand.u32 $0xFFFFF000, s22;
	v23 =	vmov s20;
	s24 =	spop (v2sf);
	(v2sf) =	vpush v3, $0xC  }
0xd1: {  	s31 =	sand.u32 $0xFFF0, s25;
	s23 =	sand.u32 $0xFFF0, s30;
	v13 =	vbroadcast v22, $0x0;
	v25 =	vbroadcast v23, $0x0;
	v27 =	vmov s21;
	s19 =	spop (v2sf)  }
0xd2: {  	v21 =	vld [tilespmem:s31+$0x0];
	v12 =	vmul.f32 v57, v16;
	v16 =	vmov s28;
	v4 =	vadd.f32 v63, v4;
	s26 =	sshll.u32 s24, $0x4;
	s20 =	sand.u32 $0xFFFFF000, s24;
	s25 =	spop (v2sf)  }
0xd3: {  	v18 =	vmul.f32 v59, v17;
	v19 =	vbroadcast v16, $0x0;
	s31 =	sand.u32 $0xFFF0, s26;
	s24 =	sshll.u32 s19, $0x4;
	v29 =	vmov s20;
	s28 =	spop (v2sf)  }
0xd4: {  	v24 =	vld [tilespmem:s23+$0x0];
	(v2sf) =	vpush v1, $0xC;
	s19 =	sand.u32 $0xFFFFF000, s19;
	v0 =	vadd.f32 v12, v0;
	s26 =	sand.u32 $0xFFF0, s24;
	v33 =	vbroadcast v29, $0x0;
	s29 =	spop (v2sf)  }
0xd5: {  	v26 =	vld [tilespmem:s31+$0x0];
	s31 =	sshll.u32 s25, $0x4;
	s25 =	sand.u32 $0xFFFFF000, s25;
	v36 =	vmov s19;
	v5 =	vadd.f32 v18, v5;
	v10 =	vmul.f32 v62, v19;
	s23 =	spop (v2sf)  }
0xd6: {  	(v2sf) =	vpush v3, $0xD;
	v12 =	vmul.f32 v20, v13;
	v28 =	vld [tilespmem:s26+$0x0];
	s21 =	sand.u32 $0xFFF0, s31;
	s22 =	sshll.u32 s28, $0x4;
	v13 =	vbroadcast v27, $0x0;
	s30 =	spop (v2sf)  }
0xd7: {  	v37 =	vmov s25;
	s25 =	sand.u32 $0xFFFFF000, s28;
	(v2sf) =	vpush v1, $0xD;
	v30 =	vld [tilespmem:s21+$0x0];
	v32 =	vmul.f32 v21, v25;
	s21 =	sshll.u32 s29, $0x4;
	s26 =	spop (v2sf)  }
0xd8: {  	s24 =	sand.u32 $0xFFF0, s22;
	v15 =	vbroadcast v37, $0x0;
	v38 =	vmov s25;
	v6 =	vadd.f32 v10, v6;
	s28 =	sand.u32 $0xFFF0, s21;
	s31 =	spop (v2sf)  }
0xd9: {  	s25 =	sand.u32 $0xFFFFF000, s29;
	(v2sf) =	vpush v3, $0xE;
	v31 =	vadd.f32 v12, v9;
	v35 =	vmul.f32 v24, v13;
	v40 =	vld [tilespmem:s28+$0x0];
	s28 =	sshll.u32 s23, $0x4;
	s18 =	spop (v2sf)  }
0xda: {  	v34 =	vld [tilespmem:s24+$0x0];
	v13 =	vbroadcast v36, $0x0;
	v41 =	vbroadcast v38, $0x0;
	v42 =	vmov s25;
	s29 =	sshll.u32 s30, $0x4;
	s23 =	sand.u32 $0xFFFFF000, s23;
	s24 =	spop (v2sf)  }
0xdb: {  	(v2sf) =	vpush v1, $0xE;
	v7 =	vadd.f32 v32, v7;
	v45 =	vbroadcast v42, $0x0;
	s30 =	sand.u32 $0xFFFFF000, s30;
	s25 =	sand.u32 $0xFFF0, s28;
	s22 =	spop (v2sf)  }
0xdc: {  	(v2sf) =	vpush v3, $0xF;
	v39 =	vmul.f32 v26, v33;
	v47 =	vmov s23;
	v44 =	vld [tilespmem:s25+$0x0];
	s25 =	sand.u32 $0xFFF0, s29;
	s29 =	sshll.u32 s26, $0x4;
	s19 =	spop (v2sf)  }
0xdd: {  	v51 =	vmov s30;
	v13 =	vmul.f32 v28, v13;
	v50 =	vbroadcast v47, $0x0;
	s26 =	sand.u32 $0xFFFFF000, s26;
	v46 =	vld [tilespmem:s25+$0x0];
	s25 =	sand.u32 $0xFFF0, s29;
	s20 =	spop (v2sf)  }
0xde: {  	v8 =	vadd.f32 v35, v8;
	v12 =	vbroadcast v51, $0x0;
	v15 =	vmul.f32 v30, v15;
	s29 =	sshll.u32 s31, $0x4;
	s31 =	sand.u32 $0xFFFFF000, s31;
	s21 =	spop (v2sf)  }
0xdf: {  	v2 =	vadd.f32 v39, v2;
	s30 =	sshll.u32 s18, $0x4;
	v53 =	vmov s26;
	s18 =	sand.u32 $0xFFFFF000, s18;
	v48 =	vld [tilespmem:s25+$0x0];
	s25 =	spop (v2sf);
	(v2sf) =	vpush v1, $0xF  }
0xe0: {  	v43 =	vmul.f32 v34, v41;
	v4 =	vadd.f32 v13, v4;
	s28 =	sand.u32 $0xFFF0, s29;
	v54 =	vmov s31;
	s31 =	sand.u32 $0xFFF0, s30;
	s30 =	sshll.u32 s24, $0x4  }
0xe1: {  	v56 =	vbroadcast v53, $0x0;
	v60 =	vmov s18;
	v0 =	vadd.f32 v15, v0;
	v57 =	vld [tilespmem:s31+$0x0];
	s29 =	sand.u32 $0xFFF0, s30;
	s31 =	sand.u32 $0xFFFFF000, s24;
	s30 =	sshll.u32 s22, $0x4  }
0xe2: {  	v49 =	vmul.f32 v40, v45;
	v52 =	vld [tilespmem:s28+$0x0];
	v58 =	vbroadcast v54, $0x0;
	v62 =	vmov s31;
	s31 =	sand.u32 $0xFFF0, s30  }
0xe3: {  	v21 =	vbroadcast v60, $0x0;
	v5 =	vadd.f32 v43, v5;
	s30 =	sshll.u32 s19, $0x4;
	s19 =	sand.u32 $0xFFFFF000, s19;
	v55 =	vmul.f32 v44, v50;
	v63 =	vld [tilespmem:s31+$0x0];
	s31 =	sand.u32 $0xFFFFF000, s22  }
0xe4: {  	v59 =	vld [tilespmem:s29+$0x0];
	s29 =	sand.u32 $0xFFF0, s30;
	v23 =	vbroadcast v62, $0x0;
	v25 =	vmov s19;
	v24 =	vmov s31;
	s31 =	sshll.u32 s20, $0x4;
	s20 =	sand.u32 $0xFFFFF000, s20  }
0xe5: {  	v1 =	vadd.f32 v49, v6;
	v12 =	vmul.f32 v46, v12;
	v22 =	vld [tilespmem:s29+$0x0];
	v29 =	vbroadcast v25, $0x0;
	s30 =	sand.u32 $0xFFF0, s31;
	s31 =	sshll.u32 s21, $0x4;
	s28 =	spop (v2sf)  }
0xe6: {  	v3 =	vadd.f32 v55, v31;
	v61 =	vmul.f32 v48, v56;
	v9 =	vbroadcast v24, $0x0;
	v26 =	vld [tilespmem:s30+$0x0];
	s29 =	sand.u32 $0xFFF0, s31;
	s30 =	sand.u32 $0xFFFFF000, s21;
	s31 =	sshll.u32 s25, $0x4  }
0xe7: {  	v27 =	vmov s20;
	v20 =	vmul.f32 v52, v58;
	v28 =	vld [tilespmem:s29+$0x0];
	v30 =	vmov s30;
	s29 =	sand.u32 $0xFFF0, s31;
	s30 =	sshll.u32 s28, $0x4  }
0xe8: {  	v7 =	vadd.f32 v12, v7;
	v11 =	vmul.f32 v57, v21;
	v35 =	vbroadcast v27, $0x0;
	s31 =	sand.u32 $0xFFFFF000, s25;
	s25 =	sand.u32 $0xFFFFF000, s28;
	s26 =	spop (v2sf)  }
0xe9: {  	v6 =	vadd.f32 v61, v8;
	v8 =	vmul.f32 v59, v23;
	v2 =	vadd.f32 v20, v2;
	s20 =	sand.u32 $0xFFF0, s30;
	s23 =	spop (v2sf);
	s28 =	sshll.u32 s26, $0x4  }
0xea: {  	v4 =	vadd.f32 v11, v4;
	v31 =	vld [tilespmem:s29+$0x0];
	v32 =	vmul.f32 v63, v9;
	v33 =	vmov s31;
	s31 =	sand.u32 $0xFFFFF000, s26;
	s24 =	spop (v2sf);
	s30 =	sshll.u32 s23, $0x4  }
0xeb: {  	v36 =	vmov s25;
	v37 =	vbroadcast v30, $0x0;
	v34 =	vld [tilespmem:s20+$0x0];
	v11 =	vmul.f32 v22, v29;
	s29 =	sand.u32 $0xFFF0, s28;
	s18 =	spop (v2sf);
	s25 =	sand.u32 $0xFFF0, s30  }
0xec: {  	v0 =	vadd.f32 v8, v0;
	v9 =	vbroadcast v33, $0x0;
	v42 =	vbroadcast v36, $0x0;
	v38 =	vld [tilespmem:s29+$0x0];
	s26 =	sshll.u32 s24, $0x4;
	s29 =	sand.u32 $0xFFFFF000, s23;
	s30 =	sand.u32 $0xFFFFF000, s24  }
0xed: {  	v5 =	vadd.f32 v32, v5;
	v39 =	vmov s31;
	v41 =	vmul.f32 v26, v35;
	s22 =	spop (v2sf);
	s28 =	sshll.u32 s18, $0x4;
	v40 =	vld [tilespmem:s25+$0x0];
	s20 =	sand.u32 $0xFFF0, s26  }
0xee: {  	v1 =	vadd.f32 v11, v1;
	v46 =	vbroadcast v39, $0x0;
	v8 =	vmul.f32 v28, v37;
	s21 =	sand.u32 $0xFFF0, s28;
	v44 =	vld [tilespmem:s20+$0x0];
	s24 =	sshll.u32 s22, $0x4;
	s31 =	spop (v2sf)  }
0xef: {  	v43 =	vmov s29;
	v47 =	vmov s30;
	v9 =	vmul.f32 v31, v9;
	v45 =	vld [tilespmem:s21+$0x0];
	s25 =	sand.u32 $0xFFF0, s24;
	s26 =	sshll.u32 s31, $0x4  }
0xf0: {  	s18 =	sand.u32 $0xFFFFF000, s18;
	v3 =	vadd.f32 v41, v3;
	v49 =	vbroadcast v43, $0x0;
	v53 =	vbroadcast v47, $0x0;
	v48 =	vld [tilespmem:s25+$0x0];
	s28 =	sand.u32 $0xFFF0, s26  }
0xf1: {  	s29 =	sand.u32 $0xFFFFF000, s22;
	v55 =	vmov s18;
	v7 =	vadd.f32 v8, v7;
	v51 =	vmul.f32 v34, v42;
	v50 =	vld [tilespmem:s28+$0x0]  }
0xf2: {  	v54 =	vmov s29;
	v57 =	vbroadcast v55, $0x0;
	v6 =	vadd.f32 v9, v6;
	s30 =	sand.u32 $0xFFFFF000, s31  }
0xf3: {  	v13 =	vbroadcast v54, $0x0;
	v52 =	vmul.f32 v38, v46;
	v56 =	vmov s30  }
0xf4: {  	v2 =	vadd.f32 v51, v2;
	v8 =	vmul.f32 v40, v49;
	v58 =	vbroadcast v56, $0x0  }
0xf5: {  	v4 =	vadd.f32 v52, v4;
	v59 =	vmul.f32 v44, v53;
	v60 =	vmul.f32 v48, v13  }
0xf6: {  	v0 =	vadd.f32 v8, v0;
	v61 =	vmul.f32 v45, v57;
	v62 =	vmul.f32 v50, v58  }
0xf7: {  	v5 =	vadd.f32 v59, v5;
	v3 =	vadd.f32 v60, v3  }
0xf8: {  	v1 =	vadd.f32 v61, v1;
	v7 =	vadd.f32 v62, v7  }
0xf9: {  	p0 =	sne.s32 s16, $0x3F80;
	v4 =	vadd.f32 v4, v6;
	v3 =	vadd.f32 v3, v5  }
.Ltmp0:
0xfa: {  	v0 =	vadd.f32 v0, v2;
	v1 =	vadd.f32 v7, v1;
	(pc) =	sbr.rel @p0 .LBB2_3-.Ltmp0, $4  }
0xfb: {  	v63 =	vadd.f32 v3, v4  }
0xfc: {  	s31 =	sshra.s32 s16, $0x2;
	v0 =	vadd.f32 v1, v0  }
0xfd: {  	[tilespmem:s31+$0x18000] =	vst v63  }
0xfe: {  	s17 =	sadd.s32 $0x100, s17;
	s16 =	sadd.s32 $0x80, s16;
	[tilespmem:s31+$0x18010] =	vst v0  }
0xff: {  	s14 =	sadd.s32 $0x1, s14  }
0x100: {  	p0 =	sne.s32 s14, $0x4  }
.Ltmp1:
0x101: {  	s15 =	sadd.s32 s15, s6;
	(pc) =	sbr.rel @p0 .LBB2_2-.Ltmp1, $4  }
0x102: {  	[hbm4b:s15+s8] =	stream.strided.scatter [tilespmem:s12], [sflag:$0x1], $0x1000, s9, s8, $0x38;
	[tilespmem:$0x19000] =	vst v63  }
0x103: {  	_ =	swait.ge [sflag:s10], $0x1000  }
0x104: {  	[sflag:s10] =	ssyncset.done $0x0  }
0x105: {  	[sflag:s10] =	ssyncadd.s32 $0xFFFFF000  }
0x106: {  	s13 =	sadd.s32 $0x1, s13  }
0x107: {  	p0 =	sne.s32 s13, s7  }
.Ltmp2:
0x108: {  	_ = 	snop;
	(pc) =	sbr.rel @p0 .LBB2_1-.Ltmp2, $1  }
0x109: {  	_ =	sdelay $0x3  }
0x10a: {  	_ =	sfence.sel $0x180000  }
0x10b: {  	[bflag:$0x0] =	sbarrier.arrive $0xFFFF  }
0x10c: {  	p0 =	sne.s32 s0, $0x0;
	_ =	strace $0x9000004A  }
0x10d: {  	s0 =	sadd.s32 @!p0 $0x100000, s1;
	[bflag:$0x2] =	sbarrier.arrive $0xFFFF  }
0x10e: {  	[sflag:s0] =	ssyncadd.tile.s32 @!p0 $0x1;
	_ =	shalt  }
.Lfunc_end2:
_tile_overlayer_lowered:
.L_overlay_start_2:
0x10f: {  	(tag) =	ssettag $0x2  }
0x110: {  	s0 =	rddreg [dreg:$0x0];
	s2 =	stileid.u32  }
0x111: {  	s1 =	rddreg [dreg:$0x1];
	p0 =	sne.s32 s2, $0x0  }
0x112: {  	s3 =	rddreg [dreg:$0x2];
	[bflag:$0x3] =	sbarrier.arrive $0xFFFF;
	s2 =	simm.s32 @!p0 $0x1C01  }
0x113: {  	[timem:s3], [sflag:s2] =	dma.local @!p0 [hbm:s0], s1  }
0x114: {  	s0 =	simm.s32 @!p0 $0x1  }
0x115: {  	_ =	swait.ge @!p0 [sflag:s0], s1  }
0x116: {  	s1 =	ssub.s32 @!p0 $0x0, s1;
	[sflag:s0] =	ssyncset.done @!p0 $0x0  }
0x117: {  	[sflag:s0] =	ssyncadd.s32 @!p0 s1  }
0x118: {  	[bflag:$0x3] =	sbarrier.arrive $0xFFFF  }
0x119: {  	_ =	shalt  }

</sc_bundles>
